<compile_context>
chip_gen: v7x
topology: tpu7x:2x2x1
jax: 0.10.2.dev20260603
libtpu: 0.0.44.dev20260713+nightly
codegen_flags: <defaults>
</compile_context>

<pallas_src>
import functools

import jax
import jax.numpy as jnp
from jax import lax
from jax.experimental import pallas as pl
from jax.experimental.pallas import tpu as pltpu
from jax.experimental.pallas import tpu_sc as plsc

T = 2048
H = 768
NH = 12
NKV = 4
DH = 64
E = 64
K = 2
F = 384
ROT = 32
BASE = 1000000.0
EPS = 1e-5

BT = 256
BLK = 32
TKALLOC = 6144
NBLKS = TKALLOC // BLK
NHEADS_ALL = NH + 2 * NKV

_SC_NC = 2
_SC_NS = 16


def _k1_body(hid_ref, lnw_ref, w_ref, qnw_ref, knw_ref, cosA_ref, sinA_ref,
             out_ref):
    hb = hid_ref[...]
    v = jnp.mean(hb * hb, axis=-1, keepdims=True)
    hn = hb * lax.rsqrt(v + EPS) * lnw_ref[...]
    y = jnp.dot(hn, w_ref[...], preferred_element_type=jnp.float32)
    cA = cosA_ref[...]
    sA = sinA_ref[...]
    half = ROT // 2
    rr = lax.broadcasted_iota(jnp.int32, (DH, DH), 0)
    cc = lax.broadcasted_iota(jnp.int32, (DH, DH), 1)
    P = (jnp.where((cc >= half) & (cc < ROT) & (rr == cc - half), 1.0, 0.0)
         - jnp.where((cc < half) & (rr == cc + half), 1.0, 0.0))
    for j in range(NHEADS_ALL):
        yj = y[:, j * DH:(j + 1) * DH]
        if j < NH + NKV:
            nw = qnw_ref[...] if j < NH else knw_ref[...]
            vr = jnp.mean(yj * yj, axis=-1, keepdims=True)
            yn = yj * lax.rsqrt(vr + EPS) * nw
            ysw = jnp.dot(yn, P, preferred_element_type=jnp.float32)
            out_ref[j] = yn * cA + ysw * sA
        else:
            out_ref[j] = yj


def _run_k1(hidden, input_ln_w, Wqkv, q_norm_w, k_norm_w, cos, sin):
    ones = jnp.ones((T, DH - ROT), jnp.float32)
    cosA = jnp.concatenate([cos, cos, ones], axis=1)
    sinA = jnp.concatenate([sin, sin, 0.0 * ones], axis=1)
    return pl.pallas_call(
        _k1_body,
        grid=(T // BT,),
        in_specs=[
            pl.BlockSpec((BT, H), lambda i: (i, 0)),
            pl.BlockSpec((1, H), lambda i: (0, 0)),
            pl.BlockSpec((H, NHEADS_ALL * DH), lambda i: (0, 0)),
            pl.BlockSpec((1, DH), lambda i: (0, 0)),
            pl.BlockSpec((1, DH), lambda i: (0, 0)),
            pl.BlockSpec((BT, DH), lambda i: (i, 0)),
            pl.BlockSpec((BT, DH), lambda i: (i, 0)),
        ],
        out_specs=pl.BlockSpec((NHEADS_ALL, BT, DH), lambda i: (0, i, 0)),
        out_shape=jax.ShapeDtypeStruct((NHEADS_ALL, T, DH), jnp.float32),
    )(hidden, input_ln_w[None, :], Wqkv, q_norm_w[None, :], k_norm_w[None, :],
      cosA, sinA)


BQ = 512
BK = 512


def _norm_rope(x, nw, c, s):
    half = ROT // 2
    v = jnp.mean(x * x, axis=-1, keepdims=True)
    xn = x * lax.rsqrt(v + EPS) * nw
    x1 = xn[:, 0:half]
    x2 = xn[:, half:ROT]
    return jnp.concatenate([x1 * c - x2 * s, x2 * c + x1 * s, xn[:, ROT:]],
                           axis=-1)


def _k2_body(q_ref, k_ref, v_ref, o_ref):
    qi = pl.program_id(1)
    q = q_ref[0] * (DH ** -0.5)
    grows = qi * BQ + lax.broadcasted_iota(jnp.int32, (BQ, BK), 0)
    cols = lax.broadcasted_iota(jnp.int32, (BQ, BK), 1)

    def body(j, carry):
        l, acc = carry
        kj = k_ref[0, pl.ds(j * BK, BK), :]
        vj = v_ref[0, pl.ds(j * BK, BK), :]
        s = lax.dot_general(q, kj, (((1,), (1,)), ((), ())),
                            preferred_element_type=jnp.float32)
        s = jnp.where(j * BK + cols > grows, -1e30, jnp.minimum(s, 60.0))
        p = jnp.exp(s)
        l_new = l + jnp.sum(p, axis=-1, keepdims=True)
        acc_new = acc + jnp.dot(p, vj, preferred_element_type=jnp.float32)
        return l_new, acc_new

    l0 = jnp.zeros((BQ, 1), jnp.float32)
    a0 = jnp.zeros((BQ, DH), jnp.float32)
    l, acc = lax.fori_loop(0, ((qi + 1) * BQ + BK - 1) // BK, body, (l0, a0))
    o_ref[0] = acc / l


def _run_k2(qkv3):
    g = NH // NKV
    return pl.pallas_call(
        _k2_body,
        grid=(NH, T // BQ),
        in_specs=[
            pl.BlockSpec((1, BQ, DH), lambda h, i: (h, i, 0)),
            pl.BlockSpec((1, T, DH), lambda h, i: (NH + h // g, 0, 0)),
            pl.BlockSpec((1, T, DH), lambda h, i: (NH + NKV + h // g, 0, 0)),
        ],
        out_specs=pl.BlockSpec((1, BQ, DH), lambda h, i: (h, i, 0)),
        out_shape=jax.ShapeDtypeStruct((NH, T, DH), jnp.float32),
    )(qkv3, qkv3, qkv3)


def _k3_body(o3_ref, wo3_ref, hid_ref, plw_ref, gw_ref, eb_ref,
             res2_ref, x_ref, id1_ref, id2_ref, w1_ref, w2_ref,
             r0_ref, r1_ref, cnt0_ref, cnt1_ref):
    i = pl.program_id(0)

    @pl.when(i == 0)
    def _():
        cnt0_ref[...] = jnp.zeros((1, E), jnp.float32)
        cnt1_ref[...] = jnp.zeros((1, E), jnp.float32)

    acc = jnp.zeros((BT, H), jnp.float32)
    for h in range(NH):
        acc = acc + jnp.dot(o3_ref[h], wo3_ref[h],
                            preferred_element_type=jnp.float32)
    h2 = hid_ref[...] + acc
    res2_ref[...] = h2
    v = jnp.mean(h2 * h2, axis=-1, keepdims=True)
    x = h2 * lax.rsqrt(v + EPS) * plw_ref[...]
    x_ref[...] = x
    sc = jax.nn.sigmoid(jnp.dot(x, gw_ref[...],
                                preferred_element_type=jnp.float32))
    corr = sc + eb_ref[...]
    lane = lax.broadcasted_iota(jnp.int32, (BT, E), 1)
    m1 = jnp.max(corr, axis=-1, keepdims=True)
    i1 = jnp.min(jnp.where(corr == m1, lane, E), axis=-1, keepdims=True)
    oh1 = lane == i1
    corr2 = jnp.where(oh1, -1e30, corr)
    m2 = jnp.max(corr2, axis=-1, keepdims=True)
    i2 = jnp.min(jnp.where(corr2 == m2, lane, E), axis=-1, keepdims=True)
    oh2 = lane == i2
    s1 = jnp.sum(jnp.where(oh1, sc, 0.0), axis=-1, keepdims=True)
    s2 = jnp.sum(jnp.where(oh2, sc, 0.0), axis=-1, keepdims=True)
    tot = s1 + s2
    id1_ref[...] = jnp.broadcast_to(i1, (BT, 128))
    id2_ref[...] = jnp.broadcast_to(i2, (BT, 128))
    w1_ref[...] = jnp.broadcast_to(s1 / tot, (BT, 128))
    w2_ref[...] = jnp.broadcast_to(s2 / tot, (BT, 128))
    tri = (lax.broadcasted_iota(jnp.int32, (BT, BT), 0)
           > lax.broadcasted_iota(jnp.int32, (BT, BT), 1)).astype(jnp.float32)
    oh1f = oh1.astype(jnp.float32)
    oh2f = oh2.astype(jnp.float32)
    in0 = jnp.sum(jnp.dot(tri, oh1f, preferred_element_type=jnp.float32)
                  * oh1f, axis=1, keepdims=True)
    in1 = jnp.sum(jnp.dot(tri, oh2f, preferred_element_type=jnp.float32)
                  * oh2f, axis=1, keepdims=True)
    base0 = jnp.sum(cnt0_ref[...] * oh1f, axis=1, keepdims=True)
    base1 = jnp.sum(cnt1_ref[...] * oh2f, axis=1, keepdims=True)
    r0_ref[...] = jnp.broadcast_to(in0 + base0, (BT, 128))
    r1_ref[...] = jnp.broadcast_to(in1 + base1, (BT, 128))
    cnt0_ref[...] = cnt0_ref[...] + jnp.sum(oh1f, axis=0, keepdims=True)
    cnt1_ref[...] = cnt1_ref[...] + jnp.sum(oh2f, axis=0, keepdims=True)


def _run_k3(o3, Wo, hidden, post_ln_w, gate_w, e_bias):
    wo3 = Wo.reshape(NH, DH, H)
    return pl.pallas_call(
        _k3_body,
        grid=(T // BT,),
        in_specs=[
            pl.BlockSpec((NH, BT, DH), lambda i: (0, i, 0)),
            pl.BlockSpec((NH, DH, H), lambda i: (0, 0, 0)),
            pl.BlockSpec((BT, H), lambda i: (i, 0)),
            pl.BlockSpec((1, H), lambda i: (0, 0)),
            pl.BlockSpec((H, E), lambda i: (0, 0)),
            pl.BlockSpec((1, E), lambda i: (0, 0)),
        ],
        out_specs=[
            pl.BlockSpec((BT, H), lambda i: (i, 0)),
            pl.BlockSpec((BT, H), lambda i: (i, 0)),
            pl.BlockSpec((BT, 128), lambda i: (i, 0)),
            pl.BlockSpec((BT, 128), lambda i: (i, 0)),
            pl.BlockSpec((BT, 128), lambda i: (i, 0)),
            pl.BlockSpec((BT, 128), lambda i: (i, 0)),
            pl.BlockSpec((BT, 128), lambda i: (i, 0)),
            pl.BlockSpec((BT, 128), lambda i: (i, 0)),
        ],
        out_shape=[
            jax.ShapeDtypeStruct((T, H), jnp.float32),
            jax.ShapeDtypeStruct((T, H), jnp.float32),
            jax.ShapeDtypeStruct((T, 128), jnp.int32),
            jax.ShapeDtypeStruct((T, 128), jnp.int32),
            jax.ShapeDtypeStruct((T, 128), jnp.float32),
            jax.ShapeDtypeStruct((T, 128), jnp.float32),
            jax.ShapeDtypeStruct((T, 128), jnp.float32),
            jax.ShapeDtypeStruct((T, 128), jnp.float32),
        ],
        scratch_shapes=[
            pltpu.VMEM((1, E), jnp.float32),
            pltpu.VMEM((1, E), jnp.float32),
        ],
    )(o3, wo3, hidden, post_ln_w[None, :], gate_w, e_bias[None, :])


def _k3b_body(x_ref, swg_ref, swu_ref, swd_ref, sh_ref):
    x = x_ref[...]
    g = jnp.dot(x, swg_ref[...], preferred_element_type=jnp.float32)
    u = jnp.dot(x, swu_ref[...], preferred_element_type=jnp.float32)
    sh_ref[...] = jnp.dot(jax.nn.silu(g) * u, swd_ref[...],
                          preferred_element_type=jnp.float32)


def _run_k3b(x, sWg, sWu, sWd):
    return pl.pallas_call(
        _k3b_body,
        grid=(T // BT,),
        in_specs=[
            pl.BlockSpec((BT, H), lambda i: (i, 0)),
            pl.BlockSpec((H, F), lambda i: (0, 0)),
            pl.BlockSpec((H, F), lambda i: (0, 0)),
            pl.BlockSpec((F, H), lambda i: (0, 0)),
        ],
        out_specs=pl.BlockSpec((BT, H), lambda i: (i, 0)),
        out_shape=jax.ShapeDtypeStruct((T, H), jnp.float32),
    )(x, sWg, sWu, sWd)


def _sc_gather(table, idx, nrows, ncols):
    nw = _SC_NC * _SC_NS
    per_w = nrows // nw
    chunk = min(per_w, 64)
    nchunks = per_w // chunk
    assert per_w % chunk == 0 and nrows % (8 * nw) == 0

    def body(table_hbm, idx_hbm, out_hbm, idx_v, rows0, rows1,
             gsem0, gsem1, osem0, osem1):
        wid = lax.axis_index("s") * _SC_NC + lax.axis_index("c")
        base = wid * per_w
        pltpu.sync_copy(idx_hbm.at[pl.ds(base, per_w)], idx_v)
        bufs = (rows0, rows1)
        gsems = (gsem0, gsem1)
        osems = (osem0, osem1)
        gh = [None] * nchunks
        oh = [None] * nchunks
        for c in range(nchunks):
            b = c % 2
            if c >= 2:
                oh[c - 2].wait()
            gh[c] = pltpu.async_copy(
                table_hbm.at[idx_v.at[pl.ds(c * chunk, chunk)]],
                bufs[b], gsems[b])
            if c >= 1:
                gh[c - 1].wait()
                oh[c - 1] = pltpu.async_copy(
                    bufs[(c - 1) % 2],
                    out_hbm.at[pl.ds(base + (c - 1) * chunk, chunk)],
                    osems[(c - 1) % 2])
        gh[nchunks - 1].wait()
        oh[nchunks - 1] = pltpu.async_copy(
            bufs[(nchunks - 1) % 2],
            out_hbm.at[pl.ds(base + (nchunks - 1) * chunk, chunk)],
            osems[(nchunks - 1) % 2])
        if nchunks >= 2:
            oh[nchunks - 2].wait()
        oh[nchunks - 1].wait()

    fn = functools.partial(
        pl.kernel,
        out_type=jax.ShapeDtypeStruct((nrows, ncols), jnp.float32),
        mesh=plsc.VectorSubcoreMesh(core_axis_name="c", subcore_axis_name="s"),
        scratch_types=[
            pltpu.VMEM((per_w,), jnp.int32),
            pltpu.VMEM((chunk, ncols), jnp.float32),
            pltpu.VMEM((chunk, ncols), jnp.float32),
            pltpu.SemaphoreType.DMA,
            pltpu.SemaphoreType.DMA,
            pltpu.SemaphoreType.DMA,
            pltpu.SemaphoreType.DMA,
        ],
    )(body)
    return fn(table, idx)


def _sc_dispatch_scatter(x, idxw):
    nw = _SC_NC * _SC_NS
    per_w = T // nw

    def body(x_hbm, idx_hbm, out_hbm, rows_v, idx_v, s0, s1):
        wid = lax.axis_index("s") * _SC_NC + lax.axis_index("c")
        pltpu.sync_copy(idx_hbm.at[wid], idx_v)
        pltpu.sync_copy(x_hbm.at[pl.ds(wid * per_w, per_w)], rows_v)
        h0 = pltpu.async_copy(rows_v, out_hbm.at[idx_v.at[0]], s0)
        h1 = pltpu.async_copy(rows_v, out_hbm.at[idx_v.at[1]], s1)
        h0.wait()
        h1.wait()

    fn = functools.partial(
        pl.kernel,
        out_type=jax.ShapeDtypeStruct((TKALLOC, H), jnp.float32),
        mesh=plsc.VectorSubcoreMesh(core_axis_name="c", subcore_axis_name="s"),
        scratch_types=[
            pltpu.VMEM((per_w, H), jnp.float32),
            pltpu.VMEM((K, per_w), jnp.int32),
            pltpu.SemaphoreType.DMA,
            pltpu.SemaphoreType.DMA,
        ],
    )(body)
    return fn(x, idxw)


def _k4_body(bmap_ref, nused_ref, xs_ref, wg_ref, wu_ref, wd_ref, ys_ref):
    b = pl.program_id(0)

    @pl.when(b < nused_ref[0])
    def _():
        rows = xs_ref[...]
        g = jnp.dot(rows, wg_ref[0], preferred_element_type=jnp.float32)
        u = jnp.dot(rows, wu_ref[0], preferred_element_type=jnp.float32)
        ys_ref[...] = jnp.dot(jax.nn.silu(g) * u, wd_ref[0],
                              preferred_element_type=jnp.float32)


def _run_k4(xs, eWg, eWu, eWd, bmap, nused):
    grid_spec = pltpu.PrefetchScalarGridSpec(
        num_scalar_prefetch=2,
        grid=(NBLKS,),
        in_specs=[
            pl.BlockSpec((BLK, H),
                         lambda b, bm, nu: (jnp.minimum(b, nu[0] - 1), 0)),
            pl.BlockSpec((1, H, F), lambda b, bm, nu: (bm[b], 0, 0)),
            pl.BlockSpec((1, H, F), lambda b, bm, nu: (bm[b], 0, 0)),
            pl.BlockSpec((1, F, H), lambda b, bm, nu: (bm[b], 0, 0)),
        ],
        out_specs=pl.BlockSpec((BLK, H),
                               lambda b, bm, nu: (jnp.minimum(b, nu[0] - 1), 0)),
    )
    return pl.pallas_call(
        _k4_body,
        grid_spec=grid_spec,
        out_shape=jax.ShapeDtypeStruct((TKALLOC, H), jnp.float32),
    )(bmap, nused, xs, eWg, eWu, eWd)


def _k5_body(res2_ref, sh_ref, y0_ref, y1_ref, w1_ref, w2_ref, out_ref):
    w1 = w1_ref[:, 0:1]
    w2 = w2_ref[:, 0:1]
    out_ref[...] = (res2_ref[...] + sh_ref[...]
                    + w1 * y0_ref[...] + w2 * y1_ref[...])


def _run_k5(res2, shared, ykflat, w1b, w2b):
    return pl.pallas_call(
        _k5_body,
        grid=(T // BT,),
        in_specs=[
            pl.BlockSpec((BT, H), lambda i: (i, 0)),
            pl.BlockSpec((BT, H), lambda i: (i, 0)),
            pl.BlockSpec((BT, H), lambda i: (i, 0)),
            pl.BlockSpec((BT, H), lambda i: (i + T // BT, 0)),
            pl.BlockSpec((BT, 128), lambda i: (i, 0)),
            pl.BlockSpec((BT, 128), lambda i: (i, 0)),
        ],
        out_specs=pl.BlockSpec((BT, H), lambda i: (i, 0)),
        out_shape=jax.ShapeDtypeStruct((T, H), jnp.float32),
    )(res2, shared, ykflat, ykflat, w1b, w2b)


def kernel(hidden_states, positions, input_ln_w, post_ln_w, Wqkv, q_norm_w,
           k_norm_w, Wo, gate_w, e_bias, sWg, sWu, sWd, eWg, eWu, eWd):
    half = ROT // 2
    inv = 1.0 / (BASE ** (jnp.arange(0, ROT, 2, dtype=jnp.float32) / ROT))
    fr = positions.astype(jnp.float32)[:, None] * inv[None, :]
    cos = jnp.cos(fr)
    sin = jnp.sin(fr)

    qkv3 = _run_k1(hidden_states, input_ln_w, Wqkv, q_norm_w, k_norm_w,
                   cos, sin)
    o3 = _run_k2(qkv3)
    (res2, x, id1b, id2b, w1b, w2b, r0b, r1b) = _run_k3(
        o3, Wo, hidden_states, post_ln_w, gate_w, e_bias)

    TK = T * K
    nw = _SC_NC * _SC_NS
    ef = jnp.concatenate([id1b[:, 0], id2b[:, 0]])
    ohf = (ef[:, None] == jnp.arange(E, dtype=ef.dtype)[None, :]).astype(
        jnp.float32)
    counts = jnp.sum(ohf, axis=0).astype(jnp.int32)
    counts0 = jnp.sum(ohf[:T], axis=0)
    cpad = (counts + (BLK - 1)) // BLK * BLK
    offs = jnp.concatenate([jnp.zeros((1,), counts.dtype), jnp.cumsum(cpad)])
    rank = jnp.concatenate(
        [r0b[:, 0], r1b[:, 0] + jnp.einsum("pe,e->p", ohf[T:], counts0)])
    segbase = jnp.einsum("pe,e->p", ohf, offs[:E].astype(jnp.float32))
    posofpair = (segbase + rank).astype(jnp.int32)
    idxw = jnp.stack([posofpair[:T].reshape(nw, T // nw),
                      posofpair[T:].reshape(nw, T // nw)], axis=1)
    nused_blocks = (offs[E] // BLK).astype(jnp.int32)
    bstart = jnp.arange(NBLKS, dtype=offs.dtype)[:, None] * BLK
    braw = jnp.sum((offs[None, 1:] <= bstart).astype(jnp.int32), axis=1)
    blast = braw[jnp.maximum(nused_blocks - 1, 0)]
    bmap = jnp.where(jnp.arange(NBLKS) < nused_blocks, braw, blast)
    bmap = jnp.clip(bmap, 0, E - 1).astype(jnp.int32)

    xs = _sc_dispatch_scatter(x, idxw)
    shared = _run_k3b(x, sWg, sWu, sWd)
    ys = _run_k4(xs, eWg, eWu, eWd, bmap, nused_blocks[None])
    ykflat = _sc_gather(ys, posofpair, TK, H)

    return _run_k5(res2, shared, ykflat, w1b, w2b)

# --- scband reference (transcript-rebuilt; emitter-appended) ---
"""Pipeline reference for scband-glm4-moe-decoder-layer-27582279975512 (READ-ONLY COPY).

The authoritative reference and input builder live on the scoring server;
editing this copy changes nothing except your own understanding.
"""

import jax, jax.numpy as jnp
import numpy as np

T = 2048; H = 768; NH = 12; NKV = 4; DH = 64
E = 64; K = 2; F = 384; ROT = 32; BASE = 1000000.0; EPS = 1e-5; RSF = 1.0

def rms_norm(x, w, eps=EPS):
    x32 = x.astype(jnp.float32)
    v = jnp.mean(x32 * x32, axis=-1, keepdims=True)
    return (x32 * jax.lax.rsqrt(v + eps)) * w

def apply_rope(x, positions):
    half = ROT // 2
    inv = 1.0 / (BASE ** (jnp.arange(0, ROT, 2, dtype=jnp.float32) / ROT))
    fr = positions.astype(jnp.float32)[:, None] * inv[None, :]
    cos = jnp.cos(fr)[:, None, :]; sin = jnp.sin(fr)[:, None, :]
    xr = x[..., :ROT]; xp = x[..., ROT:]
    x1 = xr[..., :half]; x2 = xr[..., half:]
    return jnp.concatenate([x1 * cos - x2 * sin, x2 * cos + x1 * sin, xp], axis=-1)

def mlp(x, Wg, Wu, Wd):
    return (jax.nn.silu(x @ Wg) * (x @ Wu)) @ Wd

def attn(h, positions, Wqkv, qnw, knw, Wo):
    qkv = h @ Wqkv
    q = qkv[:, :NH * DH].reshape(T, NH, DH)
    k = qkv[:, NH * DH:NH * DH + NKV * DH].reshape(T, NKV, DH)
    v = qkv[:, NH * DH + NKV * DH:].reshape(T, NKV, DH)
    q = rms_norm(q, qnw); k = rms_norm(k, knw)
    q = apply_rope(q, positions); k = apply_rope(k, positions)
    k = jnp.repeat(k, NH // NKV, axis=1); v = jnp.repeat(v, NH // NKV, axis=1)
    scores = jnp.einsum('tnd,snd->nts', q, k) * (DH ** -0.5)
    mask = jnp.tril(jnp.ones((T, T), dtype=bool))
    scores = jnp.where(mask[None, :, :], scores, -1e30)
    p = jax.nn.softmax(scores, axis=-1)
    o = jnp.einsum('nts,snd->tnd', p, v).reshape(T, NH * DH)
    return o @ Wo

def setup_inputs(seed: int = 0):
    key = jax.random.key(seed)
    ks = jax.random.split(key, 16)
    s = 0.02
    return {
        'hidden_states': jax.random.normal(ks[0], (T, H), jnp.float32),
        'positions': jnp.arange(T, dtype=jnp.int32),
        'input_ln_w': jnp.ones((H,), jnp.float32),
        'post_ln_w': jnp.ones((H,), jnp.float32),
        'Wqkv': jax.random.normal(ks[1], (H, (NH + 2 * NKV) * DH), jnp.float32) * s,
        'q_norm_w': jnp.ones((DH,), jnp.float32),
        'k_norm_w': jnp.ones((DH,), jnp.float32),
        'Wo': jax.random.normal(ks[2], (NH * DH, H), jnp.float32) * s,
        'gate_w': jax.random.normal(ks[3], (H, E), jnp.float32) * s,
        'e_bias': jax.random.normal(ks[4], (E,), jnp.float32) * 0.01,
        'sWg': jax.random.normal(ks[5], (H, F), jnp.float32) * s,
        'sWu': jax.random.normal(ks[6], (H, F), jnp.float32) * s,
        'sWd': jax.random.normal(ks[7], (F, H), jnp.float32) * s,
        'eWg': jax.random.normal(ks[8], (E, H, F), jnp.float32) * s,
        'eWu': jax.random.normal(ks[9], (E, H, F), jnp.float32) * s,
        'eWd': jax.random.normal(ks[10], (E, F, H), jnp.float32) * s,
    }

def reference(hidden_states, positions, input_ln_w, post_ln_w, Wqkv, q_norm_w, k_norm_w, Wo, gate_w, e_bias, sWg, sWu, sWd, eWg, eWu, eWd):
    res = hidden_states
    h = rms_norm(hidden_states, input_ln_w)
    h = attn(h, positions, Wqkv, q_norm_w, k_norm_w, Wo)
    h = res + h
    res2 = h
    x = rms_norm(h, post_ln_w)
    # Glm4MoE: sigmoid scoring + e_score_correction_bias for selection (n_group=topk_group=1 -> plain top-k)
    scores = jax.nn.sigmoid(x.astype(jnp.float32) @ gate_w)
    corr = scores + e_bias[None, :]
    _, topk_ids = jax.lax.top_k(corr, K)
    topk_w = jnp.take_along_axis(scores, topk_ids, axis=-1)
    topk_w = topk_w / jnp.sum(topk_w, axis=-1, keepdims=True)  # norm_topk_prob
    shared = mlp(x, sWg, sWu, sWd)
    out = jnp.zeros((T, H), jnp.float32)
    for e in range(E):
        w_e = jnp.sum(jnp.where(topk_ids == e, topk_w, 0.0), axis=-1)
        ye = mlp(x, eWg[e], eWu[e], eWd[e]) * w_e[:, None]
        out = out + ye
    return res2 + out * RSF + shared

if __name__ == "__main__":
    import jax
    _d = setup_inputs()
    print(jax.jit(kernel)(*tuple(_d.values())))

</pallas_src>

<mosaic_0001>
#map = affine_map<(d0, d1) -> (0, 0)>
#map1 = affine_map<(d0, d1) -> (0)>
module attributes {stable_mosaic.version = 14 : i64} {
  func.func @body(%arg0: i32, %arg1: i32, %arg2: memref<6144x768xf32, #tpu.memory_space<hbm>>, %arg3: memref<4096xi32, #tpu.memory_space<hbm>>, %arg4: memref<4096x768xf32, #tpu.memory_space<hbm>>, %arg5: memref<128xi32, #tpu.memory_space<vmem>>, %arg6: memref<64x768xf32, #tpu.memory_space<vmem>>, %arg7: memref<64x768xf32, #tpu.memory_space<vmem>>, %arg8: memref<!tpu.dma_semaphore, #tpu.memory_space<semaphore_mem>>, %arg9: memref<!tpu.dma_semaphore, #tpu.memory_space<semaphore_mem>>, %arg10: memref<!tpu.dma_semaphore, #tpu.memory_space<semaphore_mem>>, %arg11: memref<!tpu.dma_semaphore, #tpu.memory_space<semaphore_mem>>) attributes {dimension_semantics = [#tpu.dimension_semantics<core_parallel>, #tpu.dimension_semantics<subcore_parallel>], iteration_bounds = array<i64: 2, 16>, scalar_prefetch = 0 : i64, scratch_operands = 7 : i64, tpu.core_type = #tpu.core_type<sc_vector_subcore>, window_params = [{transform_indices = #map}, {transform_indices = #map1}, {transform_indices = #map}]} {
    %mul3A = arith.constant 2 : i32
    %mul3A_0 = arith.muli %arg1, %mul3A : i32
    %add3A = arith.addi %mul3A_0, %arg0 : i32
    %mul3A_1 = arith.constant 128 : i32
    %mul3A_2 = arith.muli %add3A, %mul3A_1 : i32
    "tpu.region"() ({
      %run_scoped3A = tpu.sem_alloc : memref<!tpu.dma_semaphore, #tpu.memory_space<semaphore_mem>>
      %dma_start3A_41 = tpu.memref_slice %arg3[%mul3A_2] : memref<4096xi32, #tpu.memory_space<hbm>> -> memref<128xi32, #tpu.memory_space<hbm>>
      %dma_start3A_42 = tpu.memref_slice %arg3[%mul3A_2] : memref<4096xi32, #tpu.memory_space<hbm>> -> memref<128xi32, #tpu.memory_space<hbm>>
      tpu.enqueue_dma source(%dma_start3A_42 : memref<128xi32, #tpu.memory_space<hbm>>) target(%arg5 : memref<128xi32, #tpu.memory_space<vmem>>) target_semaphore(%run_scoped3A : memref<!tpu.dma_semaphore, #tpu.memory_space<semaphore_mem>>)
      %dma_wait3A_43 = tpu.memref_slice %arg3[%mul3A_2] : memref<4096xi32, #tpu.memory_space<hbm>> -> memref<128xi32, #tpu.memory_space<hbm>>
      %dma_wait3A_44 = tpu.memref_slice %arg3[%mul3A_2] : memref<4096xi32, #tpu.memory_space<hbm>> -> memref<128xi32, #tpu.memory_space<hbm>>
      tpu.wait_dma2 semaphore(%run_scoped3A : memref<!tpu.dma_semaphore, #tpu.memory_space<semaphore_mem>>) src(%dma_wait3A_44 : memref<128xi32, #tpu.memory_space<hbm>>) dst(%arg5 : memref<128xi32, #tpu.memory_space<vmem>>)
      tpu.yield
    }) : () -> ()
    %dma_start3A = arith.constant 0 : i32
    %dma_start3A_3 = tpu.memref_slice %arg5[%dma_start3A] : memref<128xi32, #tpu.memory_space<vmem>> -> memref<64xi32, #tpu.memory_space<vmem>>
    %dma_start3A_4 = arith.constant 0 : i32
    %dma_start3A_5 = arith.constant 0 : i32
    %dma_start3A_6 = tpu.memref_slice %arg2[%dma_start3A_4, %dma_start3A_5] : memref<6144x768xf32, #tpu.memory_space<hbm>> -> memref<6144x768xf32, #tpu.memory_space<hbm>>
    tpu.enqueue_indirect_dma source(%dma_start3A_6 : memref<6144x768xf32, #tpu.memory_space<hbm>>) target(%arg6 : memref<64x768xf32, #tpu.memory_space<vmem>>) offsets(%dma_start3A_3 : memref<64xi32, #tpu.memory_space<vmem>>) semaphore(%arg8 : memref<!tpu.dma_semaphore, #tpu.memory_space<semaphore_mem>>)
    %dma_start3A_7 = arith.constant 64 : i32
    %dma_start3A_8 = tpu.memref_slice %arg5[%dma_start3A_7] : memref<128xi32, #tpu.memory_space<vmem>> -> memref<64xi32, #tpu.memory_space<vmem>>
    %dma_start3A_9 = arith.constant 0 : i32
    %dma_start3A_10 = arith.constant 0 : i32
    %dma_start3A_11 = tpu.memref_slice %arg2[%dma_start3A_9, %dma_start3A_10] : memref<6144x768xf32, #tpu.memory_space<hbm>> -> memref<6144x768xf32, #tpu.memory_space<hbm>>
    tpu.enqueue_indirect_dma source(%dma_start3A_11 : memref<6144x768xf32, #tpu.memory_space<hbm>>) target(%arg7 : memref<64x768xf32, #tpu.memory_space<vmem>>) offsets(%dma_start3A_8 : memref<64xi32, #tpu.memory_space<vmem>>) semaphore(%arg9 : memref<!tpu.dma_semaphore, #tpu.memory_space<semaphore_mem>>)
    %dma_wait3A = arith.constant 0 : i32
    %dma_wait3A_12 = tpu.memref_slice %arg5[%dma_wait3A] : memref<128xi32, #tpu.memory_space<vmem>> -> memref<64xi32, #tpu.memory_space<vmem>>
    %dma_wait3A_13 = arith.constant 0 : i32
    %dma_wait3A_14 = arith.constant 0 : i32
    %dma_wait3A_15 = tpu.memref_slice %arg2[%dma_wait3A_13, %dma_wait3A_14] : memref<6144x768xf32, #tpu.memory_space<hbm>> -> memref<6144x768xf32, #tpu.memory_space<hbm>>
    tpu.wait_indirect_dma semaphore(%arg8 : memref<!tpu.dma_semaphore, #tpu.memory_space<semaphore_mem>>) src(%dma_wait3A_15 : memref<6144x768xf32, #tpu.memory_space<hbm>>) dst(%arg6 : memref<64x768xf32, #tpu.memory_space<vmem>>)
    %add3A_16 = arith.constant 0 : i32
    %add3A_17 = arith.addi %mul3A_2, %add3A_16 : i32
    %dma_start3A_18 = arith.constant 0 : i32
    %dma_start3A_19 = tpu.memref_slice %arg4[%add3A_17, %dma_start3A_18] : memref<4096x768xf32, #tpu.memory_space<hbm>> -> memref<64x768xf32, #tpu.memory_space<hbm>>
    %dma_start3A_20 = arith.constant 0 : i32
    %dma_start3A_21 = tpu.memref_slice %arg4[%add3A_17, %dma_start3A_20] : memref<4096x768xf32, #tpu.memory_space<hbm>> -> memref<64x768xf32, #tpu.memory_space<hbm>>
    tpu.enqueue_dma source(%arg6 : memref<64x768xf32, #tpu.memory_space<vmem>>) target(%dma_start3A_21 : memref<64x768xf32, #tpu.memory_space<hbm>>) target_semaphore(%arg10 : memref<!tpu.dma_semaphore, #tpu.memory_space<semaphore_mem>>)
    %dma_wait3A_22 = arith.constant 64 : i32
    %dma_wait3A_23 = tpu.memref_slice %arg5[%dma_wait3A_22] : memref<128xi32, #tpu.memory_space<vmem>> -> memref<64xi32, #tpu.memory_space<vmem>>
    %dma_wait3A_24 = arith.constant 0 : i32
    %dma_wait3A_25 = arith.constant 0 : i32
    %dma_wait3A_26 = tpu.memref_slice %arg2[%dma_wait3A_24, %dma_wait3A_25] : memref<6144x768xf32, #tpu.memory_space<hbm>> -> memref<6144x768xf32, #tpu.memory_space<hbm>>
    tpu.wait_indirect_dma semaphore(%arg9 : memref<!tpu.dma_semaphore, #tpu.memory_space<semaphore_mem>>) src(%dma_wait3A_26 : memref<6144x768xf32, #tpu.memory_space<hbm>>) dst(%arg7 : memref<64x768xf32, #tpu.memory_space<vmem>>)
    %add3A_27 = arith.constant 64 : i32
    %add3A_28 = arith.addi %mul3A_2, %add3A_27 : i32
    %dma_start3A_29 = arith.constant 0 : i32
    %dma_start3A_30 = tpu.memref_slice %arg4[%add3A_28, %dma_start3A_29] : memref<4096x768xf32, #tpu.memory_space<hbm>> -> memref<64x768xf32, #tpu.memory_space<hbm>>
    %dma_start3A_31 = arith.constant 0 : i32
    %dma_start3A_32 = tpu.memref_slice %arg4[%add3A_28, %dma_start3A_31] : memref<4096x768xf32, #tpu.memory_space<hbm>> -> memref<64x768xf32, #tpu.memory_space<hbm>>
    tpu.enqueue_dma source(%arg7 : memref<64x768xf32, #tpu.memory_space<vmem>>) target(%dma_start3A_32 : memref<64x768xf32, #tpu.memory_space<hbm>>) target_semaphore(%arg11 : memref<!tpu.dma_semaphore, #tpu.memory_space<semaphore_mem>>)
    %dma_wait3A_33 = arith.constant 0 : i32
    %dma_wait3A_34 = tpu.memref_slice %arg4[%add3A_17, %dma_wait3A_33] : memref<4096x768xf32, #tpu.memory_space<hbm>> -> memref<64x768xf32, #tpu.memory_space<hbm>>
    %dma_wait3A_35 = arith.constant 0 : i32
    %dma_wait3A_36 = tpu.memref_slice %arg4[%add3A_17, %dma_wait3A_35] : memref<4096x768xf32, #tpu.memory_space<hbm>> -> memref<64x768xf32, #tpu.memory_space<hbm>>
    tpu.wait_dma2 semaphore(%arg10 : memref<!tpu.dma_semaphore, #tpu.memory_space<semaphore_mem>>) src(%arg6 : memref<64x768xf32, #tpu.memory_space<vmem>>) dst(%dma_wait3A_36 : memref<64x768xf32, #tpu.memory_space<hbm>>)
    %dma_wait3A_37 = arith.constant 0 : i32
    %dma_wait3A_38 = tpu.memref_slice %arg4[%add3A_28, %dma_wait3A_37] : memref<4096x768xf32, #tpu.memory_space<hbm>> -> memref<64x768xf32, #tpu.memory_space<hbm>>
    %dma_wait3A_39 = arith.constant 0 : i32
    %dma_wait3A_40 = tpu.memref_slice %arg4[%add3A_28, %dma_wait3A_39] : memref<4096x768xf32, #tpu.memory_space<hbm>> -> memref<64x768xf32, #tpu.memory_space<hbm>>
    tpu.wait_dma2 semaphore(%arg11 : memref<!tpu.dma_semaphore, #tpu.memory_space<semaphore_mem>>) src(%arg7 : memref<64x768xf32, #tpu.memory_space<vmem>>) dst(%dma_wait3A_40 : memref<64x768xf32, #tpu.memory_space<hbm>>)
    return
  }
}

#map = affine_map<(d0, d1) -> (0, 0)>
#map1 = affine_map<(d0, d1) -> (0, 0, 0)>
module attributes {stable_mosaic.version = 14 : i64} {
  func.func @body(%arg0: i32, %arg1: i32, %arg2: memref<2048x768xf32, #tpu.memory_space<hbm>>, %arg3: memref<32x2x64xi32, #tpu.memory_space<hbm>>, %arg4: memref<6144x768xf32, #tpu.memory_space<hbm>>, %arg5: memref<64x768xf32, #tpu.memory_space<vmem>>, %arg6: memref<2x64xi32, #tpu.memory_space<vmem>>, %arg7: memref<!tpu.dma_semaphore, #tpu.memory_space<semaphore_mem>>, %arg8: memref<!tpu.dma_semaphore, #tpu.memory_space<semaphore_mem>>) attributes {dimension_semantics = [#tpu.dimension_semantics<core_parallel>, #tpu.dimension_semantics<subcore_parallel>], iteration_bounds = array<i64: 2, 16>, scalar_prefetch = 0 : i64, scratch_operands = 4 : i64, tpu.core_type = #tpu.core_type<sc_vector_subcore>, window_params = [{transform_indices = #map}, {transform_indices = #map1}, {transform_indices = #map}]} {
    %mul3A = arith.constant 2 : i32
    %mul3A_0 = arith.muli %arg1, %mul3A : i32
    %add3A = arith.addi %mul3A_0, %arg0 : i32
    "tpu.region"() ({
      %run_scoped3A = tpu.sem_alloc : memref<!tpu.dma_semaphore, #tpu.memory_space<semaphore_mem>>
      %dma_start3A_29 = arith.constant 0 : i32
      %dma_start3A_30 = arith.constant 0 : i32
      %dma_start3A_31 = tpu.memref_slice %arg3[%add3A, %dma_start3A_29, %dma_start3A_30] : memref<32x2x64xi32, #tpu.memory_space<hbm>> -> memref<1x2x64xi32, #tpu.memory_space<hbm>>
      %dma_start3A_32 = tpu.memref_squeeze %dma_start3A_31 : memref<1x2x64xi32, #tpu.memory_space<hbm>> -> memref<2x64xi32, #tpu.memory_space<hbm>>
      %dma_start3A_33 = arith.constant 0 : i32
      %dma_start3A_34 = arith.constant 0 : i32
      %dma_start3A_35 = tpu.memref_slice %arg3[%add3A, %dma_start3A_33, %dma_start3A_34] : memref<32x2x64xi32, #tpu.memory_space<hbm>> -> memref<1x2x64xi32, #tpu.memory_space<hbm>>
      %dma_start3A_36 = tpu.memref_squeeze %dma_start3A_35 : memref<1x2x64xi32, #tpu.memory_space<hbm>> -> memref<2x64xi32, #tpu.memory_space<hbm>>
      tpu.enqueue_dma source(%dma_start3A_36 : memref<2x64xi32, #tpu.memory_space<hbm>>) target(%arg6 : memref<2x64xi32, #tpu.memory_space<vmem>>) target_semaphore(%run_scoped3A : memref<!tpu.dma_semaphore, #tpu.memory_space<semaphore_mem>>)
      %dma_wait3A_37 = arith.constant 0 : i32
      %dma_wait3A_38 = arith.constant 0 : i32
      %dma_wait3A_39 = tpu.memref_slice %arg3[%add3A, %dma_wait3A_37, %dma_wait3A_38] : memref<32x2x64xi32, #tpu.memory_space<hbm>> -> memref<1x2x64xi32, #tpu.memory_space<hbm>>
      %dma_wait3A_40 = tpu.memref_squeeze %dma_wait3A_39 : memref<1x2x64xi32, #tpu.memory_space<hbm>> -> memref<2x64xi32, #tpu.memory_space<hbm>>
      %dma_wait3A_41 = arith.constant 0 : i32
      %dma_wait3A_42 = arith.constant 0 : i32
      %dma_wait3A_43 = tpu.memref_slice %arg3[%add3A, %dma_wait3A_41, %dma_wait3A_42] : memref<32x2x64xi32, #tpu.memory_space<hbm>> -> memref<1x2x64xi32, #tpu.memory_space<hbm>>
      %dma_wait3A_44 = tpu.memref_squeeze %dma_wait3A_43 : memref<1x2x64xi32, #tpu.memory_space<hbm>> -> memref<2x64xi32, #tpu.memory_space<hbm>>
      tpu.wait_dma2 semaphore(%run_scoped3A : memref<!tpu.dma_semaphore, #tpu.memory_space<semaphore_mem>>) src(%dma_wait3A_44 : memref<2x64xi32, #tpu.memory_space<hbm>>) dst(%arg6 : memref<2x64xi32, #tpu.memory_space<vmem>>)
      tpu.yield
    }) : () -> ()
    %mul3A_1 = arith.constant 64 : i32
    %mul3A_2 = arith.muli %add3A, %mul3A_1 : i32
    "tpu.region"() ({
      %run_scoped3A = tpu.sem_alloc : memref<!tpu.dma_semaphore, #tpu.memory_space<semaphore_mem>>
      %dma_start3A_29 = arith.constant 0 : i32
      %dma_start3A_30 = tpu.memref_slice %arg2[%mul3A_2, %dma_start3A_29] : memref<2048x768xf32, #tpu.memory_space<hbm>> -> memref<64x768xf32, #tpu.memory_space<hbm>>
      %dma_start3A_31 = arith.constant 0 : i32
      %dma_start3A_32 = tpu.memref_slice %arg2[%mul3A_2, %dma_start3A_31] : memref<2048x768xf32, #tpu.memory_space<hbm>> -> memref<64x768xf32, #tpu.memory_space<hbm>>
      tpu.enqueue_dma source(%dma_start3A_32 : memref<64x768xf32, #tpu.memory_space<hbm>>) target(%arg5 : memref<64x768xf32, #tpu.memory_space<vmem>>) target_semaphore(%run_scoped3A : memref<!tpu.dma_semaphore, #tpu.memory_space<semaphore_mem>>)
      %dma_wait3A_33 = arith.constant 0 : i32
      %dma_wait3A_34 = tpu.memref_slice %arg2[%mul3A_2, %dma_wait3A_33] : memref<2048x768xf32, #tpu.memory_space<hbm>> -> memref<64x768xf32, #tpu.memory_space<hbm>>
      %dma_wait3A_35 = arith.constant 0 : i32
      %dma_wait3A_36 = tpu.memref_slice %arg2[%mul3A_2, %dma_wait3A_35] : memref<2048x768xf32, #tpu.memory_space<hbm>> -> memref<64x768xf32, #tpu.memory_space<hbm>>
      tpu.wait_dma2 semaphore(%run_scoped3A : memref<!tpu.dma_semaphore, #tpu.memory_space<semaphore_mem>>) src(%dma_wait3A_36 : memref<64x768xf32, #tpu.memory_space<hbm>>) dst(%arg5 : memref<64x768xf32, #tpu.memory_space<vmem>>)
      tpu.yield
    }) : () -> ()
    %dma_start3A = arith.constant 0 : i32
    %dma_start3A_3 = arith.constant 0 : i32
    %dma_start3A_4 = tpu.memref_slice %arg6[%dma_start3A, %dma_start3A_3] : memref<2x64xi32, #tpu.memory_space<vmem>> -> memref<1x64xi32, #tpu.memory_space<vmem>>
    %dma_start3A_5 = tpu.memref_squeeze %dma_start3A_4 : memref<1x64xi32, #tpu.memory_space<vmem>> -> memref<64xi32, #tpu.memory_space<vmem>>
    %dma_start3A_6 = arith.constant 0 : i32
    %dma_start3A_7 = arith.constant 0 : i32
    %dma_start3A_8 = tpu.memref_slice %arg4[%dma_start3A_6, %dma_start3A_7] : memref<6144x768xf32, #tpu.memory_space<hbm>> -> memref<6144x768xf32, #tpu.memory_space<hbm>>
    tpu.enqueue_indirect_dma source(%arg5 : memref<64x768xf32, #tpu.memory_space<vmem>>) target(%dma_start3A_8 : memref<6144x768xf32, #tpu.memory_space<hbm>>) offsets(%dma_start3A_5 : memref<64xi32, #tpu.memory_space<vmem>>) semaphore(%arg7 : memref<!tpu.dma_semaphore, #tpu.memory_space<semaphore_mem>>)
    %dma_start3A_9 = arith.constant 1 : i32
    %dma_start3A_10 = arith.constant 0 : i32
    %dma_start3A_11 = tpu.memref_slice %arg6[%dma_start3A_9, %dma_start3A_10] : memref<2x64xi32, #tpu.memory_space<vmem>> -> memref<1x64xi32, #tpu.memory_space<vmem>>
    %dma_start3A_12 = tpu.memref_squeeze %dma_start3A_11 : memref<1x64xi32, #tpu.memory_space<vmem>> -> memref<64xi32, #tpu.memory_space<vmem>>
    %dma_start3A_13 = arith.constant 0 : i32
    %dma_start3A_14 = arith.constant 0 : i32
    %dma_start3A_15 = tpu.memref_slice %arg4[%dma_start3A_13, %dma_start3A_14] : memref<6144x768xf32, #tpu.memory_space<hbm>> -> memref<6144x768xf32, #tpu.memory_space<hbm>>
    tpu.enqueue_indirect_dma source(%arg5 : memref<64x768xf32, #tpu.memory_space<vmem>>) target(%dma_start3A_15 : memref<6144x768xf32, #tpu.memory_space<hbm>>) offsets(%dma_start3A_12 : memref<64xi32, #tpu.memory_space<vmem>>) semaphore(%arg8 : memref<!tpu.dma_semaphore, #tpu.memory_space<semaphore_mem>>)
    %dma_wait3A = arith.constant 0 : i32
    %dma_wait3A_16 = arith.constant 0 : i32
    %dma_wait3A_17 = tpu.memref_slice %arg6[%dma_wait3A, %dma_wait3A_16] : memref<2x64xi32, #tpu.memory_space<vmem>> -> memref<1x64xi32, #tpu.memory_space<vmem>>
    %dma_wait3A_18 = tpu.memref_squeeze %dma_wait3A_17 : memref<1x64xi32, #tpu.memory_space<vmem>> -> memref<64xi32, #tpu.memory_space<vmem>>
    %dma_wait3A_19 = arith.constant 0 : i32
    %dma_wait3A_20 = arith.constant 0 : i32
    %dma_wait3A_21 = tpu.memref_slice %arg4[%dma_wait3A_19, %dma_wait3A_20] : memref<6144x768xf32, #tpu.memory_space<hbm>> -> memref<6144x768xf32, #tpu.memory_space<hbm>>
    tpu.wait_indirect_dma semaphore(%arg7 : memref<!tpu.dma_semaphore, #tpu.memory_space<semaphore_mem>>) src(%arg5 : memref<64x768xf32, #tpu.memory_space<vmem>>) dst(%dma_wait3A_21 : memref<6144x768xf32, #tpu.memory_space<hbm>>)
    %dma_wait3A_22 = arith.constant 1 : i32
    %dma_wait3A_23 = arith.constant 0 : i32
    %dma_wait3A_24 = tpu.memref_slice %arg6[%dma_wait3A_22, %dma_wait3A_23] : memref<2x64xi32, #tpu.memory_space<vmem>> -> memref<1x64xi32, #tpu.memory_space<vmem>>
    %dma_wait3A_25 = tpu.memref_squeeze %dma_wait3A_24 : memref<1x64xi32, #tpu.memory_space<vmem>> -> memref<64xi32, #tpu.memory_space<vmem>>
    %dma_wait3A_26 = arith.constant 0 : i32
    %dma_wait3A_27 = arith.constant 0 : i32
    %dma_wait3A_28 = tpu.memref_slice %arg4[%dma_wait3A_26, %dma_wait3A_27] : memref<6144x768xf32, #tpu.memory_space<hbm>> -> memref<6144x768xf32, #tpu.memory_space<hbm>>
    tpu.wait_indirect_dma semaphore(%arg8 : memref<!tpu.dma_semaphore, #tpu.memory_space<semaphore_mem>>) src(%arg5 : memref<64x768xf32, #tpu.memory_space<vmem>>) dst(%dma_wait3A_28 : memref<6144x768xf32, #tpu.memory_space<hbm>>)
    return
  }
}

module attributes {stable_mosaic.version = 14 : i64} {
  func.func @_k1_body(%arg0: i32, %arg1: memref<256x768xf32, #tpu.memory_space<vmem>>, %arg2: memref<1x768xf32, #tpu.memory_space<vmem>>, %arg3: memref<768x1280xf32, #tpu.memory_space<vmem>>, %arg4: memref<1x64xf32, #tpu.memory_space<vmem>>, %arg5: memref<1x64xf32, #tpu.memory_space<vmem>>, %arg6: memref<256x64xf32, #tpu.memory_space<vmem>>, %arg7: memref<256x64xf32, #tpu.memory_space<vmem>>, %arg8: memref<20x256x64xf32, #tpu.memory_space<vmem>>) attributes {dimension_semantics = [#tpu.dimension_semantics<arbitrary>], iteration_bounds = array<i64: 8>, scalar_prefetch = 0 : i64, scratch_operands = 0 : i64, tpu.core_type = #tpu.core_type<tc>, window_params = [{transform_indices = @transform_0, window_bounds = array<i64: 256, 768>}, {pipeline_mode = #tpu.pipeline_mode<synchronous>, transform_indices = @transform_1, window_bounds = array<i64: 1, 768>}, {pipeline_mode = #tpu.pipeline_mode<synchronous>, transform_indices = @transform_2, window_bounds = array<i64: 768, 1280>}, {pipeline_mode = #tpu.pipeline_mode<synchronous>, transform_indices = @transform_3, window_bounds = array<i64: 1, 64>}, {pipeline_mode = #tpu.pipeline_mode<synchronous>, transform_indices = @transform_4, window_bounds = array<i64: 1, 64>}, {transform_indices = @transform_5, window_bounds = array<i64: 256, 64>}, {transform_indices = @transform_6, window_bounds = array<i64: 256, 64>}, {transform_indices = @transform_7, window_bounds = array<i64: 20, 256, 64>}]} {
    %get3A = arith.constant 0 : index
    %get3A_0 = arith.constant 0 : index
    %get3A_1 = vector.load %arg1[%get3A, %get3A_0] : memref<256x768xf32, #tpu.memory_space<vmem>>, vector<256x768xf32>
    %mul3A = arith.mulf %get3A_1, %get3A_1 : vector<256x768xf32>
    %reduce_sum3A = arith.constant dense<0.000000e+00> : vector<256xf32>
    %reduce_sum3A_2 = vector.multi_reduction <add>, %mul3A, %reduce_sum3A [1] : vector<256x768xf32> to vector<256xf32>
    %broadcast_in_dim3A = vector.shape_cast %reduce_sum3A_2 : vector<256xf32> to vector<256x1xf32>
    %div3A = arith.constant 7.680000e+02 : f32
    %div3A_3 = vector.broadcast %div3A : f32 to vector<256x1xf32>
    %div3A_4 = arith.divf %broadcast_in_dim3A, %div3A_3 : vector<256x1xf32>
    %add3A = arith.constant 9.99999974E-6 : f32
    %add3A_5 = vector.broadcast %add3A : f32 to vector<256x1xf32>
    %add3A_6 = arith.addf %div3A_4, %add3A_5 : vector<256x1xf32>
    %rsqrt3A = math.rsqrt %add3A_6 : vector<256x1xf32>
    %mul3A_7 = vector.broadcast %rsqrt3A : vector<256x1xf32> to vector<256x768xf32>
    %mul3A_8 = arith.mulf %get3A_1, %mul3A_7 : vector<256x768xf32>
    %get3A_9 = arith.constant 0 : index
    %get3A_10 = arith.constant 0 : index
    %get3A_11 = vector.load %arg2[%get3A_9, %get3A_10] : memref<1x768xf32, #tpu.memory_space<vmem>>, vector<1x768xf32>
    %mul3A_12 = vector.broadcast %get3A_11 : vector<1x768xf32> to vector<256x768xf32>
    %mul3A_13 = arith.mulf %mul3A_8, %mul3A_12 : vector<256x768xf32>
    %get3A_14 = arith.constant 0 : index
    %get3A_15 = arith.constant 0 : index
    %get3A_16 = vector.load %arg3[%get3A_14, %get3A_15] : memref<768x1280xf32, #tpu.memory_space<vmem>>, vector<768x1280xf32>
    %dot_general3A = arith.constant dense<0.000000e+00> : vector<256x1280xf32>
    %dot_general3A_17 = tpu.matmul %mul3A_13, %get3A_16, %dot_general3A {dimension_numbers = #tpu.dot_dimension_numbers<[1], [0], [0], [1], [0, 0, 1, 1], [], []>, transpose_lhs_hint = false} : vector<256x768xf32>, vector<768x1280xf32>, vector<256x1280xf32> -> vector<256x1280xf32>
    %get3A_18 = arith.constant 0 : index
    %get3A_19 = arith.constant 0 : index
    %get3A_20 = vector.load %arg6[%get3A_18, %get3A_19] : memref<256x64xf32, #tpu.memory_space<vmem>>, vector<256x64xf32>
    %get3A_21 = arith.constant 0 : index
    %get3A_22 = arith.constant 0 : index
    %get3A_23 = vector.load %arg7[%get3A_21, %get3A_22] : memref<256x64xf32, #tpu.memory_space<vmem>>, vector<256x64xf32>
    %iota3A = tpu.iota {dimensions = array<i32: 0>} : vector<64x64xi32>
    %iota3A_24 = tpu.iota {dimensions = array<i32: 1>} : vector<64x64xi32>
    %ge3A = arith.constant 16 : i32
    %ge3A_25 = vector.broadcast %ge3A : i32 to vector<64x64xi32>
    %ge3A_26 = arith.cmpi sge, %iota3A_24, %ge3A_25 : vector<64x64xi32>
    %lt3A = arith.constant 32 : i32
    %lt3A_27 = vector.broadcast %lt3A : i32 to vector<64x64xi32>
    %lt3A_28 = arith.cmpi slt, %iota3A_24, %lt3A_27 : vector<64x64xi32>
    %and3A = arith.andi %ge3A_26, %lt3A_28 : vector<64x64xi1>
    %sub3A = arith.constant 16 : i32
    %sub3A_29 = vector.broadcast %sub3A : i32 to vector<64x64xi32>
    %sub3A_30 = arith.subi %iota3A_24, %sub3A_29 : vector<64x64xi32>
    %eq3A = arith.cmpi eq, %iota3A, %sub3A_30 : vector<64x64xi32>
    %and3A_31 = arith.andi %and3A, %eq3A : vector<64x64xi1>
    %jit3A = arith.constant 1.000000e+00 : f32
    %jit3A_32 = arith.constant 0.000000e+00 : f32
    %broadcast_in_dim3A_33 = vector.broadcast %jit3A : f32 to vector<64x64xf32>
    %broadcast_in_dim3A_34 = vector.broadcast %jit3A_32 : f32 to vector<64x64xf32>
    %select_n3A = arith.select %and3A_31, %broadcast_in_dim3A_33, %broadcast_in_dim3A_34 : vector<64x64xi1>, vector<64x64xf32>
    %lt3A_35 = arith.constant 16 : i32
    %lt3A_36 = vector.broadcast %lt3A_35 : i32 to vector<64x64xi32>
    %lt3A_37 = arith.cmpi slt, %iota3A_24, %lt3A_36 : vector<64x64xi32>
    %add3A_38 = arith.constant 16 : i32
    %add3A_39 = vector.broadcast %add3A_38 : i32 to vector<64x64xi32>
    %add3A_40 = arith.addi %iota3A_24, %add3A_39 : vector<64x64xi32>
    %eq3A_41 = arith.cmpi eq, %iota3A, %add3A_40 : vector<64x64xi32>
    %and3A_42 = arith.andi %lt3A_37, %eq3A_41 : vector<64x64xi1>
    %jit3A_43 = arith.constant 1.000000e+00 : f32
    %jit3A_44 = arith.constant 0.000000e+00 : f32
    %broadcast_in_dim3A_45 = vector.broadcast %jit3A_43 : f32 to vector<64x64xf32>
    %broadcast_in_dim3A_46 = vector.broadcast %jit3A_44 : f32 to vector<64x64xf32>
    %select_n3A_47 = arith.select %and3A_42, %broadcast_in_dim3A_45, %broadcast_in_dim3A_46 : vector<64x64xi1>, vector<64x64xf32>
    %sub3A_48 = arith.subf %select_n3A, %select_n3A_47 : vector<64x64xf32>
    %slice3A = vector.extract_strided_slice %dot_general3A_17 {offsets = [0, 0], sizes = [256, 64], strides = [1, 1]} : vector<256x1280xf32> to vector<256x64xf32>
    %get3A_49 = arith.constant 0 : index
    %get3A_50 = arith.constant 0 : index
    %get3A_51 = vector.load %arg4[%get3A_49, %get3A_50] : memref<1x64xf32, #tpu.memory_space<vmem>>, vector<1x64xf32>
    %mul3A_52 = arith.mulf %slice3A, %slice3A : vector<256x64xf32>
    %reduce_sum3A_53 = arith.constant dense<0.000000e+00> : vector<256xf32>
    %reduce_sum3A_54 = vector.multi_reduction <add>, %mul3A_52, %reduce_sum3A_53 [1] : vector<256x64xf32> to vector<256xf32>
    %broadcast_in_dim3A_55 = vector.shape_cast %reduce_sum3A_54 : vector<256xf32> to vector<256x1xf32>
    %div3A_56 = arith.constant 6.400000e+01 : f32
    %div3A_57 = vector.broadcast %div3A_56 : f32 to vector<256x1xf32>
    %div3A_58 = arith.divf %broadcast_in_dim3A_55, %div3A_57 : vector<256x1xf32>
    %add3A_59 = arith.constant 9.99999974E-6 : f32
    %add3A_60 = vector.broadcast %add3A_59 : f32 to vector<256x1xf32>
    %add3A_61 = arith.addf %div3A_58, %add3A_60 : vector<256x1xf32>
    %rsqrt3A_62 = math.rsqrt %add3A_61 : vector<256x1xf32>
    %mul3A_63 = vector.broadcast %rsqrt3A_62 : vector<256x1xf32> to vector<256x64xf32>
    %mul3A_64 = arith.mulf %slice3A, %mul3A_63 : vector<256x64xf32>
    %mul3A_65 = vector.broadcast %get3A_51 : vector<1x64xf32> to vector<256x64xf32>
    %mul3A_66 = arith.mulf %mul3A_64, %mul3A_65 : vector<256x64xf32>
    %dot_general3A_67 = arith.constant dense<0.000000e+00> : vector<256x64xf32>
    %dot_general3A_68 = tpu.matmul %mul3A_66, %sub3A_48, %dot_general3A_67 {dimension_numbers = #tpu.dot_dimension_numbers<[1], [0], [0], [1], [0, 0, 1, 1], [], []>, transpose_lhs_hint = false} : vector<256x64xf32>, vector<64x64xf32>, vector<256x64xf32> -> vector<256x64xf32>
    %mul3A_69 = arith.mulf %mul3A_66, %get3A_20 : vector<256x64xf32>
    %mul3A_70 = arith.mulf %dot_general3A_68, %get3A_23 : vector<256x64xf32>
    %add3A_71 = arith.addf %mul3A_69, %mul3A_70 : vector<256x64xf32>
    %swap3A = arith.constant 0 : index
    %swap3A_72 = arith.constant 0 : index
    %swap3A_73 = arith.constant 0 : index
    %swap3A_74 = vector.load %arg8[%swap3A, %swap3A_72, %swap3A_73] : memref<20x256x64xf32, #tpu.memory_space<vmem>>, vector<1x256x64xf32>
    %swap3A_75 = vector.shape_cast %swap3A_74 : vector<1x256x64xf32> to vector<256x64xf32>
    %swap3A_76 = vector.shape_cast %add3A_71 : vector<256x64xf32> to vector<1x256x64xf32>
    tpu.vector_store %arg8[%swap3A, %swap3A_72, %swap3A_73], %swap3A_76 {strides = array<i32>} : memref<20x256x64xf32, #tpu.memory_space<vmem>>, vector<1x256x64xf32>,
    %slice3A_77 = vector.extract_strided_slice %dot_general3A_17 {offsets = [0, 64], sizes = [256, 64], strides = [1, 1]} : vector<256x1280xf32> to vector<256x64xf32>
    %get3A_78 = arith.constant 0 : index
    %get3A_79 = arith.constant 0 : index
    %get3A_80 = vector.load %arg4[%get3A_78, %get3A_79] : memref<1x64xf32, #tpu.memory_space<vmem>>, vector<1x64xf32>
    %mul3A_81 = arith.mulf %slice3A_77, %slice3A_77 : vector<256x64xf32>
    %reduce_sum3A_82 = arith.constant dense<0.000000e+00> : vector<256xf32>
    %reduce_sum3A_83 = vector.multi_reduction <add>, %mul3A_81, %reduce_sum3A_82 [1] : vector<256x64xf32> to vector<256xf32>
    %broadcast_in_dim3A_84 = vector.shape_cast %reduce_sum3A_83 : vector<256xf32> to vector<256x1xf32>
    %div3A_85 = arith.constant 6.400000e+01 : f32
    %div3A_86 = vector.broadcast %div3A_85 : f32 to vector<256x1xf32>
    %div3A_87 = arith.divf %broadcast_in_dim3A_84, %div3A_86 : vector<256x1xf32>
    %add3A_88 = arith.constant 9.99999974E-6 : f32
    %add3A_89 = vector.broadcast %add3A_88 : f32 to vector<256x1xf32>
    %add3A_90 = arith.addf %div3A_87, %add3A_89 : vector<256x1xf32>
    %rsqrt3A_91 = math.rsqrt %add3A_90 : vector<256x1xf32>
    %mul3A_92 = vector.broadcast %rsqrt3A_91 : vector<256x1xf32> to vector<256x64xf32>
    %mul3A_93 = arith.mulf %slice3A_77, %mul3A_92 : vector<256x64xf32>
    %mul3A_94 = vector.broadcast %get3A_80 : vector<1x64xf32> to vector<256x64xf32>
    %mul3A_95 = arith.mulf %mul3A_93, %mul3A_94 : vector<256x64xf32>
    %dot_general3A_96 = arith.constant dense<0.000000e+00> : vector<256x64xf32>
    %dot_general3A_97 = tpu.matmul %mul3A_95, %sub3A_48, %dot_general3A_96 {dimension_numbers = #tpu.dot_dimension_numbers<[1], [0], [0], [1], [0, 0, 1, 1], [], []>, transpose_lhs_hint = false} : vector<256x64xf32>, vector<64x64xf32>, vector<256x64xf32> -> vector<256x64xf32>
    %mul3A_98 = arith.mulf %mul3A_95, %get3A_20 : vector<256x64xf32>
    %mul3A_99 = arith.mulf %dot_general3A_97, %get3A_23 : vector<256x64xf32>
    %add3A_100 = arith.addf %mul3A_98, %mul3A_99 : vector<256x64xf32>
    %swap3A_101 = arith.constant 1 : index
    %swap3A_102 = arith.constant 0 : index
    %swap3A_103 = arith.constant 0 : index
    %swap3A_104 = vector.load %arg8[%swap3A_101, %swap3A_102, %swap3A_103] : memref<20x256x64xf32, #tpu.memory_space<vmem>>, vector<1x256x64xf32>
    %swap3A_105 = vector.shape_cast %swap3A_104 : vector<1x256x64xf32> to vector<256x64xf32>
    %swap3A_106 = vector.shape_cast %add3A_100 : vector<256x64xf32> to vector<1x256x64xf32>
    tpu.vector_store %arg8[%swap3A_101, %swap3A_102, %swap3A_103], %swap3A_106 {strides = array<i32>} : memref<20x256x64xf32, #tpu.memory_space<vmem>>, vector<1x256x64xf32>,
    %slice3A_107 = vector.extract_strided_slice %dot_general3A_17 {offsets = [0, 128], sizes = [256, 64], strides = [1, 1]} : vector<256x1280xf32> to vector<256x64xf32>
    %get3A_108 = arith.constant 0 : index
    %get3A_109 = arith.constant 0 : index
    %get3A_110 = vector.load %arg4[%get3A_108, %get3A_109] : memref<1x64xf32, #tpu.memory_space<vmem>>, vector<1x64xf32>
    %mul3A_111 = arith.mulf %slice3A_107, %slice3A_107 : vector<256x64xf32>
    %reduce_sum3A_112 = arith.constant dense<0.000000e+00> : vector<256xf32>
    %reduce_sum3A_113 = vector.multi_reduction <add>, %mul3A_111, %reduce_sum3A_112 [1] : vector<256x64xf32> to vector<256xf32>
    %broadcast_in_dim3A_114 = vector.shape_cast %reduce_sum3A_113 : vector<256xf32> to vector<256x1xf32>
    %div3A_115 = arith.constant 6.400000e+01 : f32
    %div3A_116 = vector.broadcast %div3A_115 : f32 to vector<256x1xf32>
    %div3A_117 = arith.divf %broadcast_in_dim3A_114, %div3A_116 : vector<256x1xf32>
    %add3A_118 = arith.constant 9.99999974E-6 : f32
    %add3A_119 = vector.broadcast %add3A_118 : f32 to vector<256x1xf32>
    %add3A_120 = arith.addf %div3A_117, %add3A_119 : vector<256x1xf32>
    %rsqrt3A_121 = math.rsqrt %add3A_120 : vector<256x1xf32>
    %mul3A_122 = vector.broadcast %rsqrt3A_121 : vector<256x1xf32> to vector<256x64xf32>
    %mul3A_123 = arith.mulf %slice3A_107, %mul3A_122 : vector<256x64xf32>
    %mul3A_124 = vector.broadcast %get3A_110 : vector<1x64xf32> to vector<256x64xf32>
    %mul3A_125 = arith.mulf %mul3A_123, %mul3A_124 : vector<256x64xf32>
    %dot_general3A_126 = arith.constant dense<0.000000e+00> : vector<256x64xf32>
    %dot_general3A_127 = tpu.matmul %mul3A_125, %sub3A_48, %dot_general3A_126 {dimension_numbers = #tpu.dot_dimension_numbers<[1], [0], [0], [1], [0, 0, 1, 1], [], []>, transpose_lhs_hint = false} : vector<256x64xf32>, vector<64x64xf32>, vector<256x64xf32> -> vector<256x64xf32>
    %mul3A_128 = arith.mulf %mul3A_125, %get3A_20 : vector<256x64xf32>
    %mul3A_129 = arith.mulf %dot_general3A_127, %get3A_23 : vector<256x64xf32>
    %add3A_130 = arith.addf %mul3A_128, %mul3A_129 : vector<256x64xf32>
    %swap3A_131 = arith.constant 2 : index
    %swap3A_132 = arith.constant 0 : index
    %swap3A_133 = arith.constant 0 : index
    %swap3A_134 = vector.load %arg8[%swap3A_131, %swap3A_132, %swap3A_133] : memref<20x256x64xf32, #tpu.memory_space<vmem>>, vector<1x256x64xf32>
    %swap3A_135 = vector.shape_cast %swap3A_134 : vector<1x256x64xf32> to vector<256x64xf32>
    %swap3A_136 = vector.shape_cast %add3A_130 : vector<256x64xf32> to vector<1x256x64xf32>
    tpu.vector_store %arg8[%swap3A_131, %swap3A_132, %swap3A_133], %swap3A_136 {strides = array<i32>} : memref<20x256x64xf32, #tpu.memory_space<vmem>>, vector<1x256x64xf32>,
    %slice3A_137 = vector.extract_strided_slice %dot_general3A_17 {offsets = [0, 192], sizes = [256, 64], strides = [1, 1]} : vector<256x1280xf32> to vector<256x64xf32>
    %get3A_138 = arith.constant 0 : index
    %get3A_139 = arith.constant 0 : index
    %get3A_140 = vector.load %arg4[%get3A_138, %get3A_139] : memref<1x64xf32, #tpu.memory_space<vmem>>, vector<1x64xf32>
    %mul3A_141 = arith.mulf %slice3A_137, %slice3A_137 : vector<256x64xf32>
    %reduce_sum3A_142 = arith.constant dense<0.000000e+00> : vector<256xf32>
    %reduce_sum3A_143 = vector.multi_reduction <add>, %mul3A_141, %reduce_sum3A_142 [1] : vector<256x64xf32> to vector<256xf32>
    %broadcast_in_dim3A_144 = vector.shape_cast %reduce_sum3A_143 : vector<256xf32> to vector<256x1xf32>
    %div3A_145 = arith.constant 6.400000e+01 : f32
    %div3A_146 = vector.broadcast %div3A_145 : f32 to vector<256x1xf32>
    %div3A_147 = arith.divf %broadcast_in_dim3A_144, %div3A_146 : vector<256x1xf32>
    %add3A_148 = arith.constant 9.99999974E-6 : f32
    %add3A_149 = vector.broadcast %add3A_148 : f32 to vector<256x1xf32>
    %add3A_150 = arith.addf %div3A_147, %add3A_149 : vector<256x1xf32>
    %rsqrt3A_151 = math.rsqrt %add3A_150 : vector<256x1xf32>
    %mul3A_152 = vector.broadcast %rsqrt3A_151 : vector<256x1xf32> to vector<256x64xf32>
    %mul3A_153 = arith.mulf %slice3A_137, %mul3A_152 : vector<256x64xf32>
    %mul3A_154 = vector.broadcast %get3A_140 : vector<1x64xf32> to vector<256x64xf32>
    %mul3A_155 = arith.mulf %mul3A_153, %mul3A_154 : vector<256x64xf32>
    %dot_general3A_156 = arith.constant dense<0.000000e+00> : vector<256x64xf32>
    %dot_general3A_157 = tpu.matmul %mul3A_155, %sub3A_48, %dot_general3A_156 {dimension_numbers = #tpu.dot_dimension_numbers<[1], [0], [0], [1], [0, 0, 1, 1], [], []>, transpose_lhs_hint = false} : vector<256x64xf32>, vector<64x64xf32>, vector<256x64xf32> -> vector<256x64xf32>
    %mul3A_158 = arith.mulf %mul3A_155, %get3A_20 : vector<256x64xf32>
    %mul3A_159 = arith.mulf %dot_general3A_157, %get3A_23 : vector<256x64xf32>
    %add3A_160 = arith.addf %mul3A_158, %mul3A_159 : vector<256x64xf32>
    %swap3A_161 = arith.constant 3 : index
    %swap3A_162 = arith.constant 0 : index
    %swap3A_163 = arith.constant 0 : index
    %swap3A_164 = vector.load %arg8[%swap3A_161, %swap3A_162, %swap3A_163] : memref<20x256x64xf32, #tpu.memory_space<vmem>>, vector<1x256x64xf32>
    %swap3A_165 = vector.shape_cast %swap3A_164 : vector<1x256x64xf32> to vector<256x64xf32>
    %swap3A_166 = vector.shape_cast %add3A_160 : vector<256x64xf32> to vector<1x256x64xf32>
    tpu.vector_store %arg8[%swap3A_161, %swap3A_162, %swap3A_163], %swap3A_166 {strides = array<i32>} : memref<20x256x64xf32, #tpu.memory_space<vmem>>, vector<1x256x64xf32>,
    %slice3A_167 = vector.extract_strided_slice %dot_general3A_17 {offsets = [0, 256], sizes = [256, 64], strides = [1, 1]} : vector<256x1280xf32> to vector<256x64xf32>
    %get3A_168 = arith.constant 0 : index
    %get3A_169 = arith.constant 0 : index
    %get3A_170 = vector.load %arg4[%get3A_168, %get3A_169] : memref<1x64xf32, #tpu.memory_space<vmem>>, vector<1x64xf32>
    %mul3A_171 = arith.mulf %slice3A_167, %slice3A_167 : vector<256x64xf32>
    %reduce_sum3A_172 = arith.constant dense<0.000000e+00> : vector<256xf32>
    %reduce_sum3A_173 = vector.multi_reduction <add>, %mul3A_171, %reduce_sum3A_172 [1] : vector<256x64xf32> to vector<256xf32>
    %broadcast_in_dim3A_174 = vector.shape_cast %reduce_sum3A_173 : vector<256xf32> to vector<256x1xf32>
    %div3A_175 = arith.constant 6.400000e+01 : f32
    %div3A_176 = vector.broadcast %div3A_175 : f32 to vector<256x1xf32>
    %div3A_177 = arith.divf %broadcast_in_dim3A_174, %div3A_176 : vector<256x1xf32>
    %add3A_178 = arith.constant 9.99999974E-6 : f32
    %add3A_179 = vector.broadcast %add3A_178 : f32 to vector<256x1xf32>
    %add3A_180 = arith.addf %div3A_177, %add3A_179 : vector<256x1xf32>
    %rsqrt3A_181 = math.rsqrt %add3A_180 : vector<256x1xf32>
    %mul3A_182 = vector.broadcast %rsqrt3A_181 : vector<256x1xf32> to vector<256x64xf32>
    %mul3A_183 = arith.mulf %slice3A_167, %mul3A_182 : vector<256x64xf32>
    %mul3A_184 = vector.broadcast %get3A_170 : vector<1x64xf32> to vector<256x64xf32>
    %mul3A_185 = arith.mulf %mul3A_183, %mul3A_184 : vector<256x64xf32>
    %dot_general3A_186 = arith.constant dense<0.000000e+00> : vector<256x64xf32>
    %dot_general3A_187 = tpu.matmul %mul3A_185, %sub3A_48, %dot_general3A_186 {dimension_numbers = #tpu.dot_dimension_numbers<[1], [0], [0], [1], [0, 0, 1, 1], [], []>, transpose_lhs_hint = false} : vector<256x64xf32>, vector<64x64xf32>, vector<256x64xf32> -> vector<256x64xf32>
    %mul3A_188 = arith.mulf %mul3A_185, %get3A_20 : vector<256x64xf32>
    %mul3A_189 = arith.mulf %dot_general3A_187, %get3A_23 : vector<256x64xf32>
    %add3A_190 = arith.addf %mul3A_188, %mul3A_189 : vector<256x64xf32>
    %swap3A_191 = arith.constant 4 : index
    %swap3A_192 = arith.constant 0 : index
    %swap3A_193 = arith.constant 0 : index
    %swap3A_194 = vector.load %arg8[%swap3A_191, %swap3A_192, %swap3A_193] : memref<20x256x64xf32, #tpu.memory_space<vmem>>, vector<1x256x64xf32>
    %swap3A_195 = vector.shape_cast %swap3A_194 : vector<1x256x64xf32> to vector<256x64xf32>
    %swap3A_196 = vector.shape_cast %add3A_190 : vector<256x64xf32> to vector<1x256x64xf32>
    tpu.vector_store %arg8[%swap3A_191, %swap3A_192, %swap3A_193], %swap3A_196 {strides = array<i32>} : memref<20x256x64xf32, #tpu.memory_space<vmem>>, vector<1x256x64xf32>,
    %slice3A_197 = vector.extract_strided_slice %dot_general3A_17 {offsets = [0, 320], sizes = [256, 64], strides = [1, 1]} : vector<256x1280xf32> to vector<256x64xf32>
    %get3A_198 = arith.constant 0 : index
    %get3A_199 = arith.constant 0 : index
    %get3A_200 = vector.load %arg4[%get3A_198, %get3A_199] : memref<1x64xf32, #tpu.memory_space<vmem>>, vector<1x64xf32>
    %mul3A_201 = arith.mulf %slice3A_197, %slice3A_197 : vector<256x64xf32>
    %reduce_sum3A_202 = arith.constant dense<0.000000e+00> : vector<256xf32>
    %reduce_sum3A_203 = vector.multi_reduction <add>, %mul3A_201, %reduce_sum3A_202 [1] : vector<256x64xf32> to vector<256xf32>
    %broadcast_in_dim3A_204 = vector.shape_cast %reduce_sum3A_203 : vector<256xf32> to vector<256x1xf32>
    %div3A_205 = arith.constant 6.400000e+01 : f32
    %div3A_206 = vector.broadcast %div3A_205 : f32 to vector<256x1xf32>
    %div3A_207 = arith.divf %broadcast_in_dim3A_204, %div3A_206 : vector<256x1xf32>
    %add3A_208 = arith.constant 9.99999974E-6 : f32
    %add3A_209 = vector.broadcast %add3A_208 : f32 to vector<256x1xf32>
    %add3A_210 = arith.addf %div3A_207, %add3A_209 : vector<256x1xf32>
    %rsqrt3A_211 = math.rsqrt %add3A_210 : vector<256x1xf32>
    %mul3A_212 = vector.broadcast %rsqrt3A_211 : vector<256x1xf32> to vector<256x64xf32>
    %mul3A_213 = arith.mulf %slice3A_197, %mul3A_212 : vector<256x64xf32>
    %mul3A_214 = vector.broadcast %get3A_200 : vector<1x64xf32> to vector<256x64xf32>
    %mul3A_215 = arith.mulf %mul3A_213, %mul3A_214 : vector<256x64xf32>
    %dot_general3A_216 = arith.constant dense<0.000000e+00> : vector<256x64xf32>
    %dot_general3A_217 = tpu.matmul %mul3A_215, %sub3A_48, %dot_general3A_216 {dimension_numbers = #tpu.dot_dimension_numbers<[1], [0], [0], [1], [0, 0, 1, 1], [], []>, transpose_lhs_hint = false} : vector<256x64xf32>, vector<64x64xf32>, vector<256x64xf32> -> vector<256x64xf32>
    %mul3A_218 = arith.mulf %mul3A_215, %get3A_20 : vector<256x64xf32>
    %mul3A_219 = arith.mulf %dot_general3A_217, %get3A_23 : vector<256x64xf32>
    %add3A_220 = arith.addf %mul3A_218, %mul3A_219 : vector<256x64xf32>
    %swap3A_221 = arith.constant 5 : index
    %swap3A_222 = arith.constant 0 : index
    %swap3A_223 = arith.constant 0 : index
    %swap3A_224 = vector.load %arg8[%swap3A_221, %swap3A_222, %swap3A_223] : memref<20x256x64xf32, #tpu.memory_space<vmem>>, vector<1x256x64xf32>
    %swap3A_225 = vector.shape_cast %swap3A_224 : vector<1x256x64xf32> to vector<256x64xf32>
    %swap3A_226 = vector.shape_cast %add3A_220 : vector<256x64xf32> to vector<1x256x64xf32>
    tpu.vector_store %arg8[%swap3A_221, %swap3A_222, %swap3A_223], %swap3A_226 {strides = array<i32>} : memref<20x256x64xf32, #tpu.memory_space<vmem>>, vector<1x256x64xf32>,
    %slice3A_227 = vector.extract_strided_slice %dot_general3A_17 {offsets = [0, 384], sizes = [256, 64], strides = [1, 1]} : vector<256x1280xf32> to vector<256x64xf32>
    %get3A_228 = arith.constant 0 : index
    %get3A_229 = arith.constant 0 : index
    %get3A_230 = vector.load %arg4[%get3A_228, %get3A_229] : memref<1x64xf32, #tpu.memory_space<vmem>>, vector<1x64xf32>
    %mul3A_231 = arith.mulf %slice3A_227, %slice3A_227 : vector<256x64xf32>
    %reduce_sum3A_232 = arith.constant dense<0.000000e+00> : vector<256xf32>
    %reduce_sum3A_233 = vector.multi_reduction <add>, %mul3A_231, %reduce_sum3A_232 [1] : vector<256x64xf32> to vector<256xf32>
    %broadcast_in_dim3A_234 = vector.shape_cast %reduce_sum3A_233 : vector<256xf32> to vector<256x1xf32>
    %div3A_235 = arith.constant 6.400000e+01 : f32
    %div3A_236 = vector.broadcast %div3A_235 : f32 to vector<256x1xf32>
    %div3A_237 = arith.divf %broadcast_in_dim3A_234, %div3A_236 : vector<256x1xf32>
    %add3A_238 = arith.constant 9.99999974E-6 : f32
    %add3A_239 = vector.broadcast %add3A_238 : f32 to vector<256x1xf32>
    %add3A_240 = arith.addf %div3A_237, %add3A_239 : vector<256x1xf32>
    %rsqrt3A_241 = math.rsqrt %add3A_240 : vector<256x1xf32>
    %mul3A_242 = vector.broadcast %rsqrt3A_241 : vector<256x1xf32> to vector<256x64xf32>
    %mul3A_243 = arith.mulf %slice3A_227, %mul3A_242 : vector<256x64xf32>
    %mul3A_244 = vector.broadcast %get3A_230 : vector<1x64xf32> to vector<256x64xf32>
    %mul3A_245 = arith.mulf %mul3A_243, %mul3A_244 : vector<256x64xf32>
    %dot_general3A_246 = arith.constant dense<0.000000e+00> : vector<256x64xf32>
    %dot_general3A_247 = tpu.matmul %mul3A_245, %sub3A_48, %dot_general3A_246 {dimension_numbers = #tpu.dot_dimension_numbers<[1], [0], [0], [1], [0, 0, 1, 1], [], []>, transpose_lhs_hint = false} : vector<256x64xf32>, vector<64x64xf32>, vector<256x64xf32> -> vector<256x64xf32>
    %mul3A_248 = arith.mulf %mul3A_245, %get3A_20 : vector<256x64xf32>
    %mul3A_249 = arith.mulf %dot_general3A_247, %get3A_23 : vector<256x64xf32>
    %add3A_250 = arith.addf %mul3A_248, %mul3A_249 : vector<256x64xf32>
    %swap3A_251 = arith.constant 6 : index
    %swap3A_252 = arith.constant 0 : index
    %swap3A_253 = arith.constant 0 : index
    %swap3A_254 = vector.load %arg8[%swap3A_251, %swap3A_252, %swap3A_253] : memref<20x256x64xf32, #tpu.memory_space<vmem>>, vector<1x256x64xf32>
    %swap3A_255 = vector.shape_cast %swap3A_254 : vector<1x256x64xf32> to vector<256x64xf32>
    %swap3A_256 = vector.shape_cast %add3A_250 : vector<256x64xf32> to vector<1x256x64xf32>
    tpu.vector_store %arg8[%swap3A_251, %swap3A_252, %swap3A_253], %swap3A_256 {strides = array<i32>} : memref<20x256x64xf32, #tpu.memory_space<vmem>>, vector<1x256x64xf32>,
    %slice3A_257 = vector.extract_strided_slice %dot_general3A_17 {offsets = [0, 448], sizes = [256, 64], strides = [1, 1]} : vector<256x1280xf32> to vector<256x64xf32>
    %get3A_258 = arith.constant 0 : index
    %get3A_259 = arith.constant 0 : index
    %get3A_260 = vector.load %arg4[%get3A_258, %get3A_259] : memref<1x64xf32, #tpu.memory_space<vmem>>, vector<1x64xf32>
    %mul3A_261 = arith.mulf %slice3A_257, %slice3A_257 : vector<256x64xf32>
    %reduce_sum3A_262 = arith.constant dense<0.000000e+00> : vector<256xf32>
    %reduce_sum3A_263 = vector.multi_reduction <add>, %mul3A_261, %reduce_sum3A_262 [1] : vector<256x64xf32> to vector<256xf32>
    %broadcast_in_dim3A_264 = vector.shape_cast %reduce_sum3A_263 : vector<256xf32> to vector<256x1xf32>
    %div3A_265 = arith.constant 6.400000e+01 : f32
    %div3A_266 = vector.broadcast %div3A_265 : f32 to vector<256x1xf32>
    %div3A_267 = arith.divf %broadcast_in_dim3A_264, %div3A_266 : vector<256x1xf32>
    %add3A_268 = arith.constant 9.99999974E-6 : f32
    %add3A_269 = vector.broadcast %add3A_268 : f32 to vector<256x1xf32>
    %add3A_270 = arith.addf %div3A_267, %add3A_269 : vector<256x1xf32>
    %rsqrt3A_271 = math.rsqrt %add3A_270 : vector<256x1xf32>
    %mul3A_272 = vector.broadcast %rsqrt3A_271 : vector<256x1xf32> to vector<256x64xf32>
    %mul3A_273 = arith.mulf %slice3A_257, %mul3A_272 : vector<256x64xf32>
    %mul3A_274 = vector.broadcast %get3A_260 : vector<1x64xf32> to vector<256x64xf32>
    %mul3A_275 = arith.mulf %mul3A_273, %mul3A_274 : vector<256x64xf32>
    %dot_general3A_276 = arith.constant dense<0.000000e+00> : vector<256x64xf32>
    %dot_general3A_277 = tpu.matmul %mul3A_275, %sub3A_48, %dot_general3A_276 {dimension_numbers = #tpu.dot_dimension_numbers<[1], [0], [0], [1], [0, 0, 1, 1], [], []>, transpose_lhs_hint = false} : vector<256x64xf32>, vector<64x64xf32>, vector<256x64xf32> -> vector<256x64xf32>
    %mul3A_278 = arith.mulf %mul3A_275, %get3A_20 : vector<256x64xf32>
    %mul3A_279 = arith.mulf %dot_general3A_277, %get3A_23 : vector<256x64xf32>
    %add3A_280 = arith.addf %mul3A_278, %mul3A_279 : vector<256x64xf32>
    %swap3A_281 = arith.constant 7 : index
    %swap3A_282 = arith.constant 0 : index
    %swap3A_283 = arith.constant 0 : index
    %swap3A_284 = vector.load %arg8[%swap3A_281, %swap3A_282, %swap3A_283] : memref<20x256x64xf32, #tpu.memory_space<vmem>>, vector<1x256x64xf32>
    %swap3A_285 = vector.shape_cast %swap3A_284 : vector<1x256x64xf32> to vector<256x64xf32>
    %swap3A_286 = vector.shape_cast %add3A_280 : vector<256x64xf32> to vector<1x256x64xf32>
    tpu.vector_store %arg8[%swap3A_281, %swap3A_282, %swap3A_283], %swap3A_286 {strides = array<i32>} : memref<20x256x64xf32, #tpu.memory_space<vmem>>, vector<1x256x64xf32>,
    %slice3A_287 = vector.extract_strided_slice %dot_general3A_17 {offsets = [0, 512], sizes = [256, 64], strides = [1, 1]} : vector<256x1280xf32> to vector<256x64xf32>
    %get3A_288 = arith.constant 0 : index
    %get3A_289 = arith.constant 0 : index
    %get3A_290 = vector.load %arg4[%get3A_288, %get3A_289] : memref<1x64xf32, #tpu.memory_space<vmem>>, vector<1x64xf32>
    %mul3A_291 = arith.mulf %slice3A_287, %slice3A_287 : vector<256x64xf32>
    %reduce_sum3A_292 = arith.constant dense<0.000000e+00> : vector<256xf32>
    %reduce_sum3A_293 = vector.multi_reduction <add>, %mul3A_291, %reduce_sum3A_292 [1] : vector<256x64xf32> to vector<256xf32>
    %broadcast_in_dim3A_294 = vector.shape_cast %reduce_sum3A_293 : vector<256xf32> to vector<256x1xf32>
    %div3A_295 = arith.constant 6.400000e+01 : f32
    %div3A_296 = vector.broadcast %div3A_295 : f32 to vector<256x1xf32>
    %div3A_297 = arith.divf %broadcast_in_dim3A_294, %div3A_296 : vector<256x1xf32>
    %add3A_298 = arith.constant 9.99999974E-6 : f32
    %add3A_299 = vector.broadcast %add3A_298 : f32 to vector<256x1xf32>
    %add3A_300 = arith.addf %div3A_297, %add3A_299 : vector<256x1xf32>
    %rsqrt3A_301 = math.rsqrt %add3A_300 : vector<256x1xf32>
    %mul3A_302 = vector.broadcast %rsqrt3A_301 : vector<256x1xf32> to vector<256x64xf32>
    %mul3A_303 = arith.mulf %slice3A_287, %mul3A_302 : vector<256x64xf32>
    %mul3A_304 = vector.broadcast %get3A_290 : vector<1x64xf32> to vector<256x64xf32>
    %mul3A_305 = arith.mulf %mul3A_303, %mul3A_304 : vector<256x64xf32>
    %dot_general3A_306 = arith.constant dense<0.000000e+00> : vector<256x64xf32>
    %dot_general3A_307 = tpu.matmul %mul3A_305, %sub3A_48, %dot_general3A_306 {dimension_numbers = #tpu.dot_dimension_numbers<[1], [0], [0], [1], [0, 0, 1, 1], [], []>, transpose_lhs_hint = false} : vector<256x64xf32>, vector<64x64xf32>, vector<256x64xf32> -> vector<256x64xf32>
    %mul3A_308 = arith.mulf %mul3A_305, %get3A_20 : vector<256x64xf32>
    %mul3A_309 = arith.mulf %dot_general3A_307, %get3A_23 : vector<256x64xf32>
    %add3A_310 = arith.addf %mul3A_308, %mul3A_309 : vector<256x64xf32>
    %swap3A_311 = arith.constant 8 : index
    %swap3A_312 = arith.constant 0 : index
    %swap3A_313 = arith.constant 0 : index
    %swap3A_314 = vector.load %arg8[%swap3A_311, %swap3A_312, %swap3A_313] : memref<20x256x64xf32, #tpu.memory_space<vmem>>, vector<1x256x64xf32>
    %swap3A_315 = vector.shape_cast %swap3A_314 : vector<1x256x64xf32> to vector<256x64xf32>
    %swap3A_316 = vector.shape_cast %add3A_310 : vector<256x64xf32> to vector<1x256x64xf32>
    tpu.vector_store %arg8[%swap3A_311, %swap3A_312, %swap3A_313], %swap3A_316 {strides = array<i32>} : memref<20x256x64xf32, #tpu.memory_space<vmem>>, vector<1x256x64xf32>,
    %slice3A_317 = vector.extract_strided_slice %dot_general3A_17 {offsets = [0, 576], sizes = [256, 64], strides = [1, 1]} : vector<256x1280xf32> to vector<256x64xf32>
    %get3A_318 = arith.constant 0 : index
    %get3A_319 = arith.constant 0 : index
    %get3A_320 = vector.load %arg4[%get3A_318, %get3A_319] : memref<1x64xf32, #tpu.memory_space<vmem>>, vector<1x64xf32>
    %mul3A_321 = arith.mulf %slice3A_317, %slice3A_317 : vector<256x64xf32>
    %reduce_sum3A_322 = arith.constant dense<0.000000e+00> : vector<256xf32>
    %reduce_sum3A_323 = vector.multi_reduction <add>, %mul3A_321, %reduce_sum3A_322 [1] : vector<256x64xf32> to vector<256xf32>
    %broadcast_in_dim3A_324 = vector.shape_cast %reduce_sum3A_323 : vector<256xf32> to vector<256x1xf32>
    %div3A_325 = arith.constant 6.400000e+01 : f32
    %div3A_326 = vector.broadcast %div3A_325 : f32 to vector<256x1xf32>
    %div3A_327 = arith.divf %broadcast_in_dim3A_324, %div3A_326 : vector<256x1xf32>
    %add3A_328 = arith.constant 9.99999974E-6 : f32
    %add3A_329 = vector.broadcast %add3A_328 : f32 to vector<256x1xf32>
    %add3A_330 = arith.addf %div3A_327, %add3A_329 : vector<256x1xf32>
    %rsqrt3A_331 = math.rsqrt %add3A_330 : vector<256x1xf32>
    %mul3A_332 = vector.broadcast %rsqrt3A_331 : vector<256x1xf32> to vector<256x64xf32>
    %mul3A_333 = arith.mulf %slice3A_317, %mul3A_332 : vector<256x64xf32>
    %mul3A_334 = vector.broadcast %get3A_320 : vector<1x64xf32> to vector<256x64xf32>
    %mul3A_335 = arith.mulf %mul3A_333, %mul3A_334 : vector<256x64xf32>
    %dot_general3A_336 = arith.constant dense<0.000000e+00> : vector<256x64xf32>
    %dot_general3A_337 = tpu.matmul %mul3A_335, %sub3A_48, %dot_general3A_336 {dimension_numbers = #tpu.dot_dimension_numbers<[1], [0], [0], [1], [0, 0, 1, 1], [], []>, transpose_lhs_hint = false} : vector<256x64xf32>, vector<64x64xf32>, vector<256x64xf32> -> vector<256x64xf32>
    %mul3A_338 = arith.mulf %mul3A_335, %get3A_20 : vector<256x64xf32>
    %mul3A_339 = arith.mulf %dot_general3A_337, %get3A_23 : vector<256x64xf32>
    %add3A_340 = arith.addf %mul3A_338, %mul3A_339 : vector<256x64xf32>
    %swap3A_341 = arith.constant 9 : index
    %swap3A_342 = arith.constant 0 : index
    %swap3A_343 = arith.constant 0 : index
    %swap3A_344 = vector.load %arg8[%swap3A_341, %swap3A_342, %swap3A_343] : memref<20x256x64xf32, #tpu.memory_space<vmem>>, vector<1x256x64xf32>
    %swap3A_345 = vector.shape_cast %swap3A_344 : vector<1x256x64xf32> to vector<256x64xf32>
    %swap3A_346 = vector.shape_cast %add3A_340 : vector<256x64xf32> to vector<1x256x64xf32>
    tpu.vector_store %arg8[%swap3A_341, %swap3A_342, %swap3A_343], %swap3A_346 {strides = array<i32>} : memref<20x256x64xf32, #tpu.memory_space<vmem>>, vector<1x256x64xf32>,
    %slice3A_347 = vector.extract_strided_slice %dot_general3A_17 {offsets = [0, 640], sizes = [256, 64], strides = [1, 1]} : vector<256x1280xf32> to vector<256x64xf32>
    %get3A_348 = arith.constant 0 : index
    %get3A_349 = arith.constant 0 : index
    %get3A_350 = vector.load %arg4[%get3A_348, %get3A_349] : memref<1x64xf32, #tpu.memory_space<vmem>>, vector<1x64xf32>
    %mul3A_351 = arith.mulf %slice3A_347, %slice3A_347 : vector<256x64xf32>
    %reduce_sum3A_352 = arith.constant dense<0.000000e+00> : vector<256xf32>
    %reduce_sum3A_353 = vector.multi_reduction <add>, %mul3A_351, %reduce_sum3A_352 [1] : vector<256x64xf32> to vector<256xf32>
    %broadcast_in_dim3A_354 = vector.shape_cast %reduce_sum3A_353 : vector<256xf32> to vector<256x1xf32>
    %div3A_355 = arith.constant 6.400000e+01 : f32
    %div3A_356 = vector.broadcast %div3A_355 : f32 to vector<256x1xf32>
    %div3A_357 = arith.divf %broadcast_in_dim3A_354, %div3A_356 : vector<256x1xf32>
    %add3A_358 = arith.constant 9.99999974E-6 : f32
    %add3A_359 = vector.broadcast %add3A_358 : f32 to vector<256x1xf32>
    %add3A_360 = arith.addf %div3A_357, %add3A_359 : vector<256x1xf32>
    %rsqrt3A_361 = math.rsqrt %add3A_360 : vector<256x1xf32>
    %mul3A_362 = vector.broadcast %rsqrt3A_361 : vector<256x1xf32> to vector<256x64xf32>
    %mul3A_363 = arith.mulf %slice3A_347, %mul3A_362 : vector<256x64xf32>
    %mul3A_364 = vector.broadcast %get3A_350 : vector<1x64xf32> to vector<256x64xf32>
    %mul3A_365 = arith.mulf %mul3A_363, %mul3A_364 : vector<256x64xf32>
    %dot_general3A_366 = arith.constant dense<0.000000e+00> : vector<256x64xf32>
    %dot_general3A_367 = tpu.matmul %mul3A_365, %sub3A_48, %dot_general3A_366 {dimension_numbers = #tpu.dot_dimension_numbers<[1], [0], [0], [1], [0, 0, 1, 1], [], []>, transpose_lhs_hint = false} : vector<256x64xf32>, vector<64x64xf32>, vector<256x64xf32> -> vector<256x64xf32>
    %mul3A_368 = arith.mulf %mul3A_365, %get3A_20 : vector<256x64xf32>
    %mul3A_369 = arith.mulf %dot_general3A_367, %get3A_23 : vector<256x64xf32>
    %add3A_370 = arith.addf %mul3A_368, %mul3A_369 : vector<256x64xf32>
    %swap3A_371 = arith.constant 10 : index
    %swap3A_372 = arith.constant 0 : index
    %swap3A_373 = arith.constant 0 : index
    %swap3A_374 = vector.load %arg8[%swap3A_371, %swap3A_372, %swap3A_373] : memref<20x256x64xf32, #tpu.memory_space<vmem>>, vector<1x256x64xf32>
    %swap3A_375 = vector.shape_cast %swap3A_374 : vector<1x256x64xf32> to vector<256x64xf32>
    %swap3A_376 = vector.shape_cast %add3A_370 : vector<256x64xf32> to vector<1x256x64xf32>
    tpu.vector_store %arg8[%swap3A_371, %swap3A_372, %swap3A_373], %swap3A_376 {strides = array<i32>} : memref<20x256x64xf32, #tpu.memory_space<vmem>>, vector<1x256x64xf32>,
    %slice3A_377 = vector.extract_strided_slice %dot_general3A_17 {offsets = [0, 704], sizes = [256, 64], strides = [1, 1]} : vector<256x1280xf32> to vector<256x64xf32>
    %get3A_378 = arith.constant 0 : index
    %get3A_379 = arith.constant 0 : index
    %get3A_380 = vector.load %arg4[%get3A_378, %get3A_379] : memref<1x64xf32, #tpu.memory_space<vmem>>, vector<1x64xf32>
    %mul3A_381 = arith.mulf %slice3A_377, %slice3A_377 : vector<256x64xf32>
    %reduce_sum3A_382 = arith.constant dense<0.000000e+00> : vector<256xf32>
    %reduce_sum3A_383 = vector.multi_reduction <add>, %mul3A_381, %reduce_sum3A_382 [1] : vector<256x64xf32> to vector<256xf32>
    %broadcast_in_dim3A_384 = vector.shape_cast %reduce_sum3A_383 : vector<256xf32> to vector<256x1xf32>
    %div3A_385 = arith.constant 6.400000e+01 : f32
    %div3A_386 = vector.broadcast %div3A_385 : f32 to vector<256x1xf32>
    %div3A_387 = arith.divf %broadcast_in_dim3A_384, %div3A_386 : vector<256x1xf32>
    %add3A_388 = arith.constant 9.99999974E-6 : f32
    %add3A_389 = vector.broadcast %add3A_388 : f32 to vector<256x1xf32>
    %add3A_390 = arith.addf %div3A_387, %add3A_389 : vector<256x1xf32>
    %rsqrt3A_391 = math.rsqrt %add3A_390 : vector<256x1xf32>
    %mul3A_392 = vector.broadcast %rsqrt3A_391 : vector<256x1xf32> to vector<256x64xf32>
    %mul3A_393 = arith.mulf %slice3A_377, %mul3A_392 : vector<256x64xf32>
    %mul3A_394 = vector.broadcast %get3A_380 : vector<1x64xf32> to vector<256x64xf32>
    %mul3A_395 = arith.mulf %mul3A_393, %mul3A_394 : vector<256x64xf32>
    %dot_general3A_396 = arith.constant dense<0.000000e+00> : vector<256x64xf32>
    %dot_general3A_397 = tpu.matmul %mul3A_395, %sub3A_48, %dot_general3A_396 {dimension_numbers = #tpu.dot_dimension_numbers<[1], [0], [0], [1], [0, 0, 1, 1], [], []>, transpose_lhs_hint = false} : vector<256x64xf32>, vector<64x64xf32>, vector<256x64xf32> -> vector<256x64xf32>
    %mul3A_398 = arith.mulf %mul3A_395, %get3A_20 : vector<256x64xf32>
    %mul3A_399 = arith.mulf %dot_general3A_397, %get3A_23 : vector<256x64xf32>
    %add3A_400 = arith.addf %mul3A_398, %mul3A_399 : vector<256x64xf32>
    %swap3A_401 = arith.constant 11 : index
    %swap3A_402 = arith.constant 0 : index
    %swap3A_403 = arith.constant 0 : index
    %swap3A_404 = vector.load %arg8[%swap3A_401, %swap3A_402, %swap3A_403] : memref<20x256x64xf32, #tpu.memory_space<vmem>>, vector<1x256x64xf32>
    %swap3A_405 = vector.shape_cast %swap3A_404 : vector<1x256x64xf32> to vector<256x64xf32>
    %swap3A_406 = vector.shape_cast %add3A_400 : vector<256x64xf32> to vector<1x256x64xf32>
    tpu.vector_store %arg8[%swap3A_401, %swap3A_402, %swap3A_403], %swap3A_406 {strides = array<i32>} : memref<20x256x64xf32, #tpu.memory_space<vmem>>, vector<1x256x64xf32>,
    %slice3A_407 = vector.extract_strided_slice %dot_general3A_17 {offsets = [0, 768], sizes = [256, 64], strides = [1, 1]} : vector<256x1280xf32> to vector<256x64xf32>
    %get3A_408 = arith.constant 0 : index
    %get3A_409 = arith.constant 0 : index
    %get3A_410 = vector.load %arg5[%get3A_408, %get3A_409] : memref<1x64xf32, #tpu.memory_space<vmem>>, vector<1x64xf32>
    %mul3A_411 = arith.mulf %slice3A_407, %slice3A_407 : vector<256x64xf32>
    %reduce_sum3A_412 = arith.constant dense<0.000000e+00> : vector<256xf32>
    %reduce_sum3A_413 = vector.multi_reduction <add>, %mul3A_411, %reduce_sum3A_412 [1] : vector<256x64xf32> to vector<256xf32>
    %broadcast_in_dim3A_414 = vector.shape_cast %reduce_sum3A_413 : vector<256xf32> to vector<256x1xf32>
    %div3A_415 = arith.constant 6.400000e+01 : f32
    %div3A_416 = vector.broadcast %div3A_415 : f32 to vector<256x1xf32>
    %div3A_417 = arith.divf %broadcast_in_dim3A_414, %div3A_416 : vector<256x1xf32>
    %add3A_418 = arith.constant 9.99999974E-6 : f32
    %add3A_419 = vector.broadcast %add3A_418 : f32 to vector<256x1xf32>
    %add3A_420 = arith.addf %div3A_417, %add3A_419 : vector<256x1xf32>
    %rsqrt3A_421 = math.rsqrt %add3A_420 : vector<256x1xf32>
    %mul3A_422 = vector.broadcast %rsqrt3A_421 : vector<256x1xf32> to vector<256x64xf32>
    %mul3A_423 = arith.mulf %slice3A_407, %mul3A_422 : vector<256x64xf32>
    %mul3A_424 = vector.broadcast %get3A_410 : vector<1x64xf32> to vector<256x64xf32>
    %mul3A_425 = arith.mulf %mul3A_423, %mul3A_424 : vector<256x64xf32>
    %dot_general3A_426 = arith.constant dense<0.000000e+00> : vector<256x64xf32>
    %dot_general3A_427 = tpu.matmul %mul3A_425, %sub3A_48, %dot_general3A_426 {dimension_numbers = #tpu.dot_dimension_numbers<[1], [0], [0], [1], [0, 0, 1, 1], [], []>, transpose_lhs_hint = false} : vector<256x64xf32>, vector<64x64xf32>, vector<256x64xf32> -> vector<256x64xf32>
    %mul3A_428 = arith.mulf %mul3A_425, %get3A_20 : vector<256x64xf32>
    %mul3A_429 = arith.mulf %dot_general3A_427, %get3A_23 : vector<256x64xf32>
    %add3A_430 = arith.addf %mul3A_428, %mul3A_429 : vector<256x64xf32>
    %swap3A_431 = arith.constant 12 : index
    %swap3A_432 = arith.constant 0 : index
    %swap3A_433 = arith.constant 0 : index
    %swap3A_434 = vector.load %arg8[%swap3A_431, %swap3A_432, %swap3A_433] : memref<20x256x64xf32, #tpu.memory_space<vmem>>, vector<1x256x64xf32>
    %swap3A_435 = vector.shape_cast %swap3A_434 : vector<1x256x64xf32> to vector<256x64xf32>
    %swap3A_436 = vector.shape_cast %add3A_430 : vector<256x64xf32> to vector<1x256x64xf32>
    tpu.vector_store %arg8[%swap3A_431, %swap3A_432, %swap3A_433], %swap3A_436 {strides = array<i32>} : memref<20x256x64xf32, #tpu.memory_space<vmem>>, vector<1x256x64xf32>,
    %slice3A_437 = vector.extract_strided_slice %dot_general3A_17 {offsets = [0, 832], sizes = [256, 64], strides = [1, 1]} : vector<256x1280xf32> to vector<256x64xf32>
    %get3A_438 = arith.constant 0 : index
    %get3A_439 = arith.constant 0 : index
    %get3A_440 = vector.load %arg5[%get3A_438, %get3A_439] : memref<1x64xf32, #tpu.memory_space<vmem>>, vector<1x64xf32>
    %mul3A_441 = arith.mulf %slice3A_437, %slice3A_437 : vector<256x64xf32>
    %reduce_sum3A_442 = arith.constant dense<0.000000e+00> : vector<256xf32>
    %reduce_sum3A_443 = vector.multi_reduction <add>, %mul3A_441, %reduce_sum3A_442 [1] : vector<256x64xf32> to vector<256xf32>
    %broadcast_in_dim3A_444 = vector.shape_cast %reduce_sum3A_443 : vector<256xf32> to vector<256x1xf32>
    %div3A_445 = arith.constant 6.400000e+01 : f32
    %div3A_446 = vector.broadcast %div3A_445 : f32 to vector<256x1xf32>
    %div3A_447 = arith.divf %broadcast_in_dim3A_444, %div3A_446 : vector<256x1xf32>
    %add3A_448 = arith.constant 9.99999974E-6 : f32
    %add3A_449 = vector.broadcast %add3A_448 : f32 to vector<256x1xf32>
    %add3A_450 = arith.addf %div3A_447, %add3A_449 : vector<256x1xf32>
    %rsqrt3A_451 = math.rsqrt %add3A_450 : vector<256x1xf32>
    %mul3A_452 = vector.broadcast %rsqrt3A_451 : vector<256x1xf32> to vector<256x64xf32>
    %mul3A_453 = arith.mulf %slice3A_437, %mul3A_452 : vector<256x64xf32>
    %mul3A_454 = vector.broadcast %get3A_440 : vector<1x64xf32> to vector<256x64xf32>
    %mul3A_455 = arith.mulf %mul3A_453, %mul3A_454 : vector<256x64xf32>
    %dot_general3A_456 = arith.constant dense<0.000000e+00> : vector<256x64xf32>
    %dot_general3A_457 = tpu.matmul %mul3A_455, %sub3A_48, %dot_general3A_456 {dimension_numbers = #tpu.dot_dimension_numbers<[1], [0], [0], [1], [0, 0, 1, 1], [], []>, transpose_lhs_hint = false} : vector<256x64xf32>, vector<64x64xf32>, vector<256x64xf32> -> vector<256x64xf32>
    %mul3A_458 = arith.mulf %mul3A_455, %get3A_20 : vector<256x64xf32>
    %mul3A_459 = arith.mulf %dot_general3A_457, %get3A_23 : vector<256x64xf32>
    %add3A_460 = arith.addf %mul3A_458, %mul3A_459 : vector<256x64xf32>
    %swap3A_461 = arith.constant 13 : index
    %swap3A_462 = arith.constant 0 : index
    %swap3A_463 = arith.constant 0 : index
    %swap3A_464 = vector.load %arg8[%swap3A_461, %swap3A_462, %swap3A_463] : memref<20x256x64xf32, #tpu.memory_space<vmem>>, vector<1x256x64xf32>
    %swap3A_465 = vector.shape_cast %swap3A_464 : vector<1x256x64xf32> to vector<256x64xf32>
    %swap3A_466 = vector.shape_cast %add3A_460 : vector<256x64xf32> to vector<1x256x64xf32>
    tpu.vector_store %arg8[%swap3A_461, %swap3A_462, %swap3A_463], %swap3A_466 {strides = array<i32>} : memref<20x256x64xf32, #tpu.memory_space<vmem>>, vector<1x256x64xf32>,
    %slice3A_467 = vector.extract_strided_slice %dot_general3A_17 {offsets = [0, 896], sizes = [256, 64], strides = [1, 1]} : vector<256x1280xf32> to vector<256x64xf32>
    %get3A_468 = arith.constant 0 : index
    %get3A_469 = arith.constant 0 : index
    %get3A_470 = vector.load %arg5[%get3A_468, %get3A_469] : memref<1x64xf32, #tpu.memory_space<vmem>>, vector<1x64xf32>
    %mul3A_471 = arith.mulf %slice3A_467, %slice3A_467 : vector<256x64xf32>
    %reduce_sum3A_472 = arith.constant dense<0.000000e+00> : vector<256xf32>
    %reduce_sum3A_473 = vector.multi_reduction <add>, %mul3A_471, %reduce_sum3A_472 [1] : vector<256x64xf32> to vector<256xf32>
    %broadcast_in_dim3A_474 = vector.shape_cast %reduce_sum3A_473 : vector<256xf32> to vector<256x1xf32>
    %div3A_475 = arith.constant 6.400000e+01 : f32
    %div3A_476 = vector.broadcast %div3A_475 : f32 to vector<256x1xf32>
    %div3A_477 = arith.divf %broadcast_in_dim3A_474, %div3A_476 : vector<256x1xf32>
    %add3A_478 = arith.constant 9.99999974E-6 : f32
    %add3A_479 = vector.broadcast %add3A_478 : f32 to vector<256x1xf32>
    %add3A_480 = arith.addf %div3A_477, %add3A_479 : vector<256x1xf32>
    %rsqrt3A_481 = math.rsqrt %add3A_480 : vector<256x1xf32>
    %mul3A_482 = vector.broadcast %rsqrt3A_481 : vector<256x1xf32> to vector<256x64xf32>
    %mul3A_483 = arith.mulf %slice3A_467, %mul3A_482 : vector<256x64xf32>
    %mul3A_484 = vector.broadcast %get3A_470 : vector<1x64xf32> to vector<256x64xf32>
    %mul3A_485 = arith.mulf %mul3A_483, %mul3A_484 : vector<256x64xf32>
    %dot_general3A_486 = arith.constant dense<0.000000e+00> : vector<256x64xf32>
    %dot_general3A_487 = tpu.matmul %mul3A_485, %sub3A_48, %dot_general3A_486 {dimension_numbers = #tpu.dot_dimension_numbers<[1], [0], [0], [1], [0, 0, 1, 1], [], []>, transpose_lhs_hint = false} : vector<256x64xf32>, vector<64x64xf32>, vector<256x64xf32> -> vector<256x64xf32>
    %mul3A_488 = arith.mulf %mul3A_485, %get3A_20 : vector<256x64xf32>
    %mul3A_489 = arith.mulf %dot_general3A_487, %get3A_23 : vector<256x64xf32>
    %add3A_490 = arith.addf %mul3A_488, %mul3A_489 : vector<256x64xf32>
    %swap3A_491 = arith.constant 14 : index
    %swap3A_492 = arith.constant 0 : index
    %swap3A_493 = arith.constant 0 : index
    %swap3A_494 = vector.load %arg8[%swap3A_491, %swap3A_492, %swap3A_493] : memref<20x256x64xf32, #tpu.memory_space<vmem>>, vector<1x256x64xf32>
    %swap3A_495 = vector.shape_cast %swap3A_494 : vector<1x256x64xf32> to vector<256x64xf32>
    %swap3A_496 = vector.shape_cast %add3A_490 : vector<256x64xf32> to vector<1x256x64xf32>
    tpu.vector_store %arg8[%swap3A_491, %swap3A_492, %swap3A_493], %swap3A_496 {strides = array<i32>} : memref<20x256x64xf32, #tpu.memory_space<vmem>>, vector<1x256x64xf32>,
    %slice3A_497 = vector.extract_strided_slice %dot_general3A_17 {offsets = [0, 960], sizes = [256, 64], strides = [1, 1]} : vector<256x1280xf32> to vector<256x64xf32>
    %get3A_498 = arith.constant 0 : index
    %get3A_499 = arith.constant 0 : index
    %get3A_500 = vector.load %arg5[%get3A_498, %get3A_499] : memref<1x64xf32, #tpu.memory_space<vmem>>, vector<1x64xf32>
    %mul3A_501 = arith.mulf %slice3A_497, %slice3A_497 : vector<256x64xf32>
    %reduce_sum3A_502 = arith.constant dense<0.000000e+00> : vector<256xf32>
    %reduce_sum3A_503 = vector.multi_reduction <add>, %mul3A_501, %reduce_sum3A_502 [1] : vector<256x64xf32> to vector<256xf32>
    %broadcast_in_dim3A_504 = vector.shape_cast %reduce_sum3A_503 : vector<256xf32> to vector<256x1xf32>
    %div3A_505 = arith.constant 6.400000e+01 : f32
    %div3A_506 = vector.broadcast %div3A_505 : f32 to vector<256x1xf32>
    %div3A_507 = arith.divf %broadcast_in_dim3A_504, %div3A_506 : vector<256x1xf32>
    %add3A_508 = arith.constant 9.99999974E-6 : f32
    %add3A_509 = vector.broadcast %add3A_508 : f32 to vector<256x1xf32>
    %add3A_510 = arith.addf %div3A_507, %add3A_509 : vector<256x1xf32>
    %rsqrt3A_511 = math.rsqrt %add3A_510 : vector<256x1xf32>
    %mul3A_512 = vector.broadcast %rsqrt3A_511 : vector<256x1xf32> to vector<256x64xf32>
    %mul3A_513 = arith.mulf %slice3A_497, %mul3A_512 : vector<256x64xf32>
    %mul3A_514 = vector.broadcast %get3A_500 : vector<1x64xf32> to vector<256x64xf32>
    %mul3A_515 = arith.mulf %mul3A_513, %mul3A_514 : vector<256x64xf32>
    %dot_general3A_516 = arith.constant dense<0.000000e+00> : vector<256x64xf32>
    %dot_general3A_517 = tpu.matmul %mul3A_515, %sub3A_48, %dot_general3A_516 {dimension_numbers = #tpu.dot_dimension_numbers<[1], [0], [0], [1], [0, 0, 1, 1], [], []>, transpose_lhs_hint = false} : vector<256x64xf32>, vector<64x64xf32>, vector<256x64xf32> -> vector<256x64xf32>
    %mul3A_518 = arith.mulf %mul3A_515, %get3A_20 : vector<256x64xf32>
    %mul3A_519 = arith.mulf %dot_general3A_517, %get3A_23 : vector<256x64xf32>
    %add3A_520 = arith.addf %mul3A_518, %mul3A_519 : vector<256x64xf32>
    %swap3A_521 = arith.constant 15 : index
    %swap3A_522 = arith.constant 0 : index
    %swap3A_523 = arith.constant 0 : index
    %swap3A_524 = vector.load %arg8[%swap3A_521, %swap3A_522, %swap3A_523] : memref<20x256x64xf32, #tpu.memory_space<vmem>>, vector<1x256x64xf32>
    %swap3A_525 = vector.shape_cast %swap3A_524 : vector<1x256x64xf32> to vector<256x64xf32>
    %swap3A_526 = vector.shape_cast %add3A_520 : vector<256x64xf32> to vector<1x256x64xf32>
    tpu.vector_store %arg8[%swap3A_521, %swap3A_522, %swap3A_523], %swap3A_526 {strides = array<i32>} : memref<20x256x64xf32, #tpu.memory_space<vmem>>, vector<1x256x64xf32>,
    %slice3A_527 = vector.extract_strided_slice %dot_general3A_17 {offsets = [0, 1024], sizes = [256, 64], strides = [1, 1]} : vector<256x1280xf32> to vector<256x64xf32>
    %swap3A_528 = arith.constant 16 : index
    %swap3A_529 = arith.constant 0 : index
    %swap3A_530 = arith.constant 0 : index
    %swap3A_531 = vector.load %arg8[%swap3A_528, %swap3A_529, %swap3A_530] : memref<20x256x64xf32, #tpu.memory_space<vmem>>, vector<1x256x64xf32>
    %swap3A_532 = vector.shape_cast %swap3A_531 : vector<1x256x64xf32> to vector<256x64xf32>
    %swap3A_533 = vector.shape_cast %slice3A_527 : vector<256x64xf32> to vector<1x256x64xf32>
    tpu.vector_store %arg8[%swap3A_528, %swap3A_529, %swap3A_530], %swap3A_533 {strides = array<i32>} : memref<20x256x64xf32, #tpu.memory_space<vmem>>, vector<1x256x64xf32>,
    %slice3A_534 = vector.extract_strided_slice %dot_general3A_17 {offsets = [0, 1088], sizes = [256, 64], strides = [1, 1]} : vector<256x1280xf32> to vector<256x64xf32>
    %swap3A_535 = arith.constant 17 : index
    %swap3A_536 = arith.constant 0 : index
    %swap3A_537 = arith.constant 0 : index
    %swap3A_538 = vector.load %arg8[%swap3A_535, %swap3A_536, %swap3A_537] : memref<20x256x64xf32, #tpu.memory_space<vmem>>, vector<1x256x64xf32>
    %swap3A_539 = vector.shape_cast %swap3A_538 : vector<1x256x64xf32> to vector<256x64xf32>
    %swap3A_540 = vector.shape_cast %slice3A_534 : vector<256x64xf32> to vector<1x256x64xf32>
    tpu.vector_store %arg8[%swap3A_535, %swap3A_536, %swap3A_537], %swap3A_540 {strides = array<i32>} : memref<20x256x64xf32, #tpu.memory_space<vmem>>, vector<1x256x64xf32>,
    %slice3A_541 = vector.extract_strided_slice %dot_general3A_17 {offsets = [0, 1152], sizes = [256, 64], strides = [1, 1]} : vector<256x1280xf32> to vector<256x64xf32>
    %swap3A_542 = arith.constant 18 : index
    %swap3A_543 = arith.constant 0 : index
    %swap3A_544 = arith.constant 0 : index
    %swap3A_545 = vector.load %arg8[%swap3A_542, %swap3A_543, %swap3A_544] : memref<20x256x64xf32, #tpu.memory_space<vmem>>, vector<1x256x64xf32>
    %swap3A_546 = vector.shape_cast %swap3A_545 : vector<1x256x64xf32> to vector<256x64xf32>
    %swap3A_547 = vector.shape_cast %slice3A_541 : vector<256x64xf32> to vector<1x256x64xf32>
    tpu.vector_store %arg8[%swap3A_542, %swap3A_543, %swap3A_544], %swap3A_547 {strides = array<i32>} : memref<20x256x64xf32, #tpu.memory_space<vmem>>, vector<1x256x64xf32>,
    %slice3A_548 = vector.extract_strided_slice %dot_general3A_17 {offsets = [0, 1216], sizes = [256, 64], strides = [1, 1]} : vector<256x1280xf32> to vector<256x64xf32>
    %swap3A_549 = arith.constant 19 : index
    %swap3A_550 = arith.constant 0 : index
    %swap3A_551 = arith.constant 0 : index
    %swap3A_552 = vector.load %arg8[%swap3A_549, %swap3A_550, %swap3A_551] : memref<20x256x64xf32, #tpu.memory_space<vmem>>, vector<1x256x64xf32>
    %swap3A_553 = vector.shape_cast %swap3A_552 : vector<1x256x64xf32> to vector<256x64xf32>
    %swap3A_554 = vector.shape_cast %slice3A_548 : vector<256x64xf32> to vector<1x256x64xf32>
    tpu.vector_store %arg8[%swap3A_549, %swap3A_550, %swap3A_551], %swap3A_554 {strides = array<i32>} : memref<20x256x64xf32, #tpu.memory_space<vmem>>, vector<1x256x64xf32>,
    return
  }
  func.func @transform_0(%arg0: i32) -> (i32, i32) {
    %c0_i32 = arith.constant 0 : i32
    %c0_i32_0 = arith.constant 0 : i32
    return %arg0, %c0_i32 : i32, i32
  }
  func.func @transform_1(%arg0: i32) -> (i32, i32) {
    %c0_i32 = arith.constant 0 : i32
    %c0_i32_0 = arith.constant 0 : i32
    %c0_i32_1 = arith.constant 0 : i32
    return %c0_i32, %c0_i32_0 : i32, i32
  }
  func.func @transform_2(%arg0: i32) -> (i32, i32) {
    %c0_i32 = arith.constant 0 : i32
    %c0_i32_0 = arith.constant 0 : i32
    %c0_i32_1 = arith.constant 0 : i32
    return %c0_i32, %c0_i32_0 : i32, i32
  }
  func.func @transform_3(%arg0: i32) -> (i32, i32) {
    %c0_i32 = arith.constant 0 : i32
    %c0_i32_0 = arith.constant 0 : i32
    %c0_i32_1 = arith.constant 0 : i32
    return %c0_i32, %c0_i32_0 : i32, i32
  }
  func.func @transform_4(%arg0: i32) -> (i32, i32) {
    %c0_i32 = arith.constant 0 : i32
    %c0_i32_0 = arith.constant 0 : i32
    %c0_i32_1 = arith.constant 0 : i32
    return %c0_i32, %c0_i32_0 : i32, i32
  }
  func.func @transform_5(%arg0: i32) -> (i32, i32) {
    %c0_i32 = arith.constant 0 : i32
    %c0_i32_0 = arith.constant 0 : i32
    return %arg0, %c0_i32 : i32, i32
  }
  func.func @transform_6(%arg0: i32) -> (i32, i32) {
    %c0_i32 = arith.constant 0 : i32
    %c0_i32_0 = arith.constant 0 : i32
    return %arg0, %c0_i32 : i32, i32
  }
  func.func @transform_7(%arg0: i32) -> (i32, i32, i32) {
    %c0_i32 = arith.constant 0 : i32
    %c0_i32_0 = arith.constant 0 : i32
    %c0_i32_1 = arith.constant 0 : i32
    return %c0_i32, %arg0, %c0_i32_0 : i32, i32, i32
  }
}

module attributes {stable_mosaic.version = 14 : i64} {
  func.func @_k2_body(%arg0: i32, %arg1: i32, %arg2: memref<1x512x64xf32, #tpu.memory_space<vmem>>, %arg3: memref<1x2048x64xf32, #tpu.memory_space<vmem>>, %arg4: memref<1x2048x64xf32, #tpu.memory_space<vmem>>, %arg5: memref<1x512x64xf32, #tpu.memory_space<vmem>>) attributes {dimension_semantics = [#tpu.dimension_semantics<arbitrary>, #tpu.dimension_semantics<arbitrary>], iteration_bounds = array<i64: 12, 4>, scalar_prefetch = 0 : i64, scratch_operands = 0 : i64, tpu.core_type = #tpu.core_type<tc>, window_params = [{transform_indices = @transform_0, window_bounds = array<i64: 1, 512, 64>}, {transform_indices = @transform_1, window_bounds = array<i64: 1, 2048, 64>}, {transform_indices = @transform_2, window_bounds = array<i64: 1, 2048, 64>}, {transform_indices = @transform_3, window_bounds = array<i64: 1, 512, 64>}]} {
    %get3A = arith.constant 0 : index
    %get3A_0 = arith.constant 0 : index
    %get3A_1 = arith.constant 0 : index
    %get3A_2 = vector.load %arg2[%get3A, %get3A_0, %get3A_1] : memref<1x512x64xf32, #tpu.memory_space<vmem>>, vector<1x512x64xf32>
    %get3A_3 = vector.shape_cast %get3A_2 : vector<1x512x64xf32> to vector<512x64xf32>
    %mul3A = arith.constant 1.250000e-01 : f32
    %mul3A_4 = vector.broadcast %mul3A : f32 to vector<512x64xf32>
    %mul3A_5 = arith.mulf %get3A_3, %mul3A_4 : vector<512x64xf32>
    %mul3A_6 = arith.constant 512 : i32
    %mul3A_7 = arith.muli %arg1, %mul3A_6 : i32
    %iota3A = tpu.iota {dimensions = array<i32: 0>} : vector<512x512xi32>
    %add3A = vector.broadcast %mul3A_7 : i32 to vector<512x512xi32>
    %add3A_8 = arith.addi %add3A, %iota3A : vector<512x512xi32>
    %iota3A_9 = tpu.iota {dimensions = array<i32: 1>} : vector<512x512xi32>
    %broadcast_in_dim3A = arith.constant 0.000000e+00 : f32
    %broadcast_in_dim3A_10 = vector.broadcast %broadcast_in_dim3A : f32 to vector<512x1xf32>
    %broadcast_in_dim3A_11 = arith.constant 0.000000e+00 : f32
    %broadcast_in_dim3A_12 = vector.broadcast %broadcast_in_dim3A_11 : f32 to vector<512x64xf32>
    %add3A_13 = arith.constant 1 : i32
    %add3A_14 = arith.addi %arg1, %add3A_13 : i32
    %mul3A_15 = arith.constant 512 : i32
    %mul3A_16 = arith.muli %add3A_14, %mul3A_15 : i32
    %add3A_17 = arith.constant 512 : i32
    %add3A_18 = arith.addi %mul3A_16, %add3A_17 : i32
    %sub3A = arith.constant 1 : i32
    %sub3A_19 = arith.subi %add3A_18, %sub3A : i32
    %jit3A = arith.constant 512 : i32
    %div3A = arith.divsi %sub3A_19, %jit3A : i32
    %sign3A = arith.constant 0 : i32
    %sign3A_20 = arith.cmpi sgt, %sub3A_19, %sign3A : i32
    %sign3A_21 = arith.extui %sign3A_20 : i1 to i32
    %sign3A_22 = arith.constant 0 : i32
    %sign3A_23 = arith.cmpi slt, %sub3A_19, %sign3A_22 : i32
    %sign3A_24 = arith.extui %sign3A_23 : i1 to i32
    %sign3A_25 = arith.subi %sign3A_21, %sign3A_24 : i32
    %sign3A_26 = arith.constant 0 : i32
    %sign3A_27 = arith.cmpi sgt, %jit3A, %sign3A_26 : i32
    %sign3A_28 = arith.extui %sign3A_27 : i1 to i32
    %sign3A_29 = arith.constant 0 : i32
    %sign3A_30 = arith.cmpi slt, %jit3A, %sign3A_29 : i32
    %sign3A_31 = arith.extui %sign3A_30 : i1 to i32
    %sign3A_32 = arith.subi %sign3A_28, %sign3A_31 : i32
    %ne3A = arith.cmpi ne, %sign3A_25, %sign3A_32 : i32
    %rem3A = arith.remsi %sub3A_19, %jit3A : i32
    %ne3A_33 = arith.constant 0 : i32
    %ne3A_34 = arith.cmpi ne, %rem3A, %ne3A_33 : i32
    %and3A = arith.andi %ne3A, %ne3A_34 : i1
    %sub3A_35 = arith.constant 1 : i32
    %sub3A_36 = arith.subi %div3A, %sub3A_35 : i32
    %select_n3A = arith.select %and3A, %sub3A_36, %div3A : i32
    %while3A = arith.constant 0 : i32
    %while3A_37 = arith.subi %select_n3A, %while3A : i32
    %while3A_38 = arith.addi %while3A, %while3A_37 : i32
    %while3A_39 = arith.constant 1 : i32
    %while3A_40 = arith.divsi %while3A_37, %while3A_39 : i32
    %while3A_41 = arith.muli %while3A_40, %while3A_39 : i32
    %while3A_42 = arith.addi %while3A, %while3A_41 : i32
    %while3A_43 = arith.constant 1 : i32
    %while3A_44:2 = scf.for %while3A_54 = %while3A to %while3A_42 step %while3A_43 iter_args(%while3A_55 = %broadcast_in_dim3A_10, %while3A_56 = %broadcast_in_dim3A_12) -> (vector<512x1xf32>, vector<512x64xf32>)  : i32 {
      %mul3A_57 = arith.constant 512 : i32
      %mul3A_58 = arith.muli %while3A_54, %mul3A_57 : i32
      %get3A_59 = arith.constant 0 : index
      %get3A_60 = arith.index_cast %mul3A_58 : i32 to index
      %get3A_61 = arith.constant 0 : index
      %get3A_62 = vector.load %arg3[%get3A_59, %get3A_60, %get3A_61] : memref<1x2048x64xf32, #tpu.memory_space<vmem>>, vector<1x512x64xf32>
      %get3A_63 = vector.shape_cast %get3A_62 : vector<1x512x64xf32> to vector<512x64xf32>
      %mul3A_64 = arith.constant 512 : i32
      %mul3A_65 = arith.muli %while3A_54, %mul3A_64 : i32
      %get3A_66 = arith.constant 0 : index
      %get3A_67 = arith.index_cast %mul3A_65 : i32 to index
      %get3A_68 = arith.constant 0 : index
      %get3A_69 = vector.load %arg4[%get3A_66, %get3A_67, %get3A_68] : memref<1x2048x64xf32, #tpu.memory_space<vmem>>, vector<1x512x64xf32>
      %get3A_70 = vector.shape_cast %get3A_69 : vector<1x512x64xf32> to vector<512x64xf32>
      %dot_general3A = arith.constant dense<0.000000e+00> : vector<512x512xf32>
      %dot_general3A_71 = tpu.matmul %mul3A_5, %get3A_63, %dot_general3A {dimension_numbers = #tpu.dot_dimension_numbers<[1], [1], [0], [0], [0, 0, 1, 0], [], []>, transpose_lhs_hint = false} : vector<512x64xf32>, vector<512x64xf32>, vector<512x512xf32> -> vector<512x512xf32>
      %mul3A_72 = arith.constant 512 : i32
      %mul3A_73 = arith.muli %while3A_54, %mul3A_72 : i32
      %add3A_74 = vector.broadcast %mul3A_73 : i32 to vector<512x512xi32>
      %add3A_75 = arith.addi %add3A_74, %iota3A_9 : vector<512x512xi32>
      %gt3A = arith.cmpi sgt, %add3A_75, %add3A_8 : vector<512x512xi32>
      %min3A = arith.constant 6.000000e+01 : f32
      %min3A_76 = vector.broadcast %min3A : f32 to vector<512x512xf32>
      %min3A_77 = arith.minimumf %dot_general3A_71, %min3A_76 : vector<512x512xf32>
      %jit3A_78 = arith.constant -1.000000e+30 : f32
      %broadcast_in_dim3A_79 = vector.broadcast %jit3A_78 : f32 to vector<512x512xf32>
      %select_n3A_80 = arith.select %gt3A, %broadcast_in_dim3A_79, %min3A_77 : vector<512x512xi1>, vector<512x512xf32>
      %exp3A = math.exp %select_n3A_80 : vector<512x512xf32>
      %reduce_sum3A = arith.constant dense<0.000000e+00> : vector<512xf32>
      %reduce_sum3A_81 = vector.multi_reduction <add>, %exp3A, %reduce_sum3A [1] : vector<512x512xf32> to vector<512xf32>
      %broadcast_in_dim3A_82 = vector.shape_cast %reduce_sum3A_81 : vector<512xf32> to vector<512x1xf32>
      %add3A_83 = arith.addf %while3A_55, %broadcast_in_dim3A_82 : vector<512x1xf32>
      %dot_general3A_84 = arith.constant dense<0.000000e+00> : vector<512x64xf32>
      %dot_general3A_85 = tpu.matmul %exp3A, %get3A_70, %dot_general3A_84 {dimension_numbers = #tpu.dot_dimension_numbers<[1], [0], [0], [1], [0, 0, 1, 1], [], []>, transpose_lhs_hint = false} : vector<512x512xf32>, vector<512x64xf32>, vector<512x64xf32> -> vector<512x64xf32>
      %add3A_86 = arith.addf %while3A_56, %dot_general3A_85 : vector<512x64xf32>
      scf.yield %add3A_83, %add3A_86 : vector<512x1xf32>, vector<512x64xf32>
    }
    %while3A_45 = arith.constant 1 : i32
    %while3A_46:2 = scf.for %while3A_54 = %while3A_42 to %while3A_38 step %while3A_45 iter_args(%while3A_55 = %while3A_44#0, %while3A_56 = %while3A_44#1) -> (vector<512x1xf32>, vector<512x64xf32>)  : i32 {
      %mul3A_57 = arith.constant 512 : i32
      %mul3A_58 = arith.muli %while3A_54, %mul3A_57 : i32
      %get3A_59 = arith.constant 0 : index
      %get3A_60 = arith.index_cast %mul3A_58 : i32 to index
      %get3A_61 = arith.constant 0 : index
      %get3A_62 = vector.load %arg3[%get3A_59, %get3A_60, %get3A_61] : memref<1x2048x64xf32, #tpu.memory_space<vmem>>, vector<1x512x64xf32>
      %get3A_63 = vector.shape_cast %get3A_62 : vector<1x512x64xf32> to vector<512x64xf32>
      %mul3A_64 = arith.constant 512 : i32
      %mul3A_65 = arith.muli %while3A_54, %mul3A_64 : i32
      %get3A_66 = arith.constant 0 : index
      %get3A_67 = arith.index_cast %mul3A_65 : i32 to index
      %get3A_68 = arith.constant 0 : index
      %get3A_69 = vector.load %arg4[%get3A_66, %get3A_67, %get3A_68] : memref<1x2048x64xf32, #tpu.memory_space<vmem>>, vector<1x512x64xf32>
      %get3A_70 = vector.shape_cast %get3A_69 : vector<1x512x64xf32> to vector<512x64xf32>
      %dot_general3A = arith.constant dense<0.000000e+00> : vector<512x512xf32>
      %dot_general3A_71 = tpu.matmul %mul3A_5, %get3A_63, %dot_general3A {dimension_numbers = #tpu.dot_dimension_numbers<[1], [1], [0], [0], [0, 0, 1, 0], [], []>, transpose_lhs_hint = false} : vector<512x64xf32>, vector<512x64xf32>, vector<512x512xf32> -> vector<512x512xf32>
      %mul3A_72 = arith.constant 512 : i32
      %mul3A_73 = arith.muli %while3A_54, %mul3A_72 : i32
      %add3A_74 = vector.broadcast %mul3A_73 : i32 to vector<512x512xi32>
      %add3A_75 = arith.addi %add3A_74, %iota3A_9 : vector<512x512xi32>
      %gt3A = arith.cmpi sgt, %add3A_75, %add3A_8 : vector<512x512xi32>
      %min3A = arith.constant 6.000000e+01 : f32
      %min3A_76 = vector.broadcast %min3A : f32 to vector<512x512xf32>
      %min3A_77 = arith.minimumf %dot_general3A_71, %min3A_76 : vector<512x512xf32>
      %jit3A_78 = arith.constant -1.000000e+30 : f32
      %broadcast_in_dim3A_79 = vector.broadcast %jit3A_78 : f32 to vector<512x512xf32>
      %select_n3A_80 = arith.select %gt3A, %broadcast_in_dim3A_79, %min3A_77 : vector<512x512xi1>, vector<512x512xf32>
      %exp3A = math.exp %select_n3A_80 : vector<512x512xf32>
      %reduce_sum3A = arith.constant dense<0.000000e+00> : vector<512xf32>
      %reduce_sum3A_81 = vector.multi_reduction <add>, %exp3A, %reduce_sum3A [1] : vector<512x512xf32> to vector<512xf32>
      %broadcast_in_dim3A_82 = vector.shape_cast %reduce_sum3A_81 : vector<512xf32> to vector<512x1xf32>
      %add3A_83 = arith.addf %while3A_55, %broadcast_in_dim3A_82 : vector<512x1xf32>
      %dot_general3A_84 = arith.constant dense<0.000000e+00> : vector<512x64xf32>
      %dot_general3A_85 = tpu.matmul %exp3A, %get3A_70, %dot_general3A_84 {dimension_numbers = #tpu.dot_dimension_numbers<[1], [0], [0], [1], [0, 0, 1, 1], [], []>, transpose_lhs_hint = false} : vector<512x512xf32>, vector<512x64xf32>, vector<512x64xf32> -> vector<512x64xf32>
      %add3A_86 = arith.addf %while3A_56, %dot_general3A_85 : vector<512x64xf32>
      scf.yield %add3A_83, %add3A_86 : vector<512x1xf32>, vector<512x64xf32>
    }
    %div3A_47 = vector.broadcast %while3A_46#0 : vector<512x1xf32> to vector<512x64xf32>
    %div3A_48 = arith.divf %while3A_46#1, %div3A_47 : vector<512x64xf32>
    %swap3A = arith.constant 0 : index
    %swap3A_49 = arith.constant 0 : index
    %swap3A_50 = arith.constant 0 : index
    %swap3A_51 = vector.load %arg5[%swap3A, %swap3A_49, %swap3A_50] : memref<1x512x64xf32, #tpu.memory_space<vmem>>, vector<1x512x64xf32>
    %swap3A_52 = vector.shape_cast %swap3A_51 : vector<1x512x64xf32> to vector<512x64xf32>
    %swap3A_53 = vector.shape_cast %div3A_48 : vector<512x64xf32> to vector<1x512x64xf32>
    tpu.vector_store %arg5[%swap3A, %swap3A_49, %swap3A_50], %swap3A_53 {strides = array<i32>} : memref<1x512x64xf32, #tpu.memory_space<vmem>>, vector<1x512x64xf32>,
    return
  }
  func.func @transform_0(%arg0: i32, %arg1: i32) -> (i32, i32, i32) {
    %c0_i32 = arith.constant 0 : i32
    %c0_i32_0 = arith.constant 0 : i32
    return %arg0, %arg1, %c0_i32 : i32, i32, i32
  }
  func.func @transform_1(%arg0: i32, %arg1: i32) -> (i32, i32, i32) {
    %jit3A = arith.constant 3 : i32
    %div3A = arith.divsi %arg0, %jit3A : i32
    %sign3A = arith.constant 0 : i32
    %sign3A_0 = arith.cmpi sgt, %arg0, %sign3A : i32
    %sign3A_1 = arith.extui %sign3A_0 : i1 to i32
    %sign3A_2 = arith.constant 0 : i32
    %sign3A_3 = arith.cmpi slt, %arg0, %sign3A_2 : i32
    %sign3A_4 = arith.extui %sign3A_3 : i1 to i32
    %sign3A_5 = arith.subi %sign3A_1, %sign3A_4 : i32
    %sign3A_6 = arith.constant 0 : i32
    %sign3A_7 = arith.cmpi sgt, %jit3A, %sign3A_6 : i32
    %sign3A_8 = arith.extui %sign3A_7 : i1 to i32
    %sign3A_9 = arith.constant 0 : i32
    %sign3A_10 = arith.cmpi slt, %jit3A, %sign3A_9 : i32
    %sign3A_11 = arith.extui %sign3A_10 : i1 to i32
    %sign3A_12 = arith.subi %sign3A_8, %sign3A_11 : i32
    %ne3A = arith.cmpi ne, %sign3A_5, %sign3A_12 : i32
    %rem3A = arith.remsi %arg0, %jit3A : i32
    %ne3A_13 = arith.constant 0 : i32
    %ne3A_14 = arith.cmpi ne, %rem3A, %ne3A_13 : i32
    %and3A = arith.andi %ne3A, %ne3A_14 : i1
    %sub3A = arith.constant 1 : i32
    %sub3A_15 = arith.subi %div3A, %sub3A : i32
    %select_n3A = arith.select %and3A, %sub3A_15, %div3A : i32
    %add3A = arith.constant 12 : i32
    %add3A_16 = arith.addi %add3A, %select_n3A : i32
    %c0_i32 = arith.constant 0 : i32
    %c0_i32_17 = arith.constant 0 : i32
    %c0_i32_18 = arith.constant 0 : i32
    return %add3A_16, %c0_i32, %c0_i32_17 : i32, i32, i32
  }
  func.func @transform_2(%arg0: i32, %arg1: i32) -> (i32, i32, i32) {
    %jit3A = arith.constant 3 : i32
    %div3A = arith.divsi %arg0, %jit3A : i32
    %sign3A = arith.constant 0 : i32
    %sign3A_0 = arith.cmpi sgt, %arg0, %sign3A : i32
    %sign3A_1 = arith.extui %sign3A_0 : i1 to i32
    %sign3A_2 = arith.constant 0 : i32
    %sign3A_3 = arith.cmpi slt, %arg0, %sign3A_2 : i32
    %sign3A_4 = arith.extui %sign3A_3 : i1 to i32
    %sign3A_5 = arith.subi %sign3A_1, %sign3A_4 : i32
    %sign3A_6 = arith.constant 0 : i32
    %sign3A_7 = arith.cmpi sgt, %jit3A, %sign3A_6 : i32
    %sign3A_8 = arith.extui %sign3A_7 : i1 to i32
    %sign3A_9 = arith.constant 0 : i32
    %sign3A_10 = arith.cmpi slt, %jit3A, %sign3A_9 : i32
    %sign3A_11 = arith.extui %sign3A_10 : i1 to i32
    %sign3A_12 = arith.subi %sign3A_8, %sign3A_11 : i32
    %ne3A = arith.cmpi ne, %sign3A_5, %sign3A_12 : i32
    %rem3A = arith.remsi %arg0, %jit3A : i32
    %ne3A_13 = arith.constant 0 : i32
    %ne3A_14 = arith.cmpi ne, %rem3A, %ne3A_13 : i32
    %and3A = arith.andi %ne3A, %ne3A_14 : i1
    %sub3A = arith.constant 1 : i32
    %sub3A_15 = arith.subi %div3A, %sub3A : i32
    %select_n3A = arith.select %and3A, %sub3A_15, %div3A : i32
    %add3A = arith.constant 16 : i32
    %add3A_16 = arith.addi %add3A, %select_n3A : i32
    %c0_i32 = arith.constant 0 : i32
    %c0_i32_17 = arith.constant 0 : i32
    %c0_i32_18 = arith.constant 0 : i32
    return %add3A_16, %c0_i32, %c0_i32_17 : i32, i32, i32
  }
  func.func @transform_3(%arg0: i32, %arg1: i32) -> (i32, i32, i32) {
    %c0_i32 = arith.constant 0 : i32
    %c0_i32_0 = arith.constant 0 : i32
    return %arg0, %arg1, %c0_i32 : i32, i32, i32
  }
}

module attributes {stable_mosaic.version = 14 : i64} {
  func.func @_k3_body(%arg0: i32, %arg1: memref<12x256x64xf32, #tpu.memory_space<vmem>>, %arg2: memref<12x64x768xf32, #tpu.memory_space<vmem>>, %arg3: memref<256x768xf32, #tpu.memory_space<vmem>>, %arg4: memref<1x768xf32, #tpu.memory_space<vmem>>, %arg5: memref<768x64xf32, #tpu.memory_space<vmem>>, %arg6: memref<1x64xf32, #tpu.memory_space<vmem>>, %arg7: memref<256x768xf32, #tpu.memory_space<vmem>>, %arg8: memref<256x768xf32, #tpu.memory_space<vmem>>, %arg9: memref<256x128xi32, #tpu.memory_space<vmem>>, %arg10: memref<256x128xi32, #tpu.memory_space<vmem>>, %arg11: memref<256x128xf32, #tpu.memory_space<vmem>>, %arg12: memref<256x128xf32, #tpu.memory_space<vmem>>, %arg13: memref<256x128xf32, #tpu.memory_space<vmem>>, %arg14: memref<256x128xf32, #tpu.memory_space<vmem>>, %arg15: memref<1x64xf32, #tpu.memory_space<vmem>>, %arg16: memref<1x64xf32, #tpu.memory_space<vmem>>) attributes {dimension_semantics = [#tpu.dimension_semantics<arbitrary>], iteration_bounds = array<i64: 8>, scalar_prefetch = 0 : i64, scratch_operands = 2 : i64, tpu.core_type = #tpu.core_type<tc>, window_params = [{transform_indices = @transform_0, window_bounds = array<i64: 12, 256, 64>}, {pipeline_mode = #tpu.pipeline_mode<synchronous>, transform_indices = @transform_1, window_bounds = array<i64: 12, 64, 768>}, {transform_indices = @transform_2, window_bounds = array<i64: 256, 768>}, {pipeline_mode = #tpu.pipeline_mode<synchronous>, transform_indices = @transform_3, window_bounds = array<i64: 1, 768>}, {pipeline_mode = #tpu.pipeline_mode<synchronous>, transform_indices = @transform_4, window_bounds = array<i64: 768, 64>}, {pipeline_mode = #tpu.pipeline_mode<synchronous>, transform_indices = @transform_5, window_bounds = array<i64: 1, 64>}, {transform_indices = @transform_6, window_bounds = array<i64: 256, 768>}, {transform_indices = @transform_7, window_bounds = array<i64: 256, 768>}, {transform_indices = @transform_8, window_bounds = array<i64: 256, 128>}, {transform_indices = @transform_9, window_bounds = array<i64: 256, 128>}, {transform_indices = @transform_10, window_bounds = array<i64: 256, 128>}, {transform_indices = @transform_11, window_bounds = array<i64: 256, 128>}, {transform_indices = @transform_12, window_bounds = array<i64: 256, 128>}, {transform_indices = @transform_13, window_bounds = array<i64: 256, 128>}]} {
    %eq3A = arith.constant 0 : i32
    %eq3A_0 = arith.cmpi eq, %arg0, %eq3A : i32
    %convert_element_type3A = arith.extui %eq3A_0 : i1 to i32
    %cond3A = arith.constant 0 : i32
    %cond3A_1 = arith.cmpi ne, %convert_element_type3A, %cond3A : i32
    scf.if %cond3A_1 {
      %broadcast_in_dim3A_322 = arith.constant 0.000000e+00 : f32
      %broadcast_in_dim3A_323 = vector.broadcast %broadcast_in_dim3A_322 : f32 to vector<1x64xf32>
      %swap3A_324 = arith.constant 0 : index
      %swap3A_325 = arith.constant 0 : index
      %swap3A_326 = vector.load %arg15[%swap3A_324, %swap3A_325] : memref<1x64xf32, #tpu.memory_space<vmem>>, vector<1x64xf32>
      tpu.vector_store %arg15[%swap3A_324, %swap3A_325], %broadcast_in_dim3A_323 {strides = array<i32>} : memref<1x64xf32, #tpu.memory_space<vmem>>, vector<1x64xf32>,
      %broadcast_in_dim3A_327 = arith.constant 0.000000e+00 : f32
      %broadcast_in_dim3A_328 = vector.broadcast %broadcast_in_dim3A_327 : f32 to vector<1x64xf32>
      %swap3A_329 = arith.constant 0 : index
      %swap3A_330 = arith.constant 0 : index
      %swap3A_331 = vector.load %arg16[%swap3A_329, %swap3A_330] : memref<1x64xf32, #tpu.memory_space<vmem>>, vector<1x64xf32>
      tpu.vector_store %arg16[%swap3A_329, %swap3A_330], %broadcast_in_dim3A_328 {strides = array<i32>} : memref<1x64xf32, #tpu.memory_space<vmem>>, vector<1x64xf32>,
    } else {
    }
    %broadcast_in_dim3A = arith.constant 0.000000e+00 : f32
    %broadcast_in_dim3A_2 = vector.broadcast %broadcast_in_dim3A : f32 to vector<256x768xf32>
    %get3A = arith.constant 0 : index
    %get3A_3 = arith.constant 0 : index
    %get3A_4 = arith.constant 0 : index
    %get3A_5 = vector.load %arg1[%get3A, %get3A_3, %get3A_4] : memref<12x256x64xf32, #tpu.memory_space<vmem>>, vector<1x256x64xf32>
    %get3A_6 = vector.shape_cast %get3A_5 : vector<1x256x64xf32> to vector<256x64xf32>
    %get3A_7 = arith.constant 0 : index
    %get3A_8 = arith.constant 0 : index
    %get3A_9 = arith.constant 0 : index
    %get3A_10 = vector.load %arg2[%get3A_7, %get3A_8, %get3A_9] : memref<12x64x768xf32, #tpu.memory_space<vmem>>, vector<1x64x768xf32>
    %get3A_11 = vector.shape_cast %get3A_10 : vector<1x64x768xf32> to vector<64x768xf32>
    %dot_general3A = arith.constant dense<0.000000e+00> : vector<256x768xf32>
    %dot_general3A_12 = tpu.matmul %get3A_6, %get3A_11, %dot_general3A {dimension_numbers = #tpu.dot_dimension_numbers<[1], [0], [0], [1], [0, 0, 1, 1], [], []>, transpose_lhs_hint = false} : vector<256x64xf32>, vector<64x768xf32>, vector<256x768xf32> -> vector<256x768xf32>
    %add3A = arith.addf %broadcast_in_dim3A_2, %dot_general3A_12 : vector<256x768xf32>
    %get3A_13 = arith.constant 1 : index
    %get3A_14 = arith.constant 0 : index
    %get3A_15 = arith.constant 0 : index
    %get3A_16 = vector.load %arg1[%get3A_13, %get3A_14, %get3A_15] : memref<12x256x64xf32, #tpu.memory_space<vmem>>, vector<1x256x64xf32>
    %get3A_17 = vector.shape_cast %get3A_16 : vector<1x256x64xf32> to vector<256x64xf32>
    %get3A_18 = arith.constant 1 : index
    %get3A_19 = arith.constant 0 : index
    %get3A_20 = arith.constant 0 : index
    %get3A_21 = vector.load %arg2[%get3A_18, %get3A_19, %get3A_20] : memref<12x64x768xf32, #tpu.memory_space<vmem>>, vector<1x64x768xf32>
    %get3A_22 = vector.shape_cast %get3A_21 : vector<1x64x768xf32> to vector<64x768xf32>
    %dot_general3A_23 = arith.constant dense<0.000000e+00> : vector<256x768xf32>
    %dot_general3A_24 = tpu.matmul %get3A_17, %get3A_22, %dot_general3A_23 {dimension_numbers = #tpu.dot_dimension_numbers<[1], [0], [0], [1], [0, 0, 1, 1], [], []>, transpose_lhs_hint = false} : vector<256x64xf32>, vector<64x768xf32>, vector<256x768xf32> -> vector<256x768xf32>
    %add3A_25 = arith.addf %add3A, %dot_general3A_24 : vector<256x768xf32>
    %get3A_26 = arith.constant 2 : index
    %get3A_27 = arith.constant 0 : index
    %get3A_28 = arith.constant 0 : index
    %get3A_29 = vector.load %arg1[%get3A_26, %get3A_27, %get3A_28] : memref<12x256x64xf32, #tpu.memory_space<vmem>>, vector<1x256x64xf32>
    %get3A_30 = vector.shape_cast %get3A_29 : vector<1x256x64xf32> to vector<256x64xf32>
    %get3A_31 = arith.constant 2 : index
    %get3A_32 = arith.constant 0 : index
    %get3A_33 = arith.constant 0 : index
    %get3A_34 = vector.load %arg2[%get3A_31, %get3A_32, %get3A_33] : memref<12x64x768xf32, #tpu.memory_space<vmem>>, vector<1x64x768xf32>
    %get3A_35 = vector.shape_cast %get3A_34 : vector<1x64x768xf32> to vector<64x768xf32>
    %dot_general3A_36 = arith.constant dense<0.000000e+00> : vector<256x768xf32>
    %dot_general3A_37 = tpu.matmul %get3A_30, %get3A_35, %dot_general3A_36 {dimension_numbers = #tpu.dot_dimension_numbers<[1], [0], [0], [1], [0, 0, 1, 1], [], []>, transpose_lhs_hint = false} : vector<256x64xf32>, vector<64x768xf32>, vector<256x768xf32> -> vector<256x768xf32>
    %add3A_38 = arith.addf %add3A_25, %dot_general3A_37 : vector<256x768xf32>
    %get3A_39 = arith.constant 3 : index
    %get3A_40 = arith.constant 0 : index
    %get3A_41 = arith.constant 0 : index
    %get3A_42 = vector.load %arg1[%get3A_39, %get3A_40, %get3A_41] : memref<12x256x64xf32, #tpu.memory_space<vmem>>, vector<1x256x64xf32>
    %get3A_43 = vector.shape_cast %get3A_42 : vector<1x256x64xf32> to vector<256x64xf32>
    %get3A_44 = arith.constant 3 : index
    %get3A_45 = arith.constant 0 : index
    %get3A_46 = arith.constant 0 : index
    %get3A_47 = vector.load %arg2[%get3A_44, %get3A_45, %get3A_46] : memref<12x64x768xf32, #tpu.memory_space<vmem>>, vector<1x64x768xf32>
    %get3A_48 = vector.shape_cast %get3A_47 : vector<1x64x768xf32> to vector<64x768xf32>
    %dot_general3A_49 = arith.constant dense<0.000000e+00> : vector<256x768xf32>
    %dot_general3A_50 = tpu.matmul %get3A_43, %get3A_48, %dot_general3A_49 {dimension_numbers = #tpu.dot_dimension_numbers<[1], [0], [0], [1], [0, 0, 1, 1], [], []>, transpose_lhs_hint = false} : vector<256x64xf32>, vector<64x768xf32>, vector<256x768xf32> -> vector<256x768xf32>
    %add3A_51 = arith.addf %add3A_38, %dot_general3A_50 : vector<256x768xf32>
    %get3A_52 = arith.constant 4 : index
    %get3A_53 = arith.constant 0 : index
    %get3A_54 = arith.constant 0 : index
    %get3A_55 = vector.load %arg1[%get3A_52, %get3A_53, %get3A_54] : memref<12x256x64xf32, #tpu.memory_space<vmem>>, vector<1x256x64xf32>
    %get3A_56 = vector.shape_cast %get3A_55 : vector<1x256x64xf32> to vector<256x64xf32>
    %get3A_57 = arith.constant 4 : index
    %get3A_58 = arith.constant 0 : index
    %get3A_59 = arith.constant 0 : index
    %get3A_60 = vector.load %arg2[%get3A_57, %get3A_58, %get3A_59] : memref<12x64x768xf32, #tpu.memory_space<vmem>>, vector<1x64x768xf32>
    %get3A_61 = vector.shape_cast %get3A_60 : vector<1x64x768xf32> to vector<64x768xf32>
    %dot_general3A_62 = arith.constant dense<0.000000e+00> : vector<256x768xf32>
    %dot_general3A_63 = tpu.matmul %get3A_56, %get3A_61, %dot_general3A_62 {dimension_numbers = #tpu.dot_dimension_numbers<[1], [0], [0], [1], [0, 0, 1, 1], [], []>, transpose_lhs_hint = false} : vector<256x64xf32>, vector<64x768xf32>, vector<256x768xf32> -> vector<256x768xf32>
    %add3A_64 = arith.addf %add3A_51, %dot_general3A_63 : vector<256x768xf32>
    %get3A_65 = arith.constant 5 : index
    %get3A_66 = arith.constant 0 : index
    %get3A_67 = arith.constant 0 : index
    %get3A_68 = vector.load %arg1[%get3A_65, %get3A_66, %get3A_67] : memref<12x256x64xf32, #tpu.memory_space<vmem>>, vector<1x256x64xf32>
    %get3A_69 = vector.shape_cast %get3A_68 : vector<1x256x64xf32> to vector<256x64xf32>
    %get3A_70 = arith.constant 5 : index
    %get3A_71 = arith.constant 0 : index
    %get3A_72 = arith.constant 0 : index
    %get3A_73 = vector.load %arg2[%get3A_70, %get3A_71, %get3A_72] : memref<12x64x768xf32, #tpu.memory_space<vmem>>, vector<1x64x768xf32>
    %get3A_74 = vector.shape_cast %get3A_73 : vector<1x64x768xf32> to vector<64x768xf32>
    %dot_general3A_75 = arith.constant dense<0.000000e+00> : vector<256x768xf32>
    %dot_general3A_76 = tpu.matmul %get3A_69, %get3A_74, %dot_general3A_75 {dimension_numbers = #tpu.dot_dimension_numbers<[1], [0], [0], [1], [0, 0, 1, 1], [], []>, transpose_lhs_hint = false} : vector<256x64xf32>, vector<64x768xf32>, vector<256x768xf32> -> vector<256x768xf32>
    %add3A_77 = arith.addf %add3A_64, %dot_general3A_76 : vector<256x768xf32>
    %get3A_78 = arith.constant 6 : index
    %get3A_79 = arith.constant 0 : index
    %get3A_80 = arith.constant 0 : index
    %get3A_81 = vector.load %arg1[%get3A_78, %get3A_79, %get3A_80] : memref<12x256x64xf32, #tpu.memory_space<vmem>>, vector<1x256x64xf32>
    %get3A_82 = vector.shape_cast %get3A_81 : vector<1x256x64xf32> to vector<256x64xf32>
    %get3A_83 = arith.constant 6 : index
    %get3A_84 = arith.constant 0 : index
    %get3A_85 = arith.constant 0 : index
    %get3A_86 = vector.load %arg2[%get3A_83, %get3A_84, %get3A_85] : memref<12x64x768xf32, #tpu.memory_space<vmem>>, vector<1x64x768xf32>
    %get3A_87 = vector.shape_cast %get3A_86 : vector<1x64x768xf32> to vector<64x768xf32>
    %dot_general3A_88 = arith.constant dense<0.000000e+00> : vector<256x768xf32>
    %dot_general3A_89 = tpu.matmul %get3A_82, %get3A_87, %dot_general3A_88 {dimension_numbers = #tpu.dot_dimension_numbers<[1], [0], [0], [1], [0, 0, 1, 1], [], []>, transpose_lhs_hint = false} : vector<256x64xf32>, vector<64x768xf32>, vector<256x768xf32> -> vector<256x768xf32>
    %add3A_90 = arith.addf %add3A_77, %dot_general3A_89 : vector<256x768xf32>
    %get3A_91 = arith.constant 7 : index
    %get3A_92 = arith.constant 0 : index
    %get3A_93 = arith.constant 0 : index
    %get3A_94 = vector.load %arg1[%get3A_91, %get3A_92, %get3A_93] : memref<12x256x64xf32, #tpu.memory_space<vmem>>, vector<1x256x64xf32>
    %get3A_95 = vector.shape_cast %get3A_94 : vector<1x256x64xf32> to vector<256x64xf32>
    %get3A_96 = arith.constant 7 : index
    %get3A_97 = arith.constant 0 : index
    %get3A_98 = arith.constant 0 : index
    %get3A_99 = vector.load %arg2[%get3A_96, %get3A_97, %get3A_98] : memref<12x64x768xf32, #tpu.memory_space<vmem>>, vector<1x64x768xf32>
    %get3A_100 = vector.shape_cast %get3A_99 : vector<1x64x768xf32> to vector<64x768xf32>
    %dot_general3A_101 = arith.constant dense<0.000000e+00> : vector<256x768xf32>
    %dot_general3A_102 = tpu.matmul %get3A_95, %get3A_100, %dot_general3A_101 {dimension_numbers = #tpu.dot_dimension_numbers<[1], [0], [0], [1], [0, 0, 1, 1], [], []>, transpose_lhs_hint = false} : vector<256x64xf32>, vector<64x768xf32>, vector<256x768xf32> -> vector<256x768xf32>
    %add3A_103 = arith.addf %add3A_90, %dot_general3A_102 : vector<256x768xf32>
    %get3A_104 = arith.constant 8 : index
    %get3A_105 = arith.constant 0 : index
    %get3A_106 = arith.constant 0 : index
    %get3A_107 = vector.load %arg1[%get3A_104, %get3A_105, %get3A_106] : memref<12x256x64xf32, #tpu.memory_space<vmem>>, vector<1x256x64xf32>
    %get3A_108 = vector.shape_cast %get3A_107 : vector<1x256x64xf32> to vector<256x64xf32>
    %get3A_109 = arith.constant 8 : index
    %get3A_110 = arith.constant 0 : index
    %get3A_111 = arith.constant 0 : index
    %get3A_112 = vector.load %arg2[%get3A_109, %get3A_110, %get3A_111] : memref<12x64x768xf32, #tpu.memory_space<vmem>>, vector<1x64x768xf32>
    %get3A_113 = vector.shape_cast %get3A_112 : vector<1x64x768xf32> to vector<64x768xf32>
    %dot_general3A_114 = arith.constant dense<0.000000e+00> : vector<256x768xf32>
    %dot_general3A_115 = tpu.matmul %get3A_108, %get3A_113, %dot_general3A_114 {dimension_numbers = #tpu.dot_dimension_numbers<[1], [0], [0], [1], [0, 0, 1, 1], [], []>, transpose_lhs_hint = false} : vector<256x64xf32>, vector<64x768xf32>, vector<256x768xf32> -> vector<256x768xf32>
    %add3A_116 = arith.addf %add3A_103, %dot_general3A_115 : vector<256x768xf32>
    %get3A_117 = arith.constant 9 : index
    %get3A_118 = arith.constant 0 : index
    %get3A_119 = arith.constant 0 : index
    %get3A_120 = vector.load %arg1[%get3A_117, %get3A_118, %get3A_119] : memref<12x256x64xf32, #tpu.memory_space<vmem>>, vector<1x256x64xf32>
    %get3A_121 = vector.shape_cast %get3A_120 : vector<1x256x64xf32> to vector<256x64xf32>
    %get3A_122 = arith.constant 9 : index
    %get3A_123 = arith.constant 0 : index
    %get3A_124 = arith.constant 0 : index
    %get3A_125 = vector.load %arg2[%get3A_122, %get3A_123, %get3A_124] : memref<12x64x768xf32, #tpu.memory_space<vmem>>, vector<1x64x768xf32>
    %get3A_126 = vector.shape_cast %get3A_125 : vector<1x64x768xf32> to vector<64x768xf32>
    %dot_general3A_127 = arith.constant dense<0.000000e+00> : vector<256x768xf32>
    %dot_general3A_128 = tpu.matmul %get3A_121, %get3A_126, %dot_general3A_127 {dimension_numbers = #tpu.dot_dimension_numbers<[1], [0], [0], [1], [0, 0, 1, 1], [], []>, transpose_lhs_hint = false} : vector<256x64xf32>, vector<64x768xf32>, vector<256x768xf32> -> vector<256x768xf32>
    %add3A_129 = arith.addf %add3A_116, %dot_general3A_128 : vector<256x768xf32>
    %get3A_130 = arith.constant 10 : index
    %get3A_131 = arith.constant 0 : index
    %get3A_132 = arith.constant 0 : index
    %get3A_133 = vector.load %arg1[%get3A_130, %get3A_131, %get3A_132] : memref<12x256x64xf32, #tpu.memory_space<vmem>>, vector<1x256x64xf32>
    %get3A_134 = vector.shape_cast %get3A_133 : vector<1x256x64xf32> to vector<256x64xf32>
    %get3A_135 = arith.constant 10 : index
    %get3A_136 = arith.constant 0 : index
    %get3A_137 = arith.constant 0 : index
    %get3A_138 = vector.load %arg2[%get3A_135, %get3A_136, %get3A_137] : memref<12x64x768xf32, #tpu.memory_space<vmem>>, vector<1x64x768xf32>
    %get3A_139 = vector.shape_cast %get3A_138 : vector<1x64x768xf32> to vector<64x768xf32>
    %dot_general3A_140 = arith.constant dense<0.000000e+00> : vector<256x768xf32>
    %dot_general3A_141 = tpu.matmul %get3A_134, %get3A_139, %dot_general3A_140 {dimension_numbers = #tpu.dot_dimension_numbers<[1], [0], [0], [1], [0, 0, 1, 1], [], []>, transpose_lhs_hint = false} : vector<256x64xf32>, vector<64x768xf32>, vector<256x768xf32> -> vector<256x768xf32>
    %add3A_142 = arith.addf %add3A_129, %dot_general3A_141 : vector<256x768xf32>
    %get3A_143 = arith.constant 11 : index
    %get3A_144 = arith.constant 0 : index
    %get3A_145 = arith.constant 0 : index
    %get3A_146 = vector.load %arg1[%get3A_143, %get3A_144, %get3A_145] : memref<12x256x64xf32, #tpu.memory_space<vmem>>, vector<1x256x64xf32>
    %get3A_147 = vector.shape_cast %get3A_146 : vector<1x256x64xf32> to vector<256x64xf32>
    %get3A_148 = arith.constant 11 : index
    %get3A_149 = arith.constant 0 : index
    %get3A_150 = arith.constant 0 : index
    %get3A_151 = vector.load %arg2[%get3A_148, %get3A_149, %get3A_150] : memref<12x64x768xf32, #tpu.memory_space<vmem>>, vector<1x64x768xf32>
    %get3A_152 = vector.shape_cast %get3A_151 : vector<1x64x768xf32> to vector<64x768xf32>
    %dot_general3A_153 = arith.constant dense<0.000000e+00> : vector<256x768xf32>
    %dot_general3A_154 = tpu.matmul %get3A_147, %get3A_152, %dot_general3A_153 {dimension_numbers = #tpu.dot_dimension_numbers<[1], [0], [0], [1], [0, 0, 1, 1], [], []>, transpose_lhs_hint = false} : vector<256x64xf32>, vector<64x768xf32>, vector<256x768xf32> -> vector<256x768xf32>
    %add3A_155 = arith.addf %add3A_142, %dot_general3A_154 : vector<256x768xf32>
    %get3A_156 = arith.constant 0 : index
    %get3A_157 = arith.constant 0 : index
    %get3A_158 = vector.load %arg3[%get3A_156, %get3A_157] : memref<256x768xf32, #tpu.memory_space<vmem>>, vector<256x768xf32>
    %add3A_159 = arith.addf %get3A_158, %add3A_155 : vector<256x768xf32>
    %swap3A = arith.constant 0 : index
    %swap3A_160 = arith.constant 0 : index
    %swap3A_161 = vector.load %arg7[%swap3A, %swap3A_160] : memref<256x768xf32, #tpu.memory_space<vmem>>, vector<256x768xf32>
    tpu.vector_store %arg7[%swap3A, %swap3A_160], %add3A_159 {strides = array<i32>} : memref<256x768xf32, #tpu.memory_space<vmem>>, vector<256x768xf32>,
    %mul3A = arith.mulf %add3A_159, %add3A_159 : vector<256x768xf32>
    %reduce_sum3A = arith.constant dense<0.000000e+00> : vector<256xf32>
    %reduce_sum3A_162 = vector.multi_reduction <add>, %mul3A, %reduce_sum3A [1] : vector<256x768xf32> to vector<256xf32>
    %broadcast_in_dim3A_163 = vector.shape_cast %reduce_sum3A_162 : vector<256xf32> to vector<256x1xf32>
    %div3A = arith.constant 7.680000e+02 : f32
    %div3A_164 = vector.broadcast %div3A : f32 to vector<256x1xf32>
    %div3A_165 = arith.divf %broadcast_in_dim3A_163, %div3A_164 : vector<256x1xf32>
    %add3A_166 = arith.constant 9.99999974E-6 : f32
    %add3A_167 = vector.broadcast %add3A_166 : f32 to vector<256x1xf32>
    %add3A_168 = arith.addf %div3A_165, %add3A_167 : vector<256x1xf32>
    %rsqrt3A = math.rsqrt %add3A_168 : vector<256x1xf32>
    %mul3A_169 = vector.broadcast %rsqrt3A : vector<256x1xf32> to vector<256x768xf32>
    %mul3A_170 = arith.mulf %add3A_159, %mul3A_169 : vector<256x768xf32>
    %get3A_171 = arith.constant 0 : index
    %get3A_172 = arith.constant 0 : index
    %get3A_173 = vector.load %arg4[%get3A_171, %get3A_172] : memref<1x768xf32, #tpu.memory_space<vmem>>, vector<1x768xf32>
    %mul3A_174 = vector.broadcast %get3A_173 : vector<1x768xf32> to vector<256x768xf32>
    %mul3A_175 = arith.mulf %mul3A_170, %mul3A_174 : vector<256x768xf32>
    %swap3A_176 = arith.constant 0 : index
    %swap3A_177 = arith.constant 0 : index
    %swap3A_178 = vector.load %arg8[%swap3A_176, %swap3A_177] : memref<256x768xf32, #tpu.memory_space<vmem>>, vector<256x768xf32>
    tpu.vector_store %arg8[%swap3A_176, %swap3A_177], %mul3A_175 {strides = array<i32>} : memref<256x768xf32, #tpu.memory_space<vmem>>, vector<256x768xf32>,
    %get3A_179 = arith.constant 0 : index
    %get3A_180 = arith.constant 0 : index
    %get3A_181 = vector.load %arg5[%get3A_179, %get3A_180] : memref<768x64xf32, #tpu.memory_space<vmem>>, vector<768x64xf32>
    %dot_general3A_182 = arith.constant dense<0.000000e+00> : vector<256x64xf32>
    %dot_general3A_183 = tpu.matmul %mul3A_175, %get3A_181, %dot_general3A_182 {dimension_numbers = #tpu.dot_dimension_numbers<[1], [0], [0], [1], [0, 0, 1, 1], [], []>, transpose_lhs_hint = false} : vector<256x768xf32>, vector<768x64xf32>, vector<256x64xf32> -> vector<256x64xf32>
    %logistic3A = arith.negf %dot_general3A_183 : vector<256x64xf32>
    %logistic3A_184 = math.exp %logistic3A : vector<256x64xf32>
    %logistic3A_185 = arith.constant 1.000000e+00 : f32
    %logistic3A_186 = vector.broadcast %logistic3A_185 : f32 to vector<256x64xf32>
    %logistic3A_187 = arith.addf %logistic3A_186, %logistic3A_184 : vector<256x64xf32>
    %logistic3A_188 = arith.divf %logistic3A_186, %logistic3A_187 : vector<256x64xf32>
    %get3A_189 = arith.constant 0 : index
    %get3A_190 = arith.constant 0 : index
    %get3A_191 = vector.load %arg6[%get3A_189, %get3A_190] : memref<1x64xf32, #tpu.memory_space<vmem>>, vector<1x64xf32>
    %add3A_192 = vector.broadcast %get3A_191 : vector<1x64xf32> to vector<256x64xf32>
    %add3A_193 = arith.addf %logistic3A_188, %add3A_192 : vector<256x64xf32>
    %iota3A = tpu.iota {dimensions = array<i32: 1>} : vector<256x64xi32>
    %reduce_max3A = arith.constant dense<0xFF800000> : vector<256xf32>
    %reduce_max3A_194 = vector.multi_reduction <maximumf>, %add3A_193, %reduce_max3A [1] : vector<256x64xf32> to vector<256xf32>
    %broadcast_in_dim3A_195 = vector.shape_cast %reduce_max3A_194 : vector<256xf32> to vector<256x1xf32>
    %eq3A_196 = vector.broadcast %broadcast_in_dim3A_195 : vector<256x1xf32> to vector<256x64xf32>
    %eq3A_197 = arith.cmpf oeq, %add3A_193, %eq3A_196 : vector<256x64xf32>
    %jit3A = arith.constant 64 : i32
    %broadcast_in_dim3A_198 = vector.broadcast %jit3A : i32 to vector<256x64xi32>
    %select_n3A = arith.select %eq3A_197, %iota3A, %broadcast_in_dim3A_198 : vector<256x64xi1>, vector<256x64xi32>
    %reduce_min3A = arith.constant dense<2147483647> : vector<256xi32>
    %reduce_min3A_199 = vector.multi_reduction <minsi>, %select_n3A, %reduce_min3A [1] : vector<256x64xi32> to vector<256xi32>
    %broadcast_in_dim3A_200 = vector.shape_cast %reduce_min3A_199 : vector<256xi32> to vector<256x1xi32>
    %eq3A_201 = vector.broadcast %broadcast_in_dim3A_200 : vector<256x1xi32> to vector<256x64xi32>
    %eq3A_202 = arith.cmpi eq, %iota3A, %eq3A_201 : vector<256x64xi32>
    %jit3A_203 = arith.constant -1.000000e+30 : f32
    %broadcast_in_dim3A_204 = vector.broadcast %jit3A_203 : f32 to vector<256x64xf32>
    %select_n3A_205 = arith.select %eq3A_202, %broadcast_in_dim3A_204, %add3A_193 : vector<256x64xi1>, vector<256x64xf32>
    %reduce_max3A_206 = arith.constant dense<0xFF800000> : vector<256xf32>
    %reduce_max3A_207 = vector.multi_reduction <maximumf>, %select_n3A_205, %reduce_max3A_206 [1] : vector<256x64xf32> to vector<256xf32>
    %broadcast_in_dim3A_208 = vector.shape_cast %reduce_max3A_207 : vector<256xf32> to vector<256x1xf32>
    %eq3A_209 = vector.broadcast %broadcast_in_dim3A_208 : vector<256x1xf32> to vector<256x64xf32>
    %eq3A_210 = arith.cmpf oeq, %select_n3A_205, %eq3A_209 : vector<256x64xf32>
    %jit3A_211 = arith.constant 64 : i32
    %broadcast_in_dim3A_212 = vector.broadcast %jit3A_211 : i32 to vector<256x64xi32>
    %select_n3A_213 = arith.select %eq3A_210, %iota3A, %broadcast_in_dim3A_212 : vector<256x64xi1>, vector<256x64xi32>
    %reduce_min3A_214 = arith.constant dense<2147483647> : vector<256xi32>
    %reduce_min3A_215 = vector.multi_reduction <minsi>, %select_n3A_213, %reduce_min3A_214 [1] : vector<256x64xi32> to vector<256xi32>
    %broadcast_in_dim3A_216 = vector.shape_cast %reduce_min3A_215 : vector<256xi32> to vector<256x1xi32>
    %eq3A_217 = vector.broadcast %broadcast_in_dim3A_216 : vector<256x1xi32> to vector<256x64xi32>
    %eq3A_218 = arith.cmpi eq, %iota3A, %eq3A_217 : vector<256x64xi32>
    %jit3A_219 = arith.constant 0.000000e+00 : f32
    %broadcast_in_dim3A_220 = vector.broadcast %jit3A_219 : f32 to vector<256x64xf32>
    %select_n3A_221 = arith.select %eq3A_202, %logistic3A_188, %broadcast_in_dim3A_220 : vector<256x64xi1>, vector<256x64xf32>
    %reduce_sum3A_222 = arith.constant dense<0.000000e+00> : vector<256xf32>
    %reduce_sum3A_223 = vector.multi_reduction <add>, %select_n3A_221, %reduce_sum3A_222 [1] : vector<256x64xf32> to vector<256xf32>
    %broadcast_in_dim3A_224 = vector.shape_cast %reduce_sum3A_223 : vector<256xf32> to vector<256x1xf32>
    %jit3A_225 = arith.constant 0.000000e+00 : f32
    %broadcast_in_dim3A_226 = vector.broadcast %jit3A_225 : f32 to vector<256x64xf32>
    %select_n3A_227 = arith.select %eq3A_218, %logistic3A_188, %broadcast_in_dim3A_226 : vector<256x64xi1>, vector<256x64xf32>
    %reduce_sum3A_228 = arith.constant dense<0.000000e+00> : vector<256xf32>
    %reduce_sum3A_229 = vector.multi_reduction <add>, %select_n3A_227, %reduce_sum3A_228 [1] : vector<256x64xf32> to vector<256xf32>
    %broadcast_in_dim3A_230 = vector.shape_cast %reduce_sum3A_229 : vector<256xf32> to vector<256x1xf32>
    %add3A_231 = arith.addf %broadcast_in_dim3A_224, %broadcast_in_dim3A_230 : vector<256x1xf32>
    %broadcast_in_dim3A_232 = vector.shape_cast %broadcast_in_dim3A_200 : vector<256x1xi32> to vector<256x1xi32>
    %broadcast_in_dim3A_233 = vector.broadcast %broadcast_in_dim3A_232 : vector<256x1xi32> to vector<256x128xi32>
    %swap3A_234 = arith.constant 0 : index
    %swap3A_235 = arith.constant 0 : index
    %swap3A_236 = vector.load %arg9[%swap3A_234, %swap3A_235] : memref<256x128xi32, #tpu.memory_space<vmem>>, vector<256x128xi32>
    tpu.vector_store %arg9[%swap3A_234, %swap3A_235], %broadcast_in_dim3A_233 {strides = array<i32>} : memref<256x128xi32, #tpu.memory_space<vmem>>, vector<256x128xi32>,
    %broadcast_in_dim3A_237 = vector.shape_cast %broadcast_in_dim3A_216 : vector<256x1xi32> to vector<256x1xi32>
    %broadcast_in_dim3A_238 = vector.broadcast %broadcast_in_dim3A_237 : vector<256x1xi32> to vector<256x128xi32>
    %swap3A_239 = arith.constant 0 : index
    %swap3A_240 = arith.constant 0 : index
    %swap3A_241 = vector.load %arg10[%swap3A_239, %swap3A_240] : memref<256x128xi32, #tpu.memory_space<vmem>>, vector<256x128xi32>
    tpu.vector_store %arg10[%swap3A_239, %swap3A_240], %broadcast_in_dim3A_238 {strides = array<i32>} : memref<256x128xi32, #tpu.memory_space<vmem>>, vector<256x128xi32>,
    %div3A_242 = arith.divf %broadcast_in_dim3A_224, %add3A_231 : vector<256x1xf32>
    %broadcast_in_dim3A_243 = vector.shape_cast %div3A_242 : vector<256x1xf32> to vector<256x1xf32>
    %broadcast_in_dim3A_244 = vector.broadcast %broadcast_in_dim3A_243 : vector<256x1xf32> to vector<256x128xf32>
    %swap3A_245 = arith.constant 0 : index
    %swap3A_246 = arith.constant 0 : index
    %swap3A_247 = vector.load %arg11[%swap3A_245, %swap3A_246] : memref<256x128xf32, #tpu.memory_space<vmem>>, vector<256x128xf32>
    tpu.vector_store %arg11[%swap3A_245, %swap3A_246], %broadcast_in_dim3A_244 {strides = array<i32>} : memref<256x128xf32, #tpu.memory_space<vmem>>, vector<256x128xf32>,
    %div3A_248 = arith.divf %broadcast_in_dim3A_230, %add3A_231 : vector<256x1xf32>
    %broadcast_in_dim3A_249 = vector.shape_cast %div3A_248 : vector<256x1xf32> to vector<256x1xf32>
    %broadcast_in_dim3A_250 = vector.broadcast %broadcast_in_dim3A_249 : vector<256x1xf32> to vector<256x128xf32>
    %swap3A_251 = arith.constant 0 : index
    %swap3A_252 = arith.constant 0 : index
    %swap3A_253 = vector.load %arg12[%swap3A_251, %swap3A_252] : memref<256x128xf32, #tpu.memory_space<vmem>>, vector<256x128xf32>
    tpu.vector_store %arg12[%swap3A_251, %swap3A_252], %broadcast_in_dim3A_250 {strides = array<i32>} : memref<256x128xf32, #tpu.memory_space<vmem>>, vector<256x128xf32>,
    %iota3A_254 = tpu.iota {dimensions = array<i32: 0>} : vector<256x256xi32>
    %iota3A_255 = tpu.iota {dimensions = array<i32: 1>} : vector<256x256xi32>
    %gt3A = arith.cmpi sgt, %iota3A_254, %iota3A_255 : vector<256x256xi32>
    %convert_element_type3A_256 = arith.extui %gt3A : vector<256x256xi1> to vector<256x256xi32>
    %convert_element_type3A_257 = arith.sitofp %convert_element_type3A_256 : vector<256x256xi32> to vector<256x256xf32>
    %convert_element_type3A_258 = arith.extui %eq3A_202 : vector<256x64xi1> to vector<256x64xi32>
    %convert_element_type3A_259 = arith.sitofp %convert_element_type3A_258 : vector<256x64xi32> to vector<256x64xf32>
    %convert_element_type3A_260 = arith.extui %eq3A_218 : vector<256x64xi1> to vector<256x64xi32>
    %convert_element_type3A_261 = arith.sitofp %convert_element_type3A_260 : vector<256x64xi32> to vector<256x64xf32>
    %dot_general3A_262 = arith.constant dense<0.000000e+00> : vector<256x64xf32>
    %dot_general3A_263 = tpu.matmul %convert_element_type3A_257, %convert_element_type3A_259, %dot_general3A_262 {dimension_numbers = #tpu.dot_dimension_numbers<[1], [0], [0], [1], [0, 0, 1, 1], [], []>, transpose_lhs_hint = false} : vector<256x256xf32>, vector<256x64xf32>, vector<256x64xf32> -> vector<256x64xf32>
    %mul3A_264 = arith.mulf %dot_general3A_263, %convert_element_type3A_259 : vector<256x64xf32>
    %reduce_sum3A_265 = arith.constant dense<0.000000e+00> : vector<256xf32>
    %reduce_sum3A_266 = vector.multi_reduction <add>, %mul3A_264, %reduce_sum3A_265 [1] : vector<256x64xf32> to vector<256xf32>
    %broadcast_in_dim3A_267 = vector.shape_cast %reduce_sum3A_266 : vector<256xf32> to vector<256x1xf32>
    %dot_general3A_268 = arith.constant dense<0.000000e+00> : vector<256x64xf32>
    %dot_general3A_269 = tpu.matmul %convert_element_type3A_257, %convert_element_type3A_261, %dot_general3A_268 {dimension_numbers = #tpu.dot_dimension_numbers<[1], [0], [0], [1], [0, 0, 1, 1], [], []>, transpose_lhs_hint = false} : vector<256x256xf32>, vector<256x64xf32>, vector<256x64xf32> -> vector<256x64xf32>
    %mul3A_270 = arith.mulf %dot_general3A_269, %convert_element_type3A_261 : vector<256x64xf32>
    %reduce_sum3A_271 = arith.constant dense<0.000000e+00> : vector<256xf32>
    %reduce_sum3A_272 = vector.multi_reduction <add>, %mul3A_270, %reduce_sum3A_271 [1] : vector<256x64xf32> to vector<256xf32>
    %broadcast_in_dim3A_273 = vector.shape_cast %reduce_sum3A_272 : vector<256xf32> to vector<256x1xf32>
    %get3A_274 = arith.constant 0 : index
    %get3A_275 = arith.constant 0 : index
    %get3A_276 = vector.load %arg15[%get3A_274, %get3A_275] : memref<1x64xf32, #tpu.memory_space<vmem>>, vector<1x64xf32>
    %mul3A_277 = vector.broadcast %get3A_276 : vector<1x64xf32> to vector<256x64xf32>
    %mul3A_278 = arith.mulf %mul3A_277, %convert_element_type3A_259 : vector<256x64xf32>
    %reduce_sum3A_279 = arith.constant dense<0.000000e+00> : vector<256xf32>
    %reduce_sum3A_280 = vector.multi_reduction <add>, %mul3A_278, %reduce_sum3A_279 [1] : vector<256x64xf32> to vector<256xf32>
    %broadcast_in_dim3A_281 = vector.shape_cast %reduce_sum3A_280 : vector<256xf32> to vector<256x1xf32>
    %get3A_282 = arith.constant 0 : index
    %get3A_283 = arith.constant 0 : index
    %get3A_284 = vector.load %arg16[%get3A_282, %get3A_283] : memref<1x64xf32, #tpu.memory_space<vmem>>, vector<1x64xf32>
    %mul3A_285 = vector.broadcast %get3A_284 : vector<1x64xf32> to vector<256x64xf32>
    %mul3A_286 = arith.mulf %mul3A_285, %convert_element_type3A_261 : vector<256x64xf32>
    %reduce_sum3A_287 = arith.constant dense<0.000000e+00> : vector<256xf32>
    %reduce_sum3A_288 = vector.multi_reduction <add>, %mul3A_286, %reduce_sum3A_287 [1] : vector<256x64xf32> to vector<256xf32>
    %broadcast_in_dim3A_289 = vector.shape_cast %reduce_sum3A_288 : vector<256xf32> to vector<256x1xf32>
    %add3A_290 = arith.addf %broadcast_in_dim3A_267, %broadcast_in_dim3A_281 : vector<256x1xf32>
    %broadcast_in_dim3A_291 = vector.shape_cast %add3A_290 : vector<256x1xf32> to vector<256x1xf32>
    %broadcast_in_dim3A_292 = vector.broadcast %broadcast_in_dim3A_291 : vector<256x1xf32> to vector<256x128xf32>
    %swap3A_293 = arith.constant 0 : index
    %swap3A_294 = arith.constant 0 : index
    %swap3A_295 = vector.load %arg13[%swap3A_293, %swap3A_294] : memref<256x128xf32, #tpu.memory_space<vmem>>, vector<256x128xf32>
    tpu.vector_store %arg13[%swap3A_293, %swap3A_294], %broadcast_in_dim3A_292 {strides = array<i32>} : memref<256x128xf32, #tpu.memory_space<vmem>>, vector<256x128xf32>,
    %add3A_296 = arith.addf %broadcast_in_dim3A_273, %broadcast_in_dim3A_289 : vector<256x1xf32>
    %broadcast_in_dim3A_297 = vector.shape_cast %add3A_296 : vector<256x1xf32> to vector<256x1xf32>
    %broadcast_in_dim3A_298 = vector.broadcast %broadcast_in_dim3A_297 : vector<256x1xf32> to vector<256x128xf32>
    %swap3A_299 = arith.constant 0 : index
    %swap3A_300 = arith.constant 0 : index
    %swap3A_301 = vector.load %arg14[%swap3A_299, %swap3A_300] : memref<256x128xf32, #tpu.memory_space<vmem>>, vector<256x128xf32>
    tpu.vector_store %arg14[%swap3A_299, %swap3A_300], %broadcast_in_dim3A_298 {strides = array<i32>} : memref<256x128xf32, #tpu.memory_space<vmem>>, vector<256x128xf32>,
    %get3A_302 = arith.constant 0 : index
    %get3A_303 = arith.constant 0 : index
    %get3A_304 = vector.load %arg15[%get3A_302, %get3A_303] : memref<1x64xf32, #tpu.memory_space<vmem>>, vector<1x64xf32>
    %reduce_sum3A_305 = arith.constant dense<0.000000e+00> : vector<64xf32>
    %reduce_sum3A_306 = vector.multi_reduction <add>, %convert_element_type3A_259, %reduce_sum3A_305 [0] : vector<256x64xf32> to vector<64xf32>
    %broadcast_in_dim3A_307 = vector.shape_cast %reduce_sum3A_306 : vector<64xf32> to vector<1x64xf32>
    %add3A_308 = arith.addf %get3A_304, %broadcast_in_dim3A_307 : vector<1x64xf32>
    %swap3A_309 = arith.constant 0 : index
    %swap3A_310 = arith.constant 0 : index
    %swap3A_311 = vector.load %arg15[%swap3A_309, %swap3A_310] : memref<1x64xf32, #tpu.memory_space<vmem>>, vector<1x64xf32>
    tpu.vector_store %arg15[%swap3A_309, %swap3A_310], %add3A_308 {strides = array<i32>} : memref<1x64xf32, #tpu.memory_space<vmem>>, vector<1x64xf32>,
    %get3A_312 = arith.constant 0 : index
    %get3A_313 = arith.constant 0 : index
    %get3A_314 = vector.load %arg16[%get3A_312, %get3A_313] : memref<1x64xf32, #tpu.memory_space<vmem>>, vector<1x64xf32>
    %reduce_sum3A_315 = arith.constant dense<0.000000e+00> : vector<64xf32>
    %reduce_sum3A_316 = vector.multi_reduction <add>, %convert_element_type3A_261, %reduce_sum3A_315 [0] : vector<256x64xf32> to vector<64xf32>
    %broadcast_in_dim3A_317 = vector.shape_cast %reduce_sum3A_316 : vector<64xf32> to vector<1x64xf32>
    %add3A_318 = arith.addf %get3A_314, %broadcast_in_dim3A_317 : vector<1x64xf32>
    %swap3A_319 = arith.constant 0 : index
    %swap3A_320 = arith.constant 0 : index
    %swap3A_321 = vector.load %arg16[%swap3A_319, %swap3A_320] : memref<1x64xf32, #tpu.memory_space<vmem>>, vector<1x64xf32>
    tpu.vector_store %arg16[%swap3A_319, %swap3A_320], %add3A_318 {strides = array<i32>} : memref<1x64xf32, #tpu.memory_space<vmem>>, vector<1x64xf32>,
    return
  }
  func.func @transform_0(%arg0: i32) -> (i32, i32, i32) {
    %c0_i32 = arith.constant 0 : i32
    %c0_i32_0 = arith.constant 0 : i32
    %c0_i32_1 = arith.constant 0 : i32
    return %c0_i32, %arg0, %c0_i32_0 : i32, i32, i32
  }
  func.func @transform_1(%arg0: i32) -> (i32, i32, i32) {
    %c0_i32 = arith.constant 0 : i32
    %c0_i32_0 = arith.constant 0 : i32
    %c0_i32_1 = arith.constant 0 : i32
    %c0_i32_2 = arith.constant 0 : i32
    return %c0_i32, %c0_i32_0, %c0_i32_1 : i32, i32, i32
  }
  func.func @transform_2(%arg0: i32) -> (i32, i32) {
    %c0_i32 = arith.constant 0 : i32
    %c0_i32_0 = arith.constant 0 : i32
    return %arg0, %c0_i32 : i32, i32
  }
  func.func @transform_3(%arg0: i32) -> (i32, i32) {
    %c0_i32 = arith.constant 0 : i32
    %c0_i32_0 = arith.constant 0 : i32
    %c0_i32_1 = arith.constant 0 : i32
    return %c0_i32, %c0_i32_0 : i32, i32
  }
  func.func @transform_4(%arg0: i32) -> (i32, i32) {
    %c0_i32 = arith.constant 0 : i32
    %c0_i32_0 = arith.constant 0 : i32
    %c0_i32_1 = arith.constant 0 : i32
    return %c0_i32, %c0_i32_0 : i32, i32
  }
  func.func @transform_5(%arg0: i32) -> (i32, i32) {
    %c0_i32 = arith.constant 0 : i32
    %c0_i32_0 = arith.constant 0 : i32
    %c0_i32_1 = arith.constant 0 : i32
    return %c0_i32, %c0_i32_0 : i32, i32
  }
  func.func @transform_6(%arg0: i32) -> (i32, i32) {
    %c0_i32 = arith.constant 0 : i32
    %c0_i32_0 = arith.constant 0 : i32
    return %arg0, %c0_i32 : i32, i32
  }
  func.func @transform_7(%arg0: i32) -> (i32, i32) {
    %c0_i32 = arith.constant 0 : i32
    %c0_i32_0 = arith.constant 0 : i32
    return %arg0, %c0_i32 : i32, i32
  }
  func.func @transform_8(%arg0: i32) -> (i32, i32) {
    %c0_i32 = arith.constant 0 : i32
    %c0_i32_0 = arith.constant 0 : i32
    return %arg0, %c0_i32 : i32, i32
  }
  func.func @transform_9(%arg0: i32) -> (i32, i32) {
    %c0_i32 = arith.constant 0 : i32
    %c0_i32_0 = arith.constant 0 : i32
    return %arg0, %c0_i32 : i32, i32
  }
  func.func @transform_10(%arg0: i32) -> (i32, i32) {
    %c0_i32 = arith.constant 0 : i32
    %c0_i32_0 = arith.constant 0 : i32
    return %arg0, %c0_i32 : i32, i32
  }
  func.func @transform_11(%arg0: i32) -> (i32, i32) {
    %c0_i32 = arith.constant 0 : i32
    %c0_i32_0 = arith.constant 0 : i32
    return %arg0, %c0_i32 : i32, i32
  }
  func.func @transform_12(%arg0: i32) -> (i32, i32) {
    %c0_i32 = arith.constant 0 : i32
    %c0_i32_0 = arith.constant 0 : i32
    return %arg0, %c0_i32 : i32, i32
  }
  func.func @transform_13(%arg0: i32) -> (i32, i32) {
    %c0_i32 = arith.constant 0 : i32
    %c0_i32_0 = arith.constant 0 : i32
    return %arg0, %c0_i32 : i32, i32
  }
}

module attributes {stable_mosaic.version = 14 : i64} {
  func.func @_k4_body(%arg0: i32, %arg1: memref<192xi32, #tpu.memory_space<smem>>, %arg2: memref<1xi32, #tpu.memory_space<smem>>, %arg3: memref<32x768xf32, #tpu.memory_space<vmem>>, %arg4: memref<1x768x384xf32, #tpu.memory_space<vmem>>, %arg5: memref<1x768x384xf32, #tpu.memory_space<vmem>>, %arg6: memref<1x384x768xf32, #tpu.memory_space<vmem>>, %arg7: memref<32x768xf32, #tpu.memory_space<vmem>>) attributes {dimension_semantics = [#tpu.dimension_semantics<arbitrary>], iteration_bounds = array<i64: 192>, scalar_prefetch = 2 : i64, scratch_operands = 0 : i64, tpu.core_type = #tpu.core_type<tc>, window_params = [{transform_indices = @transform_0, window_bounds = array<i64: 32, 768>}, {transform_indices = @transform_1, window_bounds = array<i64: 1, 768, 384>}, {transform_indices = @transform_2, window_bounds = array<i64: 1, 768, 384>}, {transform_indices = @transform_3, window_bounds = array<i64: 1, 384, 768>}, {transform_indices = @transform_4, window_bounds = array<i64: 32, 768>}]} {
    %get3A = arith.constant 0 : index
    %get3A_0 = memref.load %arg2[%get3A] : memref<1xi32, #tpu.memory_space<smem>>
    %lt3A = arith.cmpi slt, %arg0, %get3A_0 : i32
    %convert_element_type3A = arith.extui %lt3A : i1 to i32
    %cond3A = arith.constant 0 : i32
    %cond3A_1 = arith.cmpi ne, %convert_element_type3A, %cond3A : i32
    scf.if %cond3A_1 {
      %get3A_2 = arith.constant 0 : index
      %get3A_3 = arith.constant 0 : index
      %get3A_4 = vector.load %arg3[%get3A_2, %get3A_3] : memref<32x768xf32, #tpu.memory_space<vmem>>, vector<32x768xf32>
      %get3A_5 = arith.constant 0 : index
      %get3A_6 = arith.constant 0 : index
      %get3A_7 = arith.constant 0 : index
      %get3A_8 = vector.load %arg4[%get3A_5, %get3A_6, %get3A_7] : memref<1x768x384xf32, #tpu.memory_space<vmem>>, vector<1x768x384xf32>
      %get3A_9 = vector.shape_cast %get3A_8 : vector<1x768x384xf32> to vector<768x384xf32>
      %dot_general3A = arith.constant dense<0.000000e+00> : vector<32x384xf32>
      %dot_general3A_10 = tpu.matmul %get3A_4, %get3A_9, %dot_general3A {dimension_numbers = #tpu.dot_dimension_numbers<[1], [0], [0], [1], [0, 0, 1, 1], [], []>, transpose_lhs_hint = false} : vector<32x768xf32>, vector<768x384xf32>, vector<32x384xf32> -> vector<32x384xf32>
      %get3A_11 = arith.constant 0 : index
      %get3A_12 = arith.constant 0 : index
      %get3A_13 = arith.constant 0 : index
      %get3A_14 = vector.load %arg5[%get3A_11, %get3A_12, %get3A_13] : memref<1x768x384xf32, #tpu.memory_space<vmem>>, vector<1x768x384xf32>
      %get3A_15 = vector.shape_cast %get3A_14 : vector<1x768x384xf32> to vector<768x384xf32>
      %dot_general3A_16 = arith.constant dense<0.000000e+00> : vector<32x384xf32>
      %dot_general3A_17 = tpu.matmul %get3A_4, %get3A_15, %dot_general3A_16 {dimension_numbers = #tpu.dot_dimension_numbers<[1], [0], [0], [1], [0, 0, 1, 1], [], []>, transpose_lhs_hint = false} : vector<32x768xf32>, vector<768x384xf32>, vector<32x384xf32> -> vector<32x384xf32>
      %logistic3A = arith.negf %dot_general3A_10 : vector<32x384xf32>
      %logistic3A_18 = math.exp %logistic3A : vector<32x384xf32>
      %logistic3A_19 = arith.constant 1.000000e+00 : f32
      %logistic3A_20 = vector.broadcast %logistic3A_19 : f32 to vector<32x384xf32>
      %logistic3A_21 = arith.addf %logistic3A_20, %logistic3A_18 : vector<32x384xf32>
      %logistic3A_22 = arith.divf %logistic3A_20, %logistic3A_21 : vector<32x384xf32>
      %mul3A = arith.mulf %dot_general3A_10, %logistic3A_22 : vector<32x384xf32>
      %mul3A_23 = arith.mulf %mul3A, %dot_general3A_17 : vector<32x384xf32>
      %get3A_24 = arith.constant 0 : index
      %get3A_25 = arith.constant 0 : index
      %get3A_26 = arith.constant 0 : index
      %get3A_27 = vector.load %arg6[%get3A_24, %get3A_25, %get3A_26] : memref<1x384x768xf32, #tpu.memory_space<vmem>>, vector<1x384x768xf32>
      %get3A_28 = vector.shape_cast %get3A_27 : vector<1x384x768xf32> to vector<384x768xf32>
      %dot_general3A_29 = arith.constant dense<0.000000e+00> : vector<32x768xf32>
      %dot_general3A_30 = tpu.matmul %mul3A_23, %get3A_28, %dot_general3A_29 {dimension_numbers = #tpu.dot_dimension_numbers<[1], [0], [0], [1], [0, 0, 1, 1], [], []>, transpose_lhs_hint = false} : vector<32x384xf32>, vector<384x768xf32>, vector<32x768xf32> -> vector<32x768xf32>
      %swap3A = arith.constant 0 : index
      %swap3A_31 = arith.constant 0 : index
      %swap3A_32 = vector.load %arg7[%swap3A, %swap3A_31] : memref<32x768xf32, #tpu.memory_space<vmem>>, vector<32x768xf32>
      tpu.vector_store %arg7[%swap3A, %swap3A_31], %dot_general3A_30 {strides = array<i32>} : memref<32x768xf32, #tpu.memory_space<vmem>>, vector<32x768xf32>,
    } else {
    }
    return
  }
  func.func @transform_0(%arg0: i32, %arg1: memref<192xi32, #tpu.memory_space<smem>>, %arg2: memref<1xi32, #tpu.memory_space<smem>>) -> (i32, i32) {
    %get3A = arith.constant 0 : index
    %get3A_0 = memref.load %arg2[%get3A] : memref<1xi32, #tpu.memory_space<smem>>
    %sub3A = arith.constant 1 : i32
    %sub3A_1 = arith.subi %get3A_0, %sub3A : i32
    %min3A = arith.minsi %arg0, %sub3A_1 : i32
    %c0_i32 = arith.constant 0 : i32
    %c0_i32_2 = arith.constant 0 : i32
    return %min3A, %c0_i32 : i32, i32
  }
  func.func @transform_1(%arg0: i32, %arg1: memref<192xi32, #tpu.memory_space<smem>>, %arg2: memref<1xi32, #tpu.memory_space<smem>>) -> (i32, i32, i32) {
    %get3A = arith.index_cast %arg0 : i32 to index
    %get3A_0 = memref.load %arg1[%get3A] : memref<192xi32, #tpu.memory_space<smem>>
    %c0_i32 = arith.constant 0 : i32
    %c0_i32_1 = arith.constant 0 : i32
    %c0_i32_2 = arith.constant 0 : i32
    return %get3A_0, %c0_i32, %c0_i32_1 : i32, i32, i32
  }
  func.func @transform_2(%arg0: i32, %arg1: memref<192xi32, #tpu.memory_space<smem>>, %arg2: memref<1xi32, #tpu.memory_space<smem>>) -> (i32, i32, i32) {
    %get3A = arith.index_cast %arg0 : i32 to index
    %get3A_0 = memref.load %arg1[%get3A] : memref<192xi32, #tpu.memory_space<smem>>
    %c0_i32 = arith.constant 0 : i32
    %c0_i32_1 = arith.constant 0 : i32
    %c0_i32_2 = arith.constant 0 : i32
    return %get3A_0, %c0_i32, %c0_i32_1 : i32, i32, i32
  }
  func.func @transform_3(%arg0: i32, %arg1: memref<192xi32, #tpu.memory_space<smem>>, %arg2: memref<1xi32, #tpu.memory_space<smem>>) -> (i32, i32, i32) {
    %get3A = arith.index_cast %arg0 : i32 to index
    %get3A_0 = memref.load %arg1[%get3A] : memref<192xi32, #tpu.memory_space<smem>>
    %c0_i32 = arith.constant 0 : i32
    %c0_i32_1 = arith.constant 0 : i32
    %c0_i32_2 = arith.constant 0 : i32
    return %get3A_0, %c0_i32, %c0_i32_1 : i32, i32, i32
  }
  func.func @transform_4(%arg0: i32, %arg1: memref<192xi32, #tpu.memory_space<smem>>, %arg2: memref<1xi32, #tpu.memory_space<smem>>) -> (i32, i32) {
    %get3A = arith.constant 0 : index
    %get3A_0 = memref.load %arg2[%get3A] : memref<1xi32, #tpu.memory_space<smem>>
    %sub3A = arith.constant 1 : i32
    %sub3A_1 = arith.subi %get3A_0, %sub3A : i32
    %min3A = arith.minsi %arg0, %sub3A_1 : i32
    %c0_i32 = arith.constant 0 : i32
    %c0_i32_2 = arith.constant 0 : i32
    return %min3A, %c0_i32 : i32, i32
  }
}

module attributes {stable_mosaic.version = 14 : i64} {
  func.func @_k3b_body(%arg0: i32, %arg1: memref<256x768xf32, #tpu.memory_space<vmem>>, %arg2: memref<768x384xf32, #tpu.memory_space<vmem>>, %arg3: memref<768x384xf32, #tpu.memory_space<vmem>>, %arg4: memref<384x768xf32, #tpu.memory_space<vmem>>, %arg5: memref<256x768xf32, #tpu.memory_space<vmem>>) attributes {dimension_semantics = [#tpu.dimension_semantics<arbitrary>], iteration_bounds = array<i64: 8>, scalar_prefetch = 0 : i64, scratch_operands = 0 : i64, tpu.core_type = #tpu.core_type<tc>, window_params = [{transform_indices = @transform_0, window_bounds = array<i64: 256, 768>}, {pipeline_mode = #tpu.pipeline_mode<synchronous>, transform_indices = @transform_1, window_bounds = array<i64: 768, 384>}, {pipeline_mode = #tpu.pipeline_mode<synchronous>, transform_indices = @transform_2, window_bounds = array<i64: 768, 384>}, {pipeline_mode = #tpu.pipeline_mode<synchronous>, transform_indices = @transform_3, window_bounds = array<i64: 384, 768>}, {transform_indices = @transform_4, window_bounds = array<i64: 256, 768>}]} {
    %get3A = arith.constant 0 : index
    %get3A_0 = arith.constant 0 : index
    %get3A_1 = vector.load %arg1[%get3A, %get3A_0] : memref<256x768xf32, #tpu.memory_space<vmem>>, vector<256x768xf32>
    %get3A_2 = arith.constant 0 : index
    %get3A_3 = arith.constant 0 : index
    %get3A_4 = vector.load %arg2[%get3A_2, %get3A_3] : memref<768x384xf32, #tpu.memory_space<vmem>>, vector<768x384xf32>
    %dot_general3A = arith.constant dense<0.000000e+00> : vector<256x384xf32>
    %dot_general3A_5 = tpu.matmul %get3A_1, %get3A_4, %dot_general3A {dimension_numbers = #tpu.dot_dimension_numbers<[1], [0], [0], [1], [0, 0, 1, 1], [], []>, transpose_lhs_hint = false} : vector<256x768xf32>, vector<768x384xf32>, vector<256x384xf32> -> vector<256x384xf32>
    %get3A_6 = arith.constant 0 : index
    %get3A_7 = arith.constant 0 : index
    %get3A_8 = vector.load %arg3[%get3A_6, %get3A_7] : memref<768x384xf32, #tpu.memory_space<vmem>>, vector<768x384xf32>
    %dot_general3A_9 = arith.constant dense<0.000000e+00> : vector<256x384xf32>
    %dot_general3A_10 = tpu.matmul %get3A_1, %get3A_8, %dot_general3A_9 {dimension_numbers = #tpu.dot_dimension_numbers<[1], [0], [0], [1], [0, 0, 1, 1], [], []>, transpose_lhs_hint = false} : vector<256x768xf32>, vector<768x384xf32>, vector<256x384xf32> -> vector<256x384xf32>
    %logistic3A = arith.negf %dot_general3A_5 : vector<256x384xf32>
    %logistic3A_11 = math.exp %logistic3A : vector<256x384xf32>
    %logistic3A_12 = arith.constant 1.000000e+00 : f32
    %logistic3A_13 = vector.broadcast %logistic3A_12 : f32 to vector<256x384xf32>
    %logistic3A_14 = arith.addf %logistic3A_13, %logistic3A_11 : vector<256x384xf32>
    %logistic3A_15 = arith.divf %logistic3A_13, %logistic3A_14 : vector<256x384xf32>
    %mul3A = arith.mulf %dot_general3A_5, %logistic3A_15 : vector<256x384xf32>
    %mul3A_16 = arith.mulf %mul3A, %dot_general3A_10 : vector<256x384xf32>
    %get3A_17 = arith.constant 0 : index
    %get3A_18 = arith.constant 0 : index
    %get3A_19 = vector.load %arg4[%get3A_17, %get3A_18] : memref<384x768xf32, #tpu.memory_space<vmem>>, vector<384x768xf32>
    %dot_general3A_20 = arith.constant dense<0.000000e+00> : vector<256x768xf32>
    %dot_general3A_21 = tpu.matmul %mul3A_16, %get3A_19, %dot_general3A_20 {dimension_numbers = #tpu.dot_dimension_numbers<[1], [0], [0], [1], [0, 0, 1, 1], [], []>, transpose_lhs_hint = false} : vector<256x384xf32>, vector<384x768xf32>, vector<256x768xf32> -> vector<256x768xf32>
    %swap3A = arith.constant 0 : index
    %swap3A_22 = arith.constant 0 : index
    %swap3A_23 = vector.load %arg5[%swap3A, %swap3A_22] : memref<256x768xf32, #tpu.memory_space<vmem>>, vector<256x768xf32>
    tpu.vector_store %arg5[%swap3A, %swap3A_22], %dot_general3A_21 {strides = array<i32>} : memref<256x768xf32, #tpu.memory_space<vmem>>, vector<256x768xf32>,
    return
  }
  func.func @transform_0(%arg0: i32) -> (i32, i32) {
    %c0_i32 = arith.constant 0 : i32
    %c0_i32_0 = arith.constant 0 : i32
    return %arg0, %c0_i32 : i32, i32
  }
  func.func @transform_1(%arg0: i32) -> (i32, i32) {
    %c0_i32 = arith.constant 0 : i32
    %c0_i32_0 = arith.constant 0 : i32
    %c0_i32_1 = arith.constant 0 : i32
    return %c0_i32, %c0_i32_0 : i32, i32
  }
  func.func @transform_2(%arg0: i32) -> (i32, i32) {
    %c0_i32 = arith.constant 0 : i32
    %c0_i32_0 = arith.constant 0 : i32
    %c0_i32_1 = arith.constant 0 : i32
    return %c0_i32, %c0_i32_0 : i32, i32
  }
  func.func @transform_3(%arg0: i32) -> (i32, i32) {
    %c0_i32 = arith.constant 0 : i32
    %c0_i32_0 = arith.constant 0 : i32
    %c0_i32_1 = arith.constant 0 : i32
    return %c0_i32, %c0_i32_0 : i32, i32
  }
  func.func @transform_4(%arg0: i32) -> (i32, i32) {
    %c0_i32 = arith.constant 0 : i32
    %c0_i32_0 = arith.constant 0 : i32
    return %arg0, %c0_i32 : i32, i32
  }
}

module attributes {stable_mosaic.version = 14 : i64} {
  func.func @_k5_body(%arg0: i32, %arg1: memref<256x768xf32, #tpu.memory_space<vmem>>, %arg2: memref<256x768xf32, #tpu.memory_space<vmem>>, %arg3: memref<256x768xf32, #tpu.memory_space<vmem>>, %arg4: memref<256x768xf32, #tpu.memory_space<vmem>>, %arg5: memref<256x128xf32, #tpu.memory_space<vmem>>, %arg6: memref<256x128xf32, #tpu.memory_space<vmem>>, %arg7: memref<256x768xf32, #tpu.memory_space<vmem>>) attributes {dimension_semantics = [#tpu.dimension_semantics<arbitrary>], iteration_bounds = array<i64: 8>, scalar_prefetch = 0 : i64, scratch_operands = 0 : i64, tpu.core_type = #tpu.core_type<tc>, window_params = [{transform_indices = @transform_0, window_bounds = array<i64: 256, 768>}, {transform_indices = @transform_1, window_bounds = array<i64: 256, 768>}, {transform_indices = @transform_2, window_bounds = array<i64: 256, 768>}, {transform_indices = @transform_3, window_bounds = array<i64: 256, 768>}, {transform_indices = @transform_4, window_bounds = array<i64: 256, 128>}, {transform_indices = @transform_5, window_bounds = array<i64: 256, 128>}, {transform_indices = @transform_6, window_bounds = array<i64: 256, 768>}]} {
    %get3A = arith.constant 0 : index
    %get3A_0 = arith.constant 0 : index
    %get3A_1 = vector.load %arg5[%get3A, %get3A_0] : memref<256x128xf32, #tpu.memory_space<vmem>>, vector<256x1xf32>
    %get3A_2 = arith.constant 0 : index
    %get3A_3 = arith.constant 0 : index
    %get3A_4 = vector.load %arg6[%get3A_2, %get3A_3] : memref<256x128xf32, #tpu.memory_space<vmem>>, vector<256x1xf32>
    %get3A_5 = arith.constant 0 : index
    %get3A_6 = arith.constant 0 : index
    %get3A_7 = vector.load %arg1[%get3A_5, %get3A_6] : memref<256x768xf32, #tpu.memory_space<vmem>>, vector<256x768xf32>
    %get3A_8 = arith.constant 0 : index
    %get3A_9 = arith.constant 0 : index
    %get3A_10 = vector.load %arg2[%get3A_8, %get3A_9] : memref<256x768xf32, #tpu.memory_space<vmem>>, vector<256x768xf32>
    %add3A = arith.addf %get3A_7, %get3A_10 : vector<256x768xf32>
    %get3A_11 = arith.constant 0 : index
    %get3A_12 = arith.constant 0 : index
    %get3A_13 = vector.load %arg3[%get3A_11, %get3A_12] : memref<256x768xf32, #tpu.memory_space<vmem>>, vector<256x768xf32>
    %mul3A = vector.broadcast %get3A_1 : vector<256x1xf32> to vector<256x768xf32>
    %mul3A_14 = arith.mulf %mul3A, %get3A_13 : vector<256x768xf32>
    %add3A_15 = arith.addf %add3A, %mul3A_14 : vector<256x768xf32>
    %get3A_16 = arith.constant 0 : index
    %get3A_17 = arith.constant 0 : index
    %get3A_18 = vector.load %arg4[%get3A_16, %get3A_17] : memref<256x768xf32, #tpu.memory_space<vmem>>, vector<256x768xf32>
    %mul3A_19 = vector.broadcast %get3A_4 : vector<256x1xf32> to vector<256x768xf32>
    %mul3A_20 = arith.mulf %mul3A_19, %get3A_18 : vector<256x768xf32>
    %add3A_21 = arith.addf %add3A_15, %mul3A_20 : vector<256x768xf32>
    %swap3A = arith.constant 0 : index
    %swap3A_22 = arith.constant 0 : index
    %swap3A_23 = vector.load %arg7[%swap3A, %swap3A_22] : memref<256x768xf32, #tpu.memory_space<vmem>>, vector<256x768xf32>
    tpu.vector_store %arg7[%swap3A, %swap3A_22], %add3A_21 {strides = array<i32>} : memref<256x768xf32, #tpu.memory_space<vmem>>, vector<256x768xf32>,
    return
  }
  func.func @transform_0(%arg0: i32) -> (i32, i32) {
    %c0_i32 = arith.constant 0 : i32
    %c0_i32_0 = arith.constant 0 : i32
    return %arg0, %c0_i32 : i32, i32
  }
  func.func @transform_1(%arg0: i32) -> (i32, i32) {
    %c0_i32 = arith.constant 0 : i32
    %c0_i32_0 = arith.constant 0 : i32
    return %arg0, %c0_i32 : i32, i32
  }
  func.func @transform_2(%arg0: i32) -> (i32, i32) {
    %c0_i32 = arith.constant 0 : i32
    %c0_i32_0 = arith.constant 0 : i32
    return %arg0, %c0_i32 : i32, i32
  }
  func.func @transform_3(%arg0: i32) -> (i32, i32) {
    %add3A = arith.constant 8 : i32
    %add3A_0 = arith.addi %arg0, %add3A : i32
    %c0_i32 = arith.constant 0 : i32
    %c0_i32_1 = arith.constant 0 : i32
    return %add3A_0, %c0_i32 : i32, i32
  }
  func.func @transform_4(%arg0: i32) -> (i32, i32) {
    %c0_i32 = arith.constant 0 : i32
    %c0_i32_0 = arith.constant 0 : i32
    return %arg0, %c0_i32 : i32, i32
  }
  func.func @transform_5(%arg0: i32) -> (i32, i32) {
    %c0_i32 = arith.constant 0 : i32
    %c0_i32_0 = arith.constant 0 : i32
    return %arg0, %c0_i32 : i32, i32
  }
  func.func @transform_6(%arg0: i32) -> (i32, i32) {
    %c0_i32 = arith.constant 0 : i32
    %c0_i32_0 = arith.constant 0 : i32
    return %arg0, %c0_i32 : i32, i32
  }
}

</mosaic_0001>

<sc_bundles>
// kernel: kernel.10.cloned.1.call-start
scs
__scs_entry_jumppad:
0x0: {  	(pc) =	sbr.rel $0x88, $3  }
0x1: {  	(tag) =	ssettag $0x0;
	lr =	simm.s32 $0x1  }
0x2: {  	[smem:$0x3F91] =	sst lr;
	_ =	strace $0xD0000000  }
0x3: {  	_ = 	snop  }
0x4: {  	_ = 	snop  }
0x5: {  	_ = 	snop  }
0x6: {  	_ = 	snop  }
0x7: {  	_ = 	snop  }
__scs_overlays_trampoline_lowered:
0x8: {  	[smem:$0x3FA0] =	sst s0  }
0x9: {  	[smem:$0x3FA1] =	sst s1  }
0xa: {  	[smem:$0x3FA2] =	sst s2  }
0xb: {  	[smem:$0x3FA3] =	sst s3  }
0xc: {  	[smem:$0x3FA4] =	sst s4  }
0xd: {  	[smem:$0x3FA5] =	sst s5  }
0xe: {  	[smem:$0x3FA6] =	sst s6  }
0xf: {  	[smem:$0x3FA7] =	sst s7  }
0x10: {  	[smem:$0x3FA8] =	sst s8  }
0x11: {  	[smem:$0x3FA9] =	sst s9;
	s0 =	simm.s32 @!p0 $0x0  }
0x12: {  	s1 =	sld [smem:$0x3F8F];
	s0 =	simm.s32 @p0 $0x1  }
0x13: {  	[smem:$0x3FAA] =	sst s0;
	s0 =	simm.s32 @!p1 $0x0  }
0x14: {  	s2 =	sld [smem:$0x3F8E];
	s0 =	simm.s32 @p1 $0x1  }
0x15: {  	[smem:$0x3FAB] =	sst s0;
	s0 =	simm.s32 @!p2 $0x0  }
0x16: {  	s3 =	sld [smem:$0x3FDB];
	s0 =	simm.s32 @p2 $0x1  }
0x17: {  	s4 =	simm.s32 $0x1BF5;
	[smem:$0x3FAD] =	sst s0  }
0x18: {  	s0 =	sld [smem:$0x3F90];
	_ =	swait.ge [sflag:s4], $0x0  }
0x19: {  	s7 =	sld [smem:$0x3F91]  }
0x1a: {  	s8 =	sadd.s32 $0xFFFFE003, lr  }
0x1b: {  	s9 =	sadd.s32 $0xFFFFFEF7, lr;
	s5 =	simm.s32 $0xFFFFFFFF;
	p2 =	slt.u32 s8, $0xFFFFF086  }
0x1c: {  	p1 =	slt.u32 s9, $0xF7A;
	s5 =	simm.s32 @!p2 $0x0  }
0x1d: {  	s5 =	simm.s32 @p1 $0x1;
	p0 =	seq.s32 s7, s2  }
0x1e: {  	s7 =	smul.u32 @!p0 $0xF7A, s2;
	p2 =	seq.s32 @!p0 s5, $0x0  }
0x1f: {  	s9 =	smul.u32 $0xF7A, s1;
	s8 =	simm.s32 @!p0 $0x1BF5;
	p2 =	por !p2, p0  }
0x20: {  	[sflag:s8] =	ssyncset.s32 @!p0 $0xFFFFF086;
	s6 =	sadd.s32 @!p0 s3, s7;
	s7 =	simm.s32 @!p0 $0x108  }
0x21: {  	s3 =	sadd.s32 s3, s9;
	s6 =	sadd.s32 @!p0 $0x88, s6;
	s7 =	simm.s32 @p2 $0x1082  }
0x22: {  	[simem:s7], [sflag:s8] =	dma.local @!p0 [hbm:s6], $0xF7A  }
0x23: {  	s9 =	sor.u32 $0xD0000000, s2;
	s6 =	simm.s32 $0x108;
	_ =	swait.ge @!p0 [sflag:s8], $0x0  }
0x24: {  	s3 =	sadd.s32 $0x88, s3;
	s6 =	simm.s32 @!p1 $0x1082;
	[sflag:s4] =	ssyncset.s32 $0xFFFFF086  }
0x25: {  	[simem:s6], [sflag:s4] =	dma.local [hbm:s3], $0xF7A  }
0x26: {  	[smem:$0x3F91] =	sst s1;
	(tag) =	ssettag s2;
	_ =	strace s9  }
0x27: {  	s1 =	sld [smem:$0x3FA1]  }
0x28: {  	s2 =	sld [smem:$0x3FA2]  }
0x29: {  	s4 =	sld [smem:$0x3FA4]  }
0x2a: {  	p0 =	seq.s32 s5, $0x0;
	s5 =	sld [smem:$0x3FA5]  }
0x2b: {  	s6 =	sld [smem:$0x3FA6]  }
0x2c: {  	s7 =	sld [smem:$0x3FA7]  }
0x2d: {  	s3 =	simm.s32 $0x108;
	s8 =	sld [smem:$0x3FA8]  }
0x2e: {  	s3 =	simm.s32 @!p0 $0x1082;
	s9 =	sld [smem:$0x3FA9]  }
0x2f: {  	lr =	sadd.s32 s0, s3;
	s0 =	sld [smem:$0x3FA0]  }
0x30: {  	s3 =	sld [smem:$0x3FA3]  }
0x31: {  	[smem:$0x3FAC] =	sst s10  }
0x32: {  	s10 =	sld [smem:$0x3FAA];
	_ =	sdelay $0x3  }
0x33: {  	p0 =	seq.s32 s10, $0x1;
	s10 =	sld [smem:$0x3FAC];
	_ =	sdelay $0x3  }
0x34: {  	[smem:$0x3FAC] =	sst s10  }
0x35: {  	s10 =	sld [smem:$0x3FAB];
	_ =	sdelay $0x3  }
0x36: {  	p1 =	seq.s32 s10, $0x1;
	s10 =	sld [smem:$0x3FAC];
	_ =	sdelay $0x3  }
0x37: {  	[smem:$0x3FAC] =	sst s10  }
0x38: {  	s10 =	sld [smem:$0x3FAD]  }
0x39: {  	_ = 	snop;
	(pc) =	sbr.ind lr, $3  }
0x3a: {  	_ = 	snop  }
0x3b: {  	_ = 	snop  }
0x3c: {  	p2 =	seq.s32 s10, $0x1;
	s10 =	sld [smem:$0x3FAC]  }
0x3d: {  	_ =	shalt  }
0x3e: {  	_ =	shalt  }
0x3f: {  	_ =	shalt  }
0x40: {  	_ =	shalt  }
0x41: {  	_ =	shalt  }
0x42: {  	_ =	shalt  }
0x43: {  	_ =	shalt  }
0x44: {  	_ =	shalt  }
0x45: {  	_ =	shalt  }
0x46: {  	_ =	shalt  }
0x47: {  	_ =	shalt  }
0x48: {  	_ =	shalt  }
0x49: {  	_ =	shalt  }
0x4a: {  	_ =	shalt  }
0x4b: {  	_ =	shalt  }
0x4c: {  	_ =	shalt  }
0x4d: {  	_ =	shalt  }
0x4e: {  	_ =	shalt  }
0x4f: {  	_ =	shalt  }
0x50: {  	_ =	shalt  }
0x51: {  	_ =	shalt  }
0x52: {  	_ =	shalt  }
0x53: {  	_ =	shalt  }
0x54: {  	_ =	shalt  }
0x55: {  	_ =	shalt  }
0x56: {  	_ =	shalt  }
0x57: {  	_ =	shalt  }
0x58: {  	_ =	shalt  }
0x59: {  	_ =	shalt  }
0x5a: {  	_ =	shalt  }
0x5b: {  	_ =	shalt  }
0x5c: {  	_ =	shalt  }
0x5d: {  	_ =	shalt  }
0x5e: {  	_ =	shalt  }
0x5f: {  	_ =	shalt  }
0x60: {  	_ =	shalt  }
0x61: {  	_ =	shalt  }
0x62: {  	_ =	shalt  }
0x63: {  	_ =	shalt  }
0x64: {  	_ =	shalt  }
0x65: {  	_ =	shalt  }
0x66: {  	_ =	shalt  }
0x67: {  	_ =	shalt  }
0x68: {  	_ =	shalt  }
0x69: {  	_ =	shalt  }
0x6a: {  	_ =	shalt  }
0x6b: {  	_ =	shalt  }
0x6c: {  	_ =	shalt  }
0x6d: {  	_ =	shalt  }
0x6e: {  	_ =	shalt  }
0x6f: {  	_ =	shalt  }
0x70: {  	_ =	shalt  }
0x71: {  	_ =	shalt  }
0x72: {  	_ =	shalt  }
0x73: {  	_ =	shalt  }
0x74: {  	_ =	shalt  }
0x75: {  	_ =	shalt  }
0x76: {  	_ =	shalt  }
0x77: {  	_ =	shalt  }
0x78: {  	_ =	shalt  }
0x79: {  	_ =	shalt  }
0x7a: {  	_ =	shalt  }
0x7b: {  	_ =	shalt  }
0x7c: {  	_ =	shalt  }
0x7d: {  	_ =	shalt  }
0x7e: {  	_ =	shalt  }
0x7f: {  	_ =	shalt  }
0x80: {  	_ =	shalt  }
0x81: {  	_ =	shalt  }
0x82: {  	_ =	shalt  }
0x83: {  	_ =	shalt  }
0x84: {  	_ =	shalt  }
0x85: {  	_ =	shalt  }
0x86: {  	_ =	shalt  }
0x87: {  	_ =	shalt  }
.Lfunc_end0:
.L_simem_size_0:
called_computation_lowered:
.L_overlay_start_0:
0x88: {  	s2 =	sld [smem:$0x3FD9]  }
0x89: {  	s3 =	sld [smem:$0x3FFE];
	_ =	sdelay $0x1  }
0x8a: {  	s1 =	srdreg.scid  }
0x8b: {  	s0 =	sand.u32 $0x1, s1  }
0x8c: {  	s17 =	sshll.u32 s0, $0xA;
	s2 =	sadd.s32 s3, s2  }
0x8d: {  	s2 =	sadd.s32 s2, s17  }
0x8e: {  	[smem:$0x3FB8] =	sst s2  }
0x8f: {  	_ = 	snop  }
0x90: {  	s2 =	sld [smem:$0x3FD0];
	(tm) =	ssettm $0x1  }
0x91: {  	s18 =	sld [smem:$0x3FFB];
	_ =	sdelay $0x3  }
0x92: {  	_ =	strace s18  }
0x93: {  	s3 =	sld [smem:$0x3FFC];
	_ =	sdelay $0x3  }
0x94: {  	_ =	strace s3  }
0x95: {  	s3 =	sld [smem:$0x3FFD];
	_ =	sdelay $0x3  }
0x96: {  	_ =	strace s3  }
0x97: {  	_ =	strace $0x8FFFFFFF  }
0x98: {  	s19 =	sld [smem:$0x3FDB];
	_ =	sdelay $0x1  }
0x99: {  	s4 =	simm.s32 $_scs_section_size  }
0x9a: {  	s5 =	simm.s32 $_size__tile_overlayer_lowered;
	s6 =	simm.s32 $_tile_overlayer_lowered  }
0x9b: {  	s22 =	simm.s32 $0x1BFF;
	s21 =	sshll.u32 s6, $0x1;
	s3 =	sadd.s32 s4, s19  }
0x9c: {  	s7 =	simm.s32 $0x0;
	s20 =	sshll.u32 s5, $0x1;
	s5 =	sadd.s32 s21, s3  }
0x9d: {  	[timem:s7], [sflag:s22] =	dma.local [hbm:s5], s20  }
0x9e: {  	_ =	swait.ge [sflag:s22], s20  }
0x9f: {  	s4 =	ssub.s32 $0x0, s20;
	[sflag:s22] =	ssyncset.done $0x0  }
0xa0: {  	[sflag:s22] =	ssyncadd.s32 s4;
	_ =	sdelay $0x1  }
0xa1: {  	s23 =	simm.s32 $0x1B8B  }
0xa2: {  	_ =	swait.ge [sflag:s23], $0x1  }
0xa3: {  	[sflag:s23] =	ssyncset.done $0x0  }
0xa4: {  	s25 =	simm.s32 $0x1B8E;
	s24 =	sld [smem:$0x3FFE];
	[sflag:s23] =	ssyncadd.s32 $0xFFFFFFFF  }
0xa5: {  	s26 =	simm.s32 $execute0_lowered;
	[smem:$0x3FD2] =	sst s25  }
0xa6: {  	s5 =	sshll.u32 s26, $0x1;
	_ =	strace $0x80000046;
	[dreg:$0x1] =	wrdreg $0xFFFFFFFF  }
0xa7: {  	s28 =	simm.s32 $_size_execute0_lowered;
	s3 =	sadd.s32 s3, s5;
	[dreg:$0x0] =	wrdreg $0x0  }
0xa8: {  	s5 =	sshll.u32 s28, $0x1;
	[dreg:$0x2] =	wrdreg s3  }
0xa9: {  	[dreg:$0x3] =	wrdreg s5  }
0xaa: {  	[dreg:$0x4] =	wrdreg $0xC0  }
0xab: {  	_ =	task [dreg:s7], $0x5FFFF  }
0xac: {  	[dreg:$0x1] =	wrdreg $0xFFFFFFFF  }
0xad: {  	[dreg:$0x0] =	wrdreg $0x60  }
0xae: {  	[dreg:$0x2] =	wrdreg s2  }
0xaf: {  	[dreg:$0x3] =	wrdreg s24  }
0xb0: {  	[dreg:$0x4] =	wrdreg $0x9  }
0xb1: {  	_ =	task.clear_ibuf [dreg:s7], $0x5FFFF;
	_ =	strace $0x90000046  }
0xb2: {  	s29 =	simm.s32 $0x9;
	_ =	strace $0x80000048  }
0xb3: {  	_ =	swait.ge [sflag:s29], $0x1  }
0xb4: {  	[sflag:s29] =	ssyncadd.s32 $0xFFFFFFFF  }
0xb5: {  	_ =	strace $0x90000048  }
0xb6: {  	_ =	sfence  }
0xb7: {  	s30 =	sld [smem:$0x0];
	_ =	sdelay $0x2  }
0xb8: {  	s31 =	sshll.u32 s1, $0xD;
	s1 =	sshrl.u32 s1, $0x2  }
0xb9: {  	s3 =	sand.u32 $0x4000, s31;
	s1 =	sadd.s32 s1, s30  }
0xba: {  	s0 =	sor.u32 s3, s0;
	s1 =	sshll.u32 s1, $0x11  }
0xbb: {  	s0 =	sor.u32 s1, s0  }
0xbc: {  	s0 =	sadd.s32 $0x8F2B, s0  }
0xbd: {  	[sflag:s0] =	ssyncadd.remote.s32 $0x1  }
0xbe: {  	_ =	sfence.sel $0xFFFF  }
0xbf: {  	[dreg:$0x0] =	wrdreg $0xFFFFFFFF;
	(pc) =	sbr.abs _section_cstart, $3  }
0xc0: {  	[dreg:$0x1] =	wrdreg $0xFFFFFFFF  }
0xc1: {  	_ =	task.clear_ibuf [dreg:s7], $0x2FFFF;
	_ =	strace $0x9FFFFFFF  }
0xc2: {  	(tm) =	ssettm $0x7FFFFFFF  }
0xc3: {  	_ =	shalt  }
tec
execute0_lowered:
.L_overlay_start_1:
0x0: {  	(tag) =	ssettag $0x1  }
0x1: {  	s0 =	rddreg [dreg:$0x0];
	s1 =	srdreg.scid  }
0x2: {  	s2 =	stileid.u32;
	s5 =	rddreg [dreg:$0x1];
	s26 =	simm.s32 $0xC000  }
0x3: {  	s10 =	simm.s32 $0x1800;
	s11 =	simm.s32 $0x2000;
	s12 =	simm.s32 $0x2800  }
0x4: {  	s13 =	simm.s32 $0x3000;
	s14 =	simm.s32 $0x3800;
	s15 =	simm.s32 $0x4000  }
0x5: {  	s16 =	simm.s32 $0x4800;
	s17 =	simm.s32 $0x5000;
	s18 =	simm.s32 $0x5800  }
0x6: {  	s19 =	simm.s32 $0x6000;
	s20 =	simm.s32 $0x6800;
	s21 =	simm.s32 $0x7000  }
0x7: {  	s22 =	simm.s32 $0x7800;
	s23 =	simm.s32 $0x8000;
	s24 =	simm.s32 $0x8800  }
0x8: {  	s25 =	simm.s32 $0x9000;
	s28 =	simm.s32 $0xA000;
	s29 =	simm.s32 $0xA800  }
0x9: {  	s30 =	simm.s32 $0xB000;
	s1 =	sand.u32 $0x1, s1;
	s3 =	sshll.u32 s2, $0x1  }
0xa: {  	s31 =	simm.s32 $0xB800;
	s2 =	simm.s32 $0x0;
	s3 =	sor.u32 s1, s3  }
0xb: {  	[smem:$0x7FF] =	sst s2;
	s1 =	ssub.s32 $0x2, s1;
	s4 =	sshll.u32 s3, $0x5  }
0xc: {  	_ =	strace $0x80000047;
	s6 =	smul.u32 $0x1800, s3;
	s3 =	sadd.s32 $0x8800, s5  }
0xd: {  	s7 =	sshrl.u32 s1, $0x1;
	[dreg:$0x5] =	wrdreg s26;
	s4 =	sadd.s32 s4, s5  }
0xe: {  	s26 =	simm.s32 $0x9800;
	s1 =	ssub.s32 s1, s7;
	s4 =	sadd.s32 $0x8400, s4  }
0xf: {  	v2 =	vlaneseq.u32;
	s7 =	simm.s32 $0x3;
	s0 =	sadd.s32 s0, s6;
	[dreg:$0x3] =	wrdreg s4  }
0x10: {  	vm0 =	vmmov $0xffff;
	v1 =	vshrl.u32 v2, $0x3;
	s6 =	smax.u32 s1, $0x1;
	s1 =	simm.s32 $0x1;
	[dreg:$0x4] =	wrdreg s0  }
0x11: {  	v0 =	vand.u32 $0x7, v2;
	v2 =	vor.u32 $0x8, v2;
	v1 =	vmul.u32 $0x8, v1;
	s4 =	sadd.s32 $0x8900, s5;
	s5 =	sadd.s32 $0x8A00, s5;
	s0 =	simm.s32 $0x2  }
.LBB2_1:
0x12: {  	s8 =	rddreg [dreg:$0x3]  }
0x13: {  	s9 =	rddreg [dreg:$0x5]  }
0x14: {  	[tilespmem:s9], [sflag:$0x3] =	stream.linear.gather [hbm4b:s8+s2], $0x100, $0x38;
	[tilespmem:$0xC100] =	vst v63  }
0x15: {  	_ =	swait.ge [sflag:s7], $0x100  }
0x16: {  	[sflag:s7] =	ssyncset.done $0x0  }
0x17: {  	s9 =	rddreg [dreg:$0x4];
	[sflag:s7] =	ssyncadd.s32 $0xFFFFFF00  }
0x18: {  	[tilespmem:s2], [sflag:$0x3] =	stream.linear.gather [hbm4b:s9+s2], $0xC000, $0x38;
	[tilespmem:$0xC100] =	vst v63  }
0x19: {  	_ =	swait.ge [sflag:s7], $0xC000  }
0x1a: {  	[sflag:s7] =	ssyncset.done $0x0  }
0x1b: {  	[sflag:s7] =	ssyncadd.s32 $0xFFFF4000  }
0x1c: {  	v3 =	vld [tilespmem:$0xC000];
	_ =	sdelay $0x4  }
0x1d: {  	v4 =	vshrl.u32 v3, $0x3  }
0x1e: {  	v4 =	vmul.u32 $0x30, v4  }
0x1f: {  	v3 =	vand.u32 $0x7, v3  }
0x20: {  	v3 =	vor.u32 v3, v4  }
0x21: {  	v4 =	vperm.xlane v3, v0;
	_ =	sdelay $0x1  }
0x22: {  	v4 =	vadd.s32 v1, v4;
	_ =	sdelay $0x3  }
0x23: {  	v3 =	vperm.xlane v3, v2  }
0x24: {  	[hbm4b:s3+s2] =	stream.indirect_vreg.scatter [tilespmem:s2], [sflag:$0x1], $0x80, v4, vm0, $0xb8;
	[tilespmem:$0xC100] =	vst v63  }
0x25: {  	s8 =	simm.s32 $0x800;
	v3 =	vadd.s32 v1, v3  }
0x26: {  	[hbm4b:s4+s2] =	stream.indirect_vreg.scatter [tilespmem:s8], [sflag:$0x1], $0x80, v4, vm0, $0xb8;
	[tilespmem:$0xC100] =	vst v63  }
0x27: {  	s9 =	simm.s32 $0x1000  }
0x28: {  	[hbm4b:s5+s2] =	stream.indirect_vreg.scatter [tilespmem:s9], [sflag:$0x1], $0x80, v4, vm0, $0xb8;
	[tilespmem:$0xC100] =	vst v63  }
0x29: {  	_ = 	snop  }
0x2a: {  	[hbm4b:s3+s2] =	stream.indirect_vreg.scatter [tilespmem:s10], [sflag:$0x1], $0x80, v3, vm0, $0xb8;
	[tilespmem:$0xC100] =	vst v63  }
0x2b: {  	_ = 	snop  }
0x2c: {  	[hbm4b:s4+s2] =	stream.indirect_vreg.scatter [tilespmem:s11], [sflag:$0x1], $0x80, v3, vm0, $0xb8;
	[tilespmem:$0xC100] =	vst v63  }
0x2d: {  	_ = 	snop  }
0x2e: {  	[hbm4b:s5+s2] =	stream.indirect_vreg.scatter [tilespmem:s12], [sflag:$0x1], $0x80, v3, vm0, $0xb8;
	[tilespmem:$0xC100] =	vst v63  }
0x2f: {  	v3 =	vld [tilespmem:$0xC010];
	_ =	sdelay $0x4  }
0x30: {  	v57 =	vshrl.u32 v3, $0x3  }
0x31: {  	v4 =	vmul.u32 $0x30, v57  }
0x32: {  	v3 =	vand.u32 $0x7, v3  }
0x33: {  	v3 =	vor.u32 v3, v4  }
0x34: {  	v4 =	vperm.xlane v3, v0;
	_ =	sdelay $0x1  }
0x35: {  	v4 =	vadd.s32 v1, v4;
	_ =	sdelay $0x3  }
0x36: {  	v3 =	vperm.xlane v3, v2  }
0x37: {  	[hbm4b:s3+s2] =	stream.indirect_vreg.scatter [tilespmem:s13], [sflag:$0x1], $0x80, v4, vm0, $0xb8;
	[tilespmem:$0xC100] =	vst v63  }
0x38: {  	v3 =	vadd.s32 v1, v3  }
0x39: {  	[hbm4b:s4+s2] =	stream.indirect_vreg.scatter [tilespmem:s14], [sflag:$0x1], $0x80, v4, vm0, $0xb8;
	[tilespmem:$0xC100] =	vst v63  }
0x3a: {  	_ = 	snop  }
0x3b: {  	[hbm4b:s5+s2] =	stream.indirect_vreg.scatter [tilespmem:s15], [sflag:$0x1], $0x80, v4, vm0, $0xb8;
	[tilespmem:$0xC100] =	vst v63  }
0x3c: {  	_ = 	snop  }
0x3d: {  	[hbm4b:s3+s2] =	stream.indirect_vreg.scatter [tilespmem:s16], [sflag:$0x1], $0x80, v3, vm0, $0xb8;
	[tilespmem:$0xC100] =	vst v63  }
0x3e: {  	_ = 	snop  }
0x3f: {  	[hbm4b:s4+s2] =	stream.indirect_vreg.scatter [tilespmem:s17], [sflag:$0x1], $0x80, v3, vm0, $0xb8;
	[tilespmem:$0xC100] =	vst v63  }
0x40: {  	_ = 	snop  }
0x41: {  	[hbm4b:s5+s2] =	stream.indirect_vreg.scatter [tilespmem:s18], [sflag:$0x1], $0x80, v3, vm0, $0xb8;
	[tilespmem:$0xC100] =	vst v63  }
0x42: {  	v3 =	vld [tilespmem:$0xC020];
	_ =	sdelay $0x4  }
0x43: {  	v58 =	vshrl.u32 v3, $0x3  }
0x44: {  	v4 =	vmul.u32 $0x30, v58  }
0x45: {  	v3 =	vand.u32 $0x7, v3  }
0x46: {  	v3 =	vor.u32 v3, v4  }
0x47: {  	v4 =	vperm.xlane v3, v0;
	_ =	sdelay $0x1  }
0x48: {  	v4 =	vadd.s32 v1, v4;
	_ =	sdelay $0x3  }
0x49: {  	v3 =	vperm.xlane v3, v2  }
0x4a: {  	[hbm4b:s3+s2] =	stream.indirect_vreg.scatter [tilespmem:s19], [sflag:$0x1], $0x80, v4, vm0, $0xb8;
	[tilespmem:$0xC100] =	vst v63  }
0x4b: {  	v3 =	vadd.s32 v1, v3  }
0x4c: {  	[hbm4b:s4+s2] =	stream.indirect_vreg.scatter [tilespmem:s20], [sflag:$0x1], $0x80, v4, vm0, $0xb8;
	[tilespmem:$0xC100] =	vst v63  }
0x4d: {  	_ = 	snop  }
0x4e: {  	[hbm4b:s5+s2] =	stream.indirect_vreg.scatter [tilespmem:s21], [sflag:$0x1], $0x80, v4, vm0, $0xb8;
	[tilespmem:$0xC100] =	vst v63  }
0x4f: {  	_ = 	snop  }
0x50: {  	[hbm4b:s3+s2] =	stream.indirect_vreg.scatter [tilespmem:s22], [sflag:$0x1], $0x80, v3, vm0, $0xb8;
	[tilespmem:$0xC100] =	vst v63  }
0x51: {  	_ = 	snop  }
0x52: {  	[hbm4b:s4+s2] =	stream.indirect_vreg.scatter [tilespmem:s23], [sflag:$0x1], $0x80, v3, vm0, $0xb8;
	[tilespmem:$0xC100] =	vst v63  }
0x53: {  	_ = 	snop  }
0x54: {  	[hbm4b:s5+s2] =	stream.indirect_vreg.scatter [tilespmem:s24], [sflag:$0x1], $0x80, v3, vm0, $0xb8;
	[tilespmem:$0xC100] =	vst v63  }
0x55: {  	v3 =	vld [tilespmem:$0xC030];
	_ =	sdelay $0x4  }
0x56: {  	v59 =	vshrl.u32 v3, $0x3  }
0x57: {  	v4 =	vmul.u32 $0x30, v59  }
0x58: {  	v3 =	vand.u32 $0x7, v3  }
0x59: {  	v3 =	vor.u32 v3, v4  }
0x5a: {  	v4 =	vperm.xlane v3, v0;
	_ =	sdelay $0x1  }
0x5b: {  	v4 =	vadd.s32 v1, v4;
	_ =	sdelay $0x3  }
0x5c: {  	v3 =	vperm.xlane v3, v2  }
0x5d: {  	[hbm4b:s3+s2] =	stream.indirect_vreg.scatter [tilespmem:s25], [sflag:$0x1], $0x80, v4, vm0, $0xb8;
	[tilespmem:$0xC100] =	vst v63  }
0x5e: {  	v3 =	vadd.s32 v1, v3  }
0x5f: {  	[hbm4b:s4+s2] =	stream.indirect_vreg.scatter [tilespmem:s26], [sflag:$0x1], $0x80, v4, vm0, $0xb8;
	[tilespmem:$0xC100] =	vst v63  }
0x60: {  	_ = 	snop  }
0x61: {  	[hbm4b:s5+s2] =	stream.indirect_vreg.scatter [tilespmem:s28], [sflag:$0x1], $0x80, v4, vm0, $0xb8;
	[tilespmem:$0xC100] =	vst v63  }
0x62: {  	_ = 	snop  }
0x63: {  	[hbm4b:s3+s2] =	stream.indirect_vreg.scatter [tilespmem:s29], [sflag:$0x1], $0x80, v3, vm0, $0xb8;
	[tilespmem:$0xC100] =	vst v63  }
0x64: {  	_ = 	snop  }
0x65: {  	[hbm4b:s4+s2] =	stream.indirect_vreg.scatter [tilespmem:s30], [sflag:$0x1], $0x80, v3, vm0, $0xb8;
	[tilespmem:$0xC100] =	vst v63  }
0x66: {  	_ = 	snop  }
0x67: {  	[hbm4b:s5+s2] =	stream.indirect_vreg.scatter [tilespmem:s31], [sflag:$0x1], $0x80, v3, vm0, $0xb8;
	[tilespmem:$0xC100] =	vst v63  }
0x68: {  	v3 =	vld [tilespmem:$0xC080];
	_ =	sdelay $0x4  }
0x69: {  	v60 =	vshrl.u32 v3, $0x3  }
0x6a: {  	v4 =	vmul.u32 $0x30, v60  }
0x6b: {  	v3 =	vand.u32 $0x7, v3  }
0x6c: {  	v3 =	vor.u32 v3, v4  }
0x6d: {  	v4 =	vperm.xlane v3, v0;
	_ =	sdelay $0x1  }
0x6e: {  	v4 =	vadd.s32 v1, v4;
	_ =	sdelay $0x3  }
0x6f: {  	v3 =	vperm.xlane v3, v2  }
0x70: {  	[hbm4b:s3+s2] =	stream.indirect_vreg.scatter [tilespmem:s2], [sflag:$0x2], $0x80, v4, vm0, $0xb8;
	[tilespmem:$0xC100] =	vst v63  }
0x71: {  	v3 =	vadd.s32 v1, v3  }
0x72: {  	[hbm4b:s4+s2] =	stream.indirect_vreg.scatter [tilespmem:s8], [sflag:$0x2], $0x80, v4, vm0, $0xb8;
	[tilespmem:$0xC100] =	vst v63  }
0x73: {  	_ = 	snop  }
0x74: {  	[hbm4b:s5+s2] =	stream.indirect_vreg.scatter [tilespmem:s9], [sflag:$0x2], $0x80, v4, vm0, $0xb8;
	[tilespmem:$0xC100] =	vst v63  }
0x75: {  	_ = 	snop  }
0x76: {  	[hbm4b:s3+s2] =	stream.indirect_vreg.scatter [tilespmem:s10], [sflag:$0x2], $0x80, v3, vm0, $0xb8;
	[tilespmem:$0xC100] =	vst v63  }
0x77: {  	_ = 	snop  }
0x78: {  	[hbm4b:s4+s2] =	stream.indirect_vreg.scatter [tilespmem:s11], [sflag:$0x2], $0x80, v3, vm0, $0xb8;
	[tilespmem:$0xC100] =	vst v63  }
0x79: {  	_ = 	snop  }
0x7a: {  	[hbm4b:s5+s2] =	stream.indirect_vreg.scatter [tilespmem:s12], [sflag:$0x2], $0x80, v3, vm0, $0xb8;
	[tilespmem:$0xC100] =	vst v63  }
0x7b: {  	v3 =	vld [tilespmem:$0xC090];
	_ =	sdelay $0x4  }
0x7c: {  	v61 =	vshrl.u32 v3, $0x3  }
0x7d: {  	v4 =	vmul.u32 $0x30, v61  }
0x7e: {  	v3 =	vand.u32 $0x7, v3  }
0x7f: {  	v3 =	vor.u32 v3, v4  }
0x80: {  	v4 =	vperm.xlane v3, v0;
	_ =	sdelay $0x1  }
0x81: {  	v4 =	vadd.s32 v1, v4;
	_ =	sdelay $0x3  }
0x82: {  	v3 =	vperm.xlane v3, v2  }
0x83: {  	[hbm4b:s3+s2] =	stream.indirect_vreg.scatter [tilespmem:s13], [sflag:$0x2], $0x80, v4, vm0, $0xb8;
	[tilespmem:$0xC100] =	vst v63  }
0x84: {  	v3 =	vadd.s32 v1, v3  }
0x85: {  	[hbm4b:s4+s2] =	stream.indirect_vreg.scatter [tilespmem:s14], [sflag:$0x2], $0x80, v4, vm0, $0xb8;
	[tilespmem:$0xC100] =	vst v63  }
0x86: {  	_ = 	snop  }
0x87: {  	[hbm4b:s5+s2] =	stream.indirect_vreg.scatter [tilespmem:s15], [sflag:$0x2], $0x80, v4, vm0, $0xb8;
	[tilespmem:$0xC100] =	vst v63  }
0x88: {  	_ = 	snop  }
0x89: {  	[hbm4b:s3+s2] =	stream.indirect_vreg.scatter [tilespmem:s16], [sflag:$0x2], $0x80, v3, vm0, $0xb8;
	[tilespmem:$0xC100] =	vst v63  }
0x8a: {  	_ = 	snop  }
0x8b: {  	[hbm4b:s4+s2] =	stream.indirect_vreg.scatter [tilespmem:s17], [sflag:$0x2], $0x80, v3, vm0, $0xb8;
	[tilespmem:$0xC100] =	vst v63  }
0x8c: {  	_ = 	snop  }
0x8d: {  	[hbm4b:s5+s2] =	stream.indirect_vreg.scatter [tilespmem:s18], [sflag:$0x2], $0x80, v3, vm0, $0xb8;
	[tilespmem:$0xC100] =	vst v63  }
0x8e: {  	v3 =	vld [tilespmem:$0xC0A0];
	_ =	sdelay $0x4  }
0x8f: {  	v62 =	vshrl.u32 v3, $0x3  }
0x90: {  	v4 =	vmul.u32 $0x30, v62  }
0x91: {  	v3 =	vand.u32 $0x7, v3  }
0x92: {  	v3 =	vor.u32 v3, v4  }
0x93: {  	v4 =	vperm.xlane v3, v0;
	_ =	sdelay $0x1  }
0x94: {  	v4 =	vadd.s32 v1, v4;
	_ =	sdelay $0x3  }
0x95: {  	v3 =	vperm.xlane v3, v2  }
0x96: {  	[hbm4b:s3+s2] =	stream.indirect_vreg.scatter [tilespmem:s19], [sflag:$0x2], $0x80, v4, vm0, $0xb8;
	[tilespmem:$0xC100] =	vst v63  }
0x97: {  	v3 =	vadd.s32 v1, v3  }
0x98: {  	[hbm4b:s4+s2] =	stream.indirect_vreg.scatter [tilespmem:s20], [sflag:$0x2], $0x80, v4, vm0, $0xb8;
	[tilespmem:$0xC100] =	vst v63  }
0x99: {  	_ = 	snop  }
0x9a: {  	[hbm4b:s5+s2] =	stream.indirect_vreg.scatter [tilespmem:s21], [sflag:$0x2], $0x80, v4, vm0, $0xb8;
	[tilespmem:$0xC100] =	vst v63  }
0x9b: {  	_ = 	snop  }
0x9c: {  	[hbm4b:s3+s2] =	stream.indirect_vreg.scatter [tilespmem:s22], [sflag:$0x2], $0x80, v3, vm0, $0xb8;
	[tilespmem:$0xC100] =	vst v63  }
0x9d: {  	_ = 	snop  }
0x9e: {  	[hbm4b:s4+s2] =	stream.indirect_vreg.scatter [tilespmem:s23], [sflag:$0x2], $0x80, v3, vm0, $0xb8;
	[tilespmem:$0xC100] =	vst v63  }
0x9f: {  	_ = 	snop  }
0xa0: {  	[hbm4b:s5+s2] =	stream.indirect_vreg.scatter [tilespmem:s24], [sflag:$0x2], $0x80, v3, vm0, $0xb8;
	[tilespmem:$0xC100] =	vst v63  }
0xa1: {  	v3 =	vld [tilespmem:$0xC0B0];
	_ =	sdelay $0x4  }
0xa2: {  	v63 =	vshrl.u32 v3, $0x3  }
0xa3: {  	v4 =	vmul.u32 $0x30, v63  }
0xa4: {  	v3 =	vand.u32 $0x7, v3  }
0xa5: {  	v3 =	vor.u32 v3, v4  }
0xa6: {  	v4 =	vperm.xlane v3, v0;
	_ =	sdelay $0x1  }
0xa7: {  	v4 =	vadd.s32 v1, v4;
	_ =	sdelay $0x3  }
0xa8: {  	v3 =	vperm.xlane v3, v2  }
0xa9: {  	[hbm4b:s3+s2] =	stream.indirect_vreg.scatter [tilespmem:s25], [sflag:$0x2], $0x80, v4, vm0, $0xb8;
	[tilespmem:$0xC100] =	vst v63  }
0xaa: {  	v3 =	vadd.s32 v1, v3  }
0xab: {  	[hbm4b:s4+s2] =	stream.indirect_vreg.scatter [tilespmem:s26], [sflag:$0x2], $0x80, v4, vm0, $0xb8;
	[tilespmem:$0xC100] =	vst v63  }
0xac: {  	_ = 	snop  }
0xad: {  	[hbm4b:s5+s2] =	stream.indirect_vreg.scatter [tilespmem:s28], [sflag:$0x2], $0x80, v4, vm0, $0xb8;
	[tilespmem:$0xC100] =	vst v63  }
0xae: {  	_ = 	snop  }
0xaf: {  	[hbm4b:s3+s2] =	stream.indirect_vreg.scatter [tilespmem:s29], [sflag:$0x2], $0x80, v3, vm0, $0xb8;
	[tilespmem:$0xC100] =	vst v63  }
0xb0: {  	_ = 	snop  }
0xb1: {  	[hbm4b:s4+s2] =	stream.indirect_vreg.scatter [tilespmem:s30], [sflag:$0x2], $0x80, v3, vm0, $0xb8;
	[tilespmem:$0xC100] =	vst v63  }
0xb2: {  	_ = 	snop  }
0xb3: {  	[hbm4b:s5+s2] =	stream.indirect_vreg.scatter [tilespmem:s31], [sflag:$0x2], $0x80, v3, vm0, $0xb8;
	[tilespmem:$0xC100] =	vst v63  }
0xb4: {  	p0 =	sne.s32 s6, $0x1;
	_ =	swait.ge [sflag:s1], $0xC000  }
.Ltmp0:
0xb5: {  	[sflag:s1] =	ssyncset.done $0x0;
	(pc) =	sbr.rel @p0 .LBB2_1-.Ltmp0, $4  }
0xb6: {  	[sflag:s1] =	ssyncadd.s32 $0xFFFF4000  }
0xb7: {  	_ =	swait.ge [sflag:s0], $0xC000  }
0xb8: {  	[sflag:s0] =	ssyncset.done $0x0  }
0xb9: {  	s6 =	sadd.s32 $0xFFFFFFFF, s6;
	[sflag:s0] =	ssyncadd.s32 $0xFFFF4000  }
0xba: {  	_ =	sfence.sel $0x180000  }
0xbb: {  	[bflag:$0x0] =	sbarrier.arrive $0xFFFF  }
0xbc: {  	_ =	strace $0x90000047  }
0xbd: {  	s0 =	stileid.u32;
	[bflag:$0x2] =	sbarrier.arrive $0xFFFF  }
0xbe: {  	p0 =	sne.s32 s0, $0x0;
	s0 =	rddreg [dreg:$0x2]  }
0xbf: {  	s0 =	sadd.s32 @!p0 $0x100000, s0  }
0xc0: {  	[sflag:s0] =	ssyncadd.tile.s32 @!p0 $0x1;
	_ =	shalt  }
.Lfunc_end2:
_tile_overlayer_lowered:
.L_overlay_start_2:
0xc1: {  	(tag) =	ssettag $0x2  }
0xc2: {  	s0 =	rddreg [dreg:$0x0];
	s2 =	stileid.u32  }
0xc3: {  	s1 =	rddreg [dreg:$0x1];
	p0 =	sne.s32 s2, $0x0  }
0xc4: {  	s3 =	rddreg [dreg:$0x2];
	[bflag:$0x3] =	sbarrier.arrive $0xFFFF;
	s2 =	simm.s32 @!p0 $0x1C03  }
0xc5: {  	[timem:s3], [sflag:s2] =	dma.local @!p0 [hbm:s0], s1  }
0xc6: {  	s0 =	simm.s32 @!p0 $0x3  }
0xc7: {  	_ =	swait.ge @!p0 [sflag:s0], s1  }
0xc8: {  	s1 =	ssub.s32 @!p0 $0x0, s1;
	[sflag:s0] =	ssyncset.done @!p0 $0x0  }
0xc9: {  	[sflag:s0] =	ssyncadd.s32 @!p0 s1  }
0xca: {  	[bflag:$0x3] =	sbarrier.arrive $0xFFFF  }
0xcb: {  	_ =	shalt  }

// kernel: kernel.13.cloned.1.call-start
scs
__scs_entry_jumppad:
0x0: {  	(pc) =	sbr.rel $0x88, $3  }
0x1: {  	(tag) =	ssettag $0x0;
	lr =	simm.s32 $0x1  }
0x2: {  	[smem:$0x3F91] =	sst lr;
	_ =	strace $0xD0000000  }
0x3: {  	_ = 	snop  }
0x4: {  	_ = 	snop  }
0x5: {  	_ = 	snop  }
0x6: {  	_ = 	snop  }
0x7: {  	_ = 	snop  }
__scs_overlays_trampoline_lowered:
0x8: {  	[smem:$0x3FA0] =	sst s0  }
0x9: {  	[smem:$0x3FA1] =	sst s1  }
0xa: {  	[smem:$0x3FA2] =	sst s2  }
0xb: {  	[smem:$0x3FA3] =	sst s3  }
0xc: {  	[smem:$0x3FA4] =	sst s4  }
0xd: {  	[smem:$0x3FA5] =	sst s5  }
0xe: {  	[smem:$0x3FA6] =	sst s6  }
0xf: {  	[smem:$0x3FA7] =	sst s7  }
0x10: {  	[smem:$0x3FA8] =	sst s8  }
0x11: {  	[smem:$0x3FA9] =	sst s9;
	s0 =	simm.s32 @!p0 $0x0  }
0x12: {  	s1 =	sld [smem:$0x3F8F];
	s0 =	simm.s32 @p0 $0x1  }
0x13: {  	[smem:$0x3FAA] =	sst s0;
	s0 =	simm.s32 @!p1 $0x0  }
0x14: {  	s2 =	sld [smem:$0x3F8E];
	s0 =	simm.s32 @p1 $0x1  }
0x15: {  	[smem:$0x3FAB] =	sst s0;
	s0 =	simm.s32 @!p2 $0x0  }
0x16: {  	s3 =	sld [smem:$0x3FDB];
	s0 =	simm.s32 @p2 $0x1  }
0x17: {  	s4 =	simm.s32 $0x1BF5;
	[smem:$0x3FAD] =	sst s0  }
0x18: {  	s0 =	sld [smem:$0x3F90];
	_ =	swait.ge [sflag:s4], $0x0  }
0x19: {  	s7 =	sld [smem:$0x3F91]  }
0x1a: {  	s8 =	sadd.s32 $0xFFFFE003, lr  }
0x1b: {  	s9 =	sadd.s32 $0xFFFFFEF7, lr;
	s5 =	simm.s32 $0xFFFFFFFF;
	p2 =	slt.u32 s8, $0xFFFFF086  }
0x1c: {  	p1 =	slt.u32 s9, $0xF7A;
	s5 =	simm.s32 @!p2 $0x0  }
0x1d: {  	s5 =	simm.s32 @p1 $0x1;
	p0 =	seq.s32 s7, s2  }
0x1e: {  	s7 =	smul.u32 @!p0 $0xF7A, s2;
	p2 =	seq.s32 @!p0 s5, $0x0  }
0x1f: {  	s9 =	smul.u32 $0xF7A, s1;
	s8 =	simm.s32 @!p0 $0x1BF5;
	p2 =	por !p2, p0  }
0x20: {  	[sflag:s8] =	ssyncset.s32 @!p0 $0xFFFFF086;
	s6 =	sadd.s32 @!p0 s3, s7;
	s7 =	simm.s32 @!p0 $0x108  }
0x21: {  	s3 =	sadd.s32 s3, s9;
	s6 =	sadd.s32 @!p0 $0x88, s6;
	s7 =	simm.s32 @p2 $0x1082  }
0x22: {  	[simem:s7], [sflag:s8] =	dma.local @!p0 [hbm:s6], $0xF7A  }
0x23: {  	s9 =	sor.u32 $0xD0000000, s2;
	s6 =	simm.s32 $0x108;
	_ =	swait.ge @!p0 [sflag:s8], $0x0  }
0x24: {  	s3 =	sadd.s32 $0x88, s3;
	s6 =	simm.s32 @!p1 $0x1082;
	[sflag:s4] =	ssyncset.s32 $0xFFFFF086  }
0x25: {  	[simem:s6], [sflag:s4] =	dma.local [hbm:s3], $0xF7A  }
0x26: {  	[smem:$0x3F91] =	sst s1;
	(tag) =	ssettag s2;
	_ =	strace s9  }
0x27: {  	s1 =	sld [smem:$0x3FA1]  }
0x28: {  	s2 =	sld [smem:$0x3FA2]  }
0x29: {  	s4 =	sld [smem:$0x3FA4]  }
0x2a: {  	p0 =	seq.s32 s5, $0x0;
	s5 =	sld [smem:$0x3FA5]  }
0x2b: {  	s6 =	sld [smem:$0x3FA6]  }
0x2c: {  	s7 =	sld [smem:$0x3FA7]  }
0x2d: {  	s3 =	simm.s32 $0x108;
	s8 =	sld [smem:$0x3FA8]  }
0x2e: {  	s3 =	simm.s32 @!p0 $0x1082;
	s9 =	sld [smem:$0x3FA9]  }
0x2f: {  	lr =	sadd.s32 s0, s3;
	s0 =	sld [smem:$0x3FA0]  }
0x30: {  	s3 =	sld [smem:$0x3FA3]  }
0x31: {  	[smem:$0x3FAC] =	sst s10  }
0x32: {  	s10 =	sld [smem:$0x3FAA];
	_ =	sdelay $0x3  }
0x33: {  	p0 =	seq.s32 s10, $0x1;
	s10 =	sld [smem:$0x3FAC];
	_ =	sdelay $0x3  }
0x34: {  	[smem:$0x3FAC] =	sst s10  }
0x35: {  	s10 =	sld [smem:$0x3FAB];
	_ =	sdelay $0x3  }
0x36: {  	p1 =	seq.s32 s10, $0x1;
	s10 =	sld [smem:$0x3FAC];
	_ =	sdelay $0x3  }
0x37: {  	[smem:$0x3FAC] =	sst s10  }
0x38: {  	s10 =	sld [smem:$0x3FAD]  }
0x39: {  	_ = 	snop;
	(pc) =	sbr.ind lr, $3  }
0x3a: {  	_ = 	snop  }
0x3b: {  	_ = 	snop  }
0x3c: {  	p2 =	seq.s32 s10, $0x1;
	s10 =	sld [smem:$0x3FAC]  }
0x3d: {  	_ =	shalt  }
0x3e: {  	_ =	shalt  }
0x3f: {  	_ =	shalt  }
0x40: {  	_ =	shalt  }
0x41: {  	_ =	shalt  }
0x42: {  	_ =	shalt  }
0x43: {  	_ =	shalt  }
0x44: {  	_ =	shalt  }
0x45: {  	_ =	shalt  }
0x46: {  	_ =	shalt  }
0x47: {  	_ =	shalt  }
0x48: {  	_ =	shalt  }
0x49: {  	_ =	shalt  }
0x4a: {  	_ =	shalt  }
0x4b: {  	_ =	shalt  }
0x4c: {  	_ =	shalt  }
0x4d: {  	_ =	shalt  }
0x4e: {  	_ =	shalt  }
0x4f: {  	_ =	shalt  }
0x50: {  	_ =	shalt  }
0x51: {  	_ =	shalt  }
0x52: {  	_ =	shalt  }
0x53: {  	_ =	shalt  }
0x54: {  	_ =	shalt  }
0x55: {  	_ =	shalt  }
0x56: {  	_ =	shalt  }
0x57: {  	_ =	shalt  }
0x58: {  	_ =	shalt  }
0x59: {  	_ =	shalt  }
0x5a: {  	_ =	shalt  }
0x5b: {  	_ =	shalt  }
0x5c: {  	_ =	shalt  }
0x5d: {  	_ =	shalt  }
0x5e: {  	_ =	shalt  }
0x5f: {  	_ =	shalt  }
0x60: {  	_ =	shalt  }
0x61: {  	_ =	shalt  }
0x62: {  	_ =	shalt  }
0x63: {  	_ =	shalt  }
0x64: {  	_ =	shalt  }
0x65: {  	_ =	shalt  }
0x66: {  	_ =	shalt  }
0x67: {  	_ =	shalt  }
0x68: {  	_ =	shalt  }
0x69: {  	_ =	shalt  }
0x6a: {  	_ =	shalt  }
0x6b: {  	_ =	shalt  }
0x6c: {  	_ =	shalt  }
0x6d: {  	_ =	shalt  }
0x6e: {  	_ =	shalt  }
0x6f: {  	_ =	shalt  }
0x70: {  	_ =	shalt  }
0x71: {  	_ =	shalt  }
0x72: {  	_ =	shalt  }
0x73: {  	_ =	shalt  }
0x74: {  	_ =	shalt  }
0x75: {  	_ =	shalt  }
0x76: {  	_ =	shalt  }
0x77: {  	_ =	shalt  }
0x78: {  	_ =	shalt  }
0x79: {  	_ =	shalt  }
0x7a: {  	_ =	shalt  }
0x7b: {  	_ =	shalt  }
0x7c: {  	_ =	shalt  }
0x7d: {  	_ =	shalt  }
0x7e: {  	_ =	shalt  }
0x7f: {  	_ =	shalt  }
0x80: {  	_ =	shalt  }
0x81: {  	_ =	shalt  }
0x82: {  	_ =	shalt  }
0x83: {  	_ =	shalt  }
0x84: {  	_ =	shalt  }
0x85: {  	_ =	shalt  }
0x86: {  	_ =	shalt  }
0x87: {  	_ =	shalt  }
.Lfunc_end0:
.L_simem_size_0:
called_computation.1_lowered:
.L_overlay_start_0:
0x88: {  	s2 =	sld [smem:$0x3FD9]  }
0x89: {  	s3 =	sld [smem:$0x3FFE];
	_ =	sdelay $0x1  }
0x8a: {  	s1 =	srdreg.scid  }
0x8b: {  	s0 =	sand.u32 $0x1, s1  }
0x8c: {  	s16 =	sshll.u32 s0, $0xA;
	s2 =	sadd.s32 s3, s2  }
0x8d: {  	s2 =	sadd.s32 s2, s16  }
0x8e: {  	[smem:$0x3FB8] =	sst s2  }
0x8f: {  	_ = 	snop  }
0x90: {  	(tm) =	ssettm $0x1  }
0x91: {  	s17 =	sld [smem:$0x3FFB];
	_ =	sdelay $0x3  }
0x92: {  	_ =	strace s17  }
0x93: {  	s2 =	sld [smem:$0x3FFC];
	_ =	sdelay $0x3  }
0x94: {  	_ =	strace s2  }
0x95: {  	s2 =	sld [smem:$0x3FFD];
	_ =	sdelay $0x3  }
0x96: {  	_ =	strace s2  }
0x97: {  	_ =	strace $0x8FFFFFFF  }
0x98: {  	s18 =	sld [smem:$0x3FDB];
	_ =	sdelay $0x1  }
0x99: {  	s19 =	simm.s32 $_scs_section_size  }
0x9a: {  	s4 =	simm.s32 $_size__tile_overlayer_lowered;
	s5 =	simm.s32 $_tile_overlayer_lowered  }
0x9b: {  	s22 =	simm.s32 $0x1BFF;
	s21 =	sshll.u32 s5, $0x1;
	s2 =	sadd.s32 s19, s18  }
0x9c: {  	s6 =	simm.s32 $0x0;
	s20 =	sshll.u32 s4, $0x1;
	s4 =	sadd.s32 s21, s2  }
0x9d: {  	[timem:s6], [sflag:s22] =	dma.local [hbm:s4], s20  }
0x9e: {  	_ =	swait.ge [sflag:s22], s20  }
0x9f: {  	s3 =	ssub.s32 $0x0, s20;
	[sflag:s22] =	ssyncset.done $0x0  }
0xa0: {  	[sflag:s22] =	ssyncadd.s32 s3;
	_ =	sdelay $0x1  }
0xa1: {  	s23 =	simm.s32 $0x1B8B  }
0xa2: {  	_ =	swait.ge [sflag:s23], $0x1  }
0xa3: {  	[sflag:s23] =	ssyncset.done $0x0  }
0xa4: {  	s25 =	simm.s32 $0x1B8E;
	s24 =	sld [smem:$0x3FFE];
	[sflag:s23] =	ssyncadd.s32 $0xFFFFFFFF  }
0xa5: {  	s26 =	simm.s32 $execute0_lowered;
	[smem:$0x3FD2] =	sst s25  }
0xa6: {  	s4 =	sshll.u32 s26, $0x1;
	_ =	strace $0x80000049;
	[dreg:$0x1] =	wrdreg $0xFFFFFFFF  }
0xa7: {  	s28 =	simm.s32 $_size_execute0_lowered;
	s2 =	sadd.s32 s2, s4;
	[dreg:$0x0] =	wrdreg $0x0  }
0xa8: {  	s4 =	sshll.u32 s28, $0x1;
	[dreg:$0x2] =	wrdreg s2  }
0xa9: {  	[dreg:$0x3] =	wrdreg s4  }
0xaa: {  	[dreg:$0x4] =	wrdreg $0xC0  }
0xab: {  	_ =	task [dreg:s6], $0x5FFFF  }
0xac: {  	[dreg:$0x1] =	wrdreg $0xFFFFFFFF  }
0xad: {  	[dreg:$0x0] =	wrdreg $0x60  }
0xae: {  	[dreg:$0x2] =	wrdreg s24  }
0xaf: {  	[dreg:$0x3] =	wrdreg $0x9  }
0xb0: {  	_ =	task.clear_ibuf [dreg:s6], $0x4FFFF;
	_ =	strace $0x90000049  }
0xb1: {  	s29 =	simm.s32 $0x9;
	_ =	strace $0x8000004B  }
0xb2: {  	_ =	swait.ge [sflag:s29], $0x1  }
0xb3: {  	[sflag:s29] =	ssyncadd.s32 $0xFFFFFFFF  }
0xb4: {  	_ =	strace $0x9000004B  }
0xb5: {  	_ =	sfence  }
0xb6: {  	s30 =	sld [smem:$0x0];
	_ =	sdelay $0x2  }
0xb7: {  	s31 =	sshll.u32 s1, $0xD;
	s1 =	sshrl.u32 s1, $0x2  }
0xb8: {  	s3 =	sand.u32 $0x4000, s31;
	s1 =	sadd.s32 s1, s30  }
0xb9: {  	s0 =	sor.u32 s3, s0;
	s1 =	sshll.u32 s1, $0x11  }
0xba: {  	s0 =	sor.u32 s1, s0  }
0xbb: {  	s0 =	sadd.s32 $0x8F2B, s0  }
0xbc: {  	[sflag:s0] =	ssyncadd.remote.s32 $0x1  }
0xbd: {  	_ =	sfence.sel $0xFFFF  }
0xbe: {  	[dreg:$0x0] =	wrdreg $0xFFFFFFFF;
	(pc) =	sbr.abs _section_cstart, $3  }
0xbf: {  	[dreg:$0x1] =	wrdreg $0xFFFFFFFF  }
0xc0: {  	_ =	task.clear_ibuf [dreg:s6], $0x2FFFF;
	_ =	strace $0x9FFFFFFF  }
0xc1: {  	(tm) =	ssettm $0x7FFFFFFF  }
tec
execute0_lowered:
.L_overlay_start_1:
0x0: {  	(tag) =	ssettag $0x1  }
0x1: {  	s1 =	srdreg.scid  }
0x2: {  	s2 =	simm.s32 $0x0;
	s4 =	sand.u32 $0x1, s1;
	s1 =	rddreg [dreg:$0x0]  }
0x3: {  	s21 =	simm.s32 $0x880;
	[smem:$0x7FF] =	sst s2  }
0x4: {  	s22 =	simm.s32 $0x1080;
	_ =	strace $0x8000004A;
	[dreg:$0x5] =	wrdreg s21  }
0x5: {  	s23 =	simm.s32 $0x1880;
	[dreg:$0x6] =	wrdreg s22  }
0x6: {  	s24 =	simm.s32 $0x2080;
	[dreg:$0x7] =	wrdreg s23  }
0x7: {  	s25 =	simm.s32 $0x2880;
	[dreg:$0x8] =	wrdreg s24  }
0x8: {  	s0 =	stileid.u32;
	s26 =	simm.s32 $0x3080;
	[dreg:$0x9] =	wrdreg s25  }
0x9: {  	s3 =	sshll.u32 s0, $0x5;
	s0 =	simm.s32 $0x3880;
	[dreg:$0xa] =	wrdreg s26  }
0xa: {  	s8 =	simm.s32 $0x5880;
	[dreg:$0xb] =	wrdreg s0  }
0xb: {  	s9 =	simm.s32 $0x6080;
	[dreg:$0xf] =	wrdreg s8  }
0xc: {  	s10 =	simm.s32 $0x6880;
	[dreg:$0x10] =	wrdreg s9  }
0xd: {  	s11 =	simm.s32 $0x7080;
	[dreg:$0x11] =	wrdreg s10  }
0xe: {  	s12 =	simm.s32 $0x7880;
	[dreg:$0x12] =	wrdreg s11  }
0xf: {  	s13 =	simm.s32 $0x8080;
	s14 =	simm.s32 $0x8880;
	[dreg:$0x13] =	wrdreg s12  }
0x10: {  	s15 =	simm.s32 $0x9080;
	s16 =	simm.s32 $0x9880;
	[dreg:$0x14] =	wrdreg s13  }
0x11: {  	s17 =	simm.s32 $0xA080;
	s18 =	simm.s32 $0xA880;
	[dreg:$0x15] =	wrdreg s14  }
0x12: {  	s28 =	simm.s32 $0x17880;
	s29 =	simm.s32 $0x1;
	[dreg:$0x16] =	wrdreg s15  }
0x13: {  	s30 =	simm.s32 $0x2;
	s31 =	simm.s32 $0x3;
	[dreg:$0x17] =	wrdreg s16  }
0x14: {  	s5 =	sshll.u32 s4, $0x4;
	s7 =	sadd.s32 $0x98400, s1;
	[dreg:$0x18] =	wrdreg s17  }
0x15: {  	s4 =	ssub.s32 $0x2, s4;
	[dreg:$0x19] =	wrdreg s18;
	s21 =	simm.s32 $0xB880  }
0x16: {  	s22 =	simm.s32 $0xC880;
	s23 =	simm.s32 $0xD080;
	s24 =	simm.s32 $0xD880  }
0x17: {  	s25 =	simm.s32 $0xE080;
	s8 =	simm.s32 $0x80;
	s26 =	simm.s32 $0xE880  }
0x18: {  	s9 =	simm.s32 $0xC080;
	s11 =	simm.s32 $0xF880;
	[dreg:$0x1b] =	wrdreg s21  }
0x19: {  	s12 =	simm.s32 $0x10080;
	s13 =	simm.s32 $0x10880;
	[dreg:$0x1c] =	wrdreg s22  }
0x1a: {  	s14 =	simm.s32 $0x11080;
	s15 =	simm.s32 $0x11880;
	[dreg:$0x1d] =	wrdreg s23  }
0x1b: {  	s16 =	simm.s32 $0x12080;
	s17 =	simm.s32 $0x12880;
	[dreg:$0x1e] =	wrdreg s24  }
0x1c: {  	s18 =	simm.s32 $0x13080;
	s3 =	sor.u32 s5, s3;
	[dreg:$0x1f] =	wrdreg s25  }
0x1d: {  	s19 =	sshrl.u32 s4, $0x1;
	[smem:$0x7FD] =	sst s26;
	s21 =	simm.s32 $0x14880  }
0x1e: {  	s22 =	simm.s32 $0x15080;
	s23 =	simm.s32 $0x15880;
	s5 =	smul.u32 $0x1800, s3  }
0x1f: {  	s24 =	simm.s32 $0x16080;
	s6 =	sadd.s32 s3, s1;
	s3 =	smul.u32 $0x300, s3  }
0x20: {  	s25 =	simm.s32 $0x16880;
	s26 =	simm.s32 $0x17080;
	s6 =	sadd.s32 $0x8200, s6  }
0x21: {  	s5 =	sshrl.u32 s5, $0x3;
	[dreg:$0x2] =	wrdreg s6;
	s3 =	sadd.s32 s7, s3  }
0x22: {  	s6 =	simm.s32 $0x4880;
	s5 =	sadd.s32 s7, s5;
	[dreg:$0x3] =	wrdreg s3  }
0x23: {  	[dreg:$0xd] =	wrdreg s6;
	s7 =	simm.s32 $0x5080;
	s3 =	sadd.s32 $0x8400, s1  }
0x24: {  	s6 =	ssub.s32 s4, s19;
	s4 =	sadd.s32 $0x8500, s1;
	s19 =	simm.s32 $0x13880  }
0x25: {  	s20 =	sadd.s32 $0x1800, s5;
	s5 =	simm.s32 $0x4080;
	[dreg:$0xe] =	wrdreg s7  }
0x26: {  	v2 =	vlaneseq.u32;
	s6 =	smax.u32 s6, $0x1;
	s7 =	simm.s32 $0x5;
	[dreg:$0x4] =	wrdreg s20  }
0x27: {  	vm0 =	vmmov $0xffff;
	v1 =	vshrl.u32 v2, $0x3;
	[dreg:$0xc] =	wrdreg s5;
	s20 =	simm.s32 $0xB080;
	s5 =	sadd.s32 $0x8600, s1  }
0x28: {  	v0 =	vand.u32 $0x7, v2;
	v2 =	vor.u32 $0x8, v2;
	v1 =	vmul.u32 $0x8, v1;
	s1 =	simm.s32 $0x4;
	[dreg:$0x1a] =	wrdreg s20;
	s20 =	simm.s32 $0x14080  }
.LBB2_1:
0x29: {  	s0 =	rddreg [dreg:$0x2]  }
0x2a: {  	[tilespmem:s2], [sflag:$0x5] =	stream.linear.gather [hbm4b:s0+s2], $0x80, $0x38;
	[tilespmem:$0x18080] =	vst v63  }
0x2b: {  	_ =	swait.ge [sflag:s7], $0x80  }
0x2c: {  	[sflag:s7] =	ssyncset.done $0x0  }
0x2d: {  	[sflag:s7] =	ssyncadd.s32 $0xFFFFFF80  }
0x2e: {  	v3 =	vld [tilespmem:$0x0];
	_ =	sdelay $0x4  }
0x2f: {  	v4 =	vshrl.u32 v3, $0x3  }
0x30: {  	v4 =	vmul.u32 $0x30, v4  }
0x31: {  	v3 =	vand.u32 $0x7, v3  }
0x32: {  	v3 =	vor.u32 v3, v4  }
0x33: {  	v4 =	vperm.xlane v3, v0;
	_ =	sdelay $0x1  }
0x34: {  	v4 =	vadd.s32 v1, v4;
	_ =	sdelay $0x3  }
0x35: {  	v3 =	vperm.xlane v3, v2  }
0x36: {  	[tilespmem:s8], [sflag:$0x1] =	stream.indirect_vreg.gather [hbm4b:s3+s2], $0x80, v4, vm0, $0xb8;
	[tilespmem:$0x18080] =	vst v63  }
0x37: {  	s0 =	rddreg [dreg:$0x5];
	v3 =	vadd.s32 v1, v3  }
0x38: {  	[tilespmem:s0], [sflag:$0x1] =	stream.indirect_vreg.gather [hbm4b:s4+s2], $0x80, v4, vm0, $0xb8;
	[tilespmem:$0x18080] =	vst v63  }
0x39: {  	s10 =	rddreg [dreg:$0x6]  }
0x3a: {  	[tilespmem:s10], [sflag:$0x1] =	stream.indirect_vreg.gather [hbm4b:s5+s2], $0x80, v4, vm0, $0xb8;
	[tilespmem:$0x18080] =	vst v63  }
0x3b: {  	s0 =	rddreg [dreg:$0x7]  }
0x3c: {  	[tilespmem:s0], [sflag:$0x1] =	stream.indirect_vreg.gather [hbm4b:s3+s2], $0x80, v3, vm0, $0xb8;
	[tilespmem:$0x18080] =	vst v63  }
0x3d: {  	s10 =	rddreg [dreg:$0x8]  }
0x3e: {  	[tilespmem:s10], [sflag:$0x1] =	stream.indirect_vreg.gather [hbm4b:s4+s2], $0x80, v3, vm0, $0xb8;
	[tilespmem:$0x18080] =	vst v63  }
0x3f: {  	s0 =	rddreg [dreg:$0x9]  }
0x40: {  	[tilespmem:s0], [sflag:$0x1] =	stream.indirect_vreg.gather [hbm4b:s5+s2], $0x80, v3, vm0, $0xb8;
	[tilespmem:$0x18080] =	vst v63  }
0x41: {  	v3 =	vld [tilespmem:$0x10];
	_ =	sdelay $0x4  }
0x42: {  	v57 =	vshrl.u32 v3, $0x3  }
0x43: {  	v4 =	vmul.u32 $0x30, v57  }
0x44: {  	v3 =	vand.u32 $0x7, v3  }
0x45: {  	v3 =	vor.u32 v3, v4  }
0x46: {  	v4 =	vperm.xlane v3, v0;
	_ =	sdelay $0x1  }
0x47: {  	v4 =	vadd.s32 v1, v4;
	_ =	sdelay $0x3  }
0x48: {  	s0 =	rddreg [dreg:$0xa];
	v3 =	vperm.xlane v3, v2  }
0x49: {  	[tilespmem:s0], [sflag:$0x1] =	stream.indirect_vreg.gather [hbm4b:s3+s2], $0x80, v4, vm0, $0xb8;
	[tilespmem:$0x18080] =	vst v63  }
0x4a: {  	s10 =	rddreg [dreg:$0xb];
	v3 =	vadd.s32 v1, v3  }
0x4b: {  	[tilespmem:s10], [sflag:$0x1] =	stream.indirect_vreg.gather [hbm4b:s4+s2], $0x80, v4, vm0, $0xb8;
	[tilespmem:$0x18080] =	vst v63  }
0x4c: {  	s0 =	rddreg [dreg:$0xc]  }
0x4d: {  	[tilespmem:s0], [sflag:$0x1] =	stream.indirect_vreg.gather [hbm4b:s5+s2], $0x80, v4, vm0, $0xb8;
	[tilespmem:$0x18080] =	vst v63  }
0x4e: {  	s10 =	rddreg [dreg:$0xd]  }
0x4f: {  	[tilespmem:s10], [sflag:$0x1] =	stream.indirect_vreg.gather [hbm4b:s3+s2], $0x80, v3, vm0, $0xb8;
	[tilespmem:$0x18080] =	vst v63  }
0x50: {  	s0 =	rddreg [dreg:$0xe]  }
0x51: {  	[tilespmem:s0], [sflag:$0x1] =	stream.indirect_vreg.gather [hbm4b:s4+s2], $0x80, v3, vm0, $0xb8;
	[tilespmem:$0x18080] =	vst v63  }
0x52: {  	s10 =	rddreg [dreg:$0xf]  }
0x53: {  	[tilespmem:s10], [sflag:$0x1] =	stream.indirect_vreg.gather [hbm4b:s5+s2], $0x80, v3, vm0, $0xb8;
	[tilespmem:$0x18080] =	vst v63  }
0x54: {  	v3 =	vld [tilespmem:$0x20];
	_ =	sdelay $0x4  }
0x55: {  	v58 =	vshrl.u32 v3, $0x3  }
0x56: {  	v4 =	vmul.u32 $0x30, v58  }
0x57: {  	v3 =	vand.u32 $0x7, v3  }
0x58: {  	v3 =	vor.u32 v3, v4  }
0x59: {  	v4 =	vperm.xlane v3, v0;
	_ =	sdelay $0x1  }
0x5a: {  	v4 =	vadd.s32 v1, v4;
	_ =	sdelay $0x3  }
0x5b: {  	s0 =	rddreg [dreg:$0x10];
	v3 =	vperm.xlane v3, v2  }
0x5c: {  	[tilespmem:s0], [sflag:$0x1] =	stream.indirect_vreg.gather [hbm4b:s3+s2], $0x80, v4, vm0, $0xb8;
	[tilespmem:$0x18080] =	vst v63  }
0x5d: {  	s10 =	rddreg [dreg:$0x11];
	v3 =	vadd.s32 v1, v3  }
0x5e: {  	[tilespmem:s10], [sflag:$0x1] =	stream.indirect_vreg.gather [hbm4b:s4+s2], $0x80, v4, vm0, $0xb8;
	[tilespmem:$0x18080] =	vst v63  }
0x5f: {  	s0 =	rddreg [dreg:$0x12]  }
0x60: {  	[tilespmem:s0], [sflag:$0x1] =	stream.indirect_vreg.gather [hbm4b:s5+s2], $0x80, v4, vm0, $0xb8;
	[tilespmem:$0x18080] =	vst v63  }
0x61: {  	s10 =	rddreg [dreg:$0x13]  }
0x62: {  	[tilespmem:s10], [sflag:$0x1] =	stream.indirect_vreg.gather [hbm4b:s3+s2], $0x80, v3, vm0, $0xb8;
	[tilespmem:$0x18080] =	vst v63  }
0x63: {  	s0 =	rddreg [dreg:$0x14]  }
0x64: {  	[tilespmem:s0], [sflag:$0x1] =	stream.indirect_vreg.gather [hbm4b:s4+s2], $0x80, v3, vm0, $0xb8;
	[tilespmem:$0x18080] =	vst v63  }
0x65: {  	s10 =	rddreg [dreg:$0x15]  }
0x66: {  	[tilespmem:s10], [sflag:$0x1] =	stream.indirect_vreg.gather [hbm4b:s5+s2], $0x80, v3, vm0, $0xb8;
	[tilespmem:$0x18080] =	vst v63  }
0x67: {  	v3 =	vld [tilespmem:$0x30];
	_ =	sdelay $0x4  }
0x68: {  	v59 =	vshrl.u32 v3, $0x3  }
0x69: {  	v4 =	vmul.u32 $0x30, v59  }
0x6a: {  	v3 =	vand.u32 $0x7, v3  }
0x6b: {  	v3 =	vor.u32 v3, v4  }
0x6c: {  	v4 =	vperm.xlane v3, v0;
	_ =	sdelay $0x1  }
0x6d: {  	v4 =	vadd.s32 v1, v4;
	_ =	sdelay $0x3  }
0x6e: {  	s0 =	rddreg [dreg:$0x16];
	v3 =	vperm.xlane v3, v2  }
0x6f: {  	[tilespmem:s0], [sflag:$0x1] =	stream.indirect_vreg.gather [hbm4b:s3+s2], $0x80, v4, vm0, $0xb8;
	[tilespmem:$0x18080] =	vst v63  }
0x70: {  	s10 =	rddreg [dreg:$0x17];
	v3 =	vadd.s32 v1, v3  }
0x71: {  	[tilespmem:s10], [sflag:$0x1] =	stream.indirect_vreg.gather [hbm4b:s4+s2], $0x80, v4, vm0, $0xb8;
	[tilespmem:$0x18080] =	vst v63  }
0x72: {  	s0 =	rddreg [dreg:$0x18]  }
0x73: {  	[tilespmem:s0], [sflag:$0x1] =	stream.indirect_vreg.gather [hbm4b:s5+s2], $0x80, v4, vm0, $0xb8;
	[tilespmem:$0x18080] =	vst v63  }
0x74: {  	s10 =	rddreg [dreg:$0x19]  }
0x75: {  	[tilespmem:s10], [sflag:$0x1] =	stream.indirect_vreg.gather [hbm4b:s3+s2], $0x80, v3, vm0, $0xb8;
	[tilespmem:$0x18080] =	vst v63  }
0x76: {  	s0 =	rddreg [dreg:$0x1a]  }
0x77: {  	[tilespmem:s0], [sflag:$0x1] =	stream.indirect_vreg.gather [hbm4b:s4+s2], $0x80, v3, vm0, $0xb8;
	[tilespmem:$0x18080] =	vst v63  }
0x78: {  	s10 =	rddreg [dreg:$0x1b]  }
0x79: {  	[tilespmem:s10], [sflag:$0x1] =	stream.indirect_vreg.gather [hbm4b:s5+s2], $0x80, v3, vm0, $0xb8;
	[tilespmem:$0x18080] =	vst v63  }
0x7a: {  	v3 =	vld [tilespmem:$0x40];
	_ =	sdelay $0x4  }
0x7b: {  	v60 =	vshrl.u32 v3, $0x3  }
0x7c: {  	v4 =	vmul.u32 $0x30, v60  }
0x7d: {  	v3 =	vand.u32 $0x7, v3  }
0x7e: {  	v3 =	vor.u32 v3, v4  }
0x7f: {  	v4 =	vperm.xlane v3, v0;
	_ =	sdelay $0x1  }
0x80: {  	v4 =	vadd.s32 v1, v4;
	_ =	sdelay $0x3  }
0x81: {  	s0 =	rddreg [dreg:$0x1c];
	v3 =	vperm.xlane v3, v2  }
0x82: {  	[tilespmem:s9], [sflag:$0x2] =	stream.indirect_vreg.gather [hbm4b:s3+s2], $0x80, v4, vm0, $0xb8;
	[tilespmem:$0x18080] =	vst v63  }
0x83: {  	s10 =	rddreg [dreg:$0x1d];
	v3 =	vadd.s32 v1, v3  }
0x84: {  	[tilespmem:s0], [sflag:$0x2] =	stream.indirect_vreg.gather [hbm4b:s4+s2], $0x80, v4, vm0, $0xb8;
	[tilespmem:$0x18080] =	vst v63  }
0x85: {  	s0 =	rddreg [dreg:$0x1e]  }
0x86: {  	[tilespmem:s10], [sflag:$0x2] =	stream.indirect_vreg.gather [hbm4b:s5+s2], $0x80, v4, vm0, $0xb8;
	[tilespmem:$0x18080] =	vst v63  }
0x87: {  	s10 =	rddreg [dreg:$0x1f]  }
0x88: {  	[tilespmem:s0], [sflag:$0x2] =	stream.indirect_vreg.gather [hbm4b:s3+s2], $0x80, v3, vm0, $0xb8;
	[tilespmem:$0x18080] =	vst v63  }
0x89: {  	s0 =	sld [smem:$0x7FD]  }
0x8a: {  	[tilespmem:s10], [sflag:$0x2] =	stream.indirect_vreg.gather [hbm4b:s4+s2], $0x80, v3, vm0, $0xb8;
	[tilespmem:$0x18080] =	vst v63  }
0x8b: {  	_ = 	snop  }
0x8c: {  	[tilespmem:s0], [sflag:$0x2] =	stream.indirect_vreg.gather [hbm4b:s5+s2], $0x80, v3, vm0, $0xb8;
	[tilespmem:$0x18080] =	vst v63  }
0x8d: {  	v3 =	vld [tilespmem:$0x50];
	_ =	sdelay $0x4  }
0x8e: {  	v61 =	vshrl.u32 v3, $0x3  }
0x8f: {  	v4 =	vmul.u32 $0x30, v61  }
0x90: {  	v3 =	vand.u32 $0x7, v3  }
0x91: {  	v3 =	vor.u32 v3, v4  }
0x92: {  	v4 =	vperm.xlane v3, v0;
	_ =	sdelay $0x1  }
0x93: {  	v4 =	vadd.s32 v1, v4;
	_ =	sdelay $0x3  }
0x94: {  	s10 =	simm.s32 $0xF080;
	v3 =	vperm.xlane v3, v2  }
0x95: {  	[tilespmem:s10], [sflag:$0x2] =	stream.indirect_vreg.gather [hbm4b:s3+s2], $0x80, v4, vm0, $0xb8;
	[tilespmem:$0x18080] =	vst v63  }
0x96: {  	v3 =	vadd.s32 v1, v3  }
0x97: {  	[tilespmem:s11], [sflag:$0x2] =	stream.indirect_vreg.gather [hbm4b:s4+s2], $0x80, v4, vm0, $0xb8;
	[tilespmem:$0x18080] =	vst v63  }
0x98: {  	_ = 	snop  }
0x99: {  	[tilespmem:s12], [sflag:$0x2] =	stream.indirect_vreg.gather [hbm4b:s5+s2], $0x80, v4, vm0, $0xb8;
	[tilespmem:$0x18080] =	vst v63  }
0x9a: {  	_ = 	snop  }
0x9b: {  	[tilespmem:s13], [sflag:$0x2] =	stream.indirect_vreg.gather [hbm4b:s3+s2], $0x80, v3, vm0, $0xb8;
	[tilespmem:$0x18080] =	vst v63  }
0x9c: {  	_ = 	snop  }
0x9d: {  	[tilespmem:s14], [sflag:$0x2] =	stream.indirect_vreg.gather [hbm4b:s4+s2], $0x80, v3, vm0, $0xb8;
	[tilespmem:$0x18080] =	vst v63  }
0x9e: {  	_ = 	snop  }
0x9f: {  	[tilespmem:s15], [sflag:$0x2] =	stream.indirect_vreg.gather [hbm4b:s5+s2], $0x80, v3, vm0, $0xb8;
	[tilespmem:$0x18080] =	vst v63  }
0xa0: {  	v3 =	vld [tilespmem:$0x60];
	_ =	sdelay $0x4  }
0xa1: {  	v62 =	vshrl.u32 v3, $0x3  }
0xa2: {  	v4 =	vmul.u32 $0x30, v62  }
0xa3: {  	v3 =	vand.u32 $0x7, v3  }
0xa4: {  	v3 =	vor.u32 v3, v4  }
0xa5: {  	v4 =	vperm.xlane v3, v0;
	_ =	sdelay $0x1  }
0xa6: {  	v4 =	vadd.s32 v1, v4;
	_ =	sdelay $0x3  }
0xa7: {  	v3 =	vperm.xlane v3, v2  }
0xa8: {  	[tilespmem:s16], [sflag:$0x2] =	stream.indirect_vreg.gather [hbm4b:s3+s2], $0x80, v4, vm0, $0xb8;
	[tilespmem:$0x18080] =	vst v63  }
0xa9: {  	v3 =	vadd.s32 v1, v3  }
0xaa: {  	[tilespmem:s17], [sflag:$0x2] =	stream.indirect_vreg.gather [hbm4b:s4+s2], $0x80, v4, vm0, $0xb8;
	[tilespmem:$0x18080] =	vst v63  }
0xab: {  	_ = 	snop  }
0xac: {  	[tilespmem:s18], [sflag:$0x2] =	stream.indirect_vreg.gather [hbm4b:s5+s2], $0x80, v4, vm0, $0xb8;
	[tilespmem:$0x18080] =	vst v63  }
0xad: {  	_ = 	snop  }
0xae: {  	[tilespmem:s19], [sflag:$0x2] =	stream.indirect_vreg.gather [hbm4b:s3+s2], $0x80, v3, vm0, $0xb8;
	[tilespmem:$0x18080] =	vst v63  }
0xaf: {  	_ = 	snop  }
0xb0: {  	[tilespmem:s20], [sflag:$0x2] =	stream.indirect_vreg.gather [hbm4b:s4+s2], $0x80, v3, vm0, $0xb8;
	[tilespmem:$0x18080] =	vst v63  }
0xb1: {  	_ = 	snop  }
0xb2: {  	[tilespmem:s21], [sflag:$0x2] =	stream.indirect_vreg.gather [hbm4b:s5+s2], $0x80, v3, vm0, $0xb8;
	[tilespmem:$0x18080] =	vst v63  }
0xb3: {  	v3 =	vld [tilespmem:$0x70];
	_ =	sdelay $0x4  }
0xb4: {  	v63 =	vshrl.u32 v3, $0x3  }
0xb5: {  	v4 =	vmul.u32 $0x30, v63  }
0xb6: {  	v3 =	vand.u32 $0x7, v3  }
0xb7: {  	v3 =	vor.u32 v3, v4  }
0xb8: {  	v4 =	vperm.xlane v3, v0;
	_ =	sdelay $0x1  }
0xb9: {  	v4 =	vadd.s32 v1, v4;
	_ =	sdelay $0x3  }
0xba: {  	v3 =	vperm.xlane v3, v2  }
0xbb: {  	[tilespmem:s22], [sflag:$0x2] =	stream.indirect_vreg.gather [hbm4b:s3+s2], $0x80, v4, vm0, $0xb8;
	[tilespmem:$0x18080] =	vst v63  }
0xbc: {  	v3 =	vadd.s32 v1, v3  }
0xbd: {  	[tilespmem:s23], [sflag:$0x2] =	stream.indirect_vreg.gather [hbm4b:s4+s2], $0x80, v4, vm0, $0xb8;
	[tilespmem:$0x18080] =	vst v63  }
0xbe: {  	_ = 	snop  }
0xbf: {  	[tilespmem:s24], [sflag:$0x2] =	stream.indirect_vreg.gather [hbm4b:s5+s2], $0x80, v4, vm0, $0xb8;
	[tilespmem:$0x18080] =	vst v63  }
0xc0: {  	_ = 	snop  }
0xc1: {  	[tilespmem:s25], [sflag:$0x2] =	stream.indirect_vreg.gather [hbm4b:s3+s2], $0x80, v3, vm0, $0xb8;
	[tilespmem:$0x18080] =	vst v63  }
0xc2: {  	_ = 	snop  }
0xc3: {  	[tilespmem:s26], [sflag:$0x2] =	stream.indirect_vreg.gather [hbm4b:s4+s2], $0x80, v3, vm0, $0xb8;
	[tilespmem:$0x18080] =	vst v63  }
0xc4: {  	_ = 	snop  }
0xc5: {  	[tilespmem:s28], [sflag:$0x2] =	stream.indirect_vreg.gather [hbm4b:s5+s2], $0x80, v3, vm0, $0xb8;
	[tilespmem:$0x18080] =	vst v63  }
0xc6: {  	_ =	swait.ge [sflag:s29], $0xC000  }
0xc7: {  	[sflag:s29] =	ssyncset.done $0x0  }
0xc8: {  	s10 =	rddreg [dreg:$0x3];
	[sflag:s29] =	ssyncadd.s32 $0xFFFF4000  }
0xc9: {  	[hbm4b:s10+s2] =	stream.linear.scatter [tilespmem:s8], [sflag:$0x3], $0xC000, $0x38;
	[tilespmem:$0x18080] =	vst v63  }
0xca: {  	_ =	swait.ge [sflag:s30], $0xC000  }
0xcb: {  	[sflag:s30] =	ssyncset.done $0x0  }
0xcc: {  	s10 =	rddreg [dreg:$0x4];
	[sflag:s30] =	ssyncadd.s32 $0xFFFF4000  }
0xcd: {  	[hbm4b:s10+s2] =	stream.linear.scatter [tilespmem:s9], [sflag:$0x4], $0xC000, $0x38;
	[tilespmem:$0x18080] =	vst v63  }
0xce: {  	p0 =	sne.s32 s6, $0x1;
	_ =	swait.ge [sflag:s31], $0xC000  }
.Ltmp0:
0xcf: {  	[sflag:s31] =	ssyncset.done $0x0;
	(pc) =	sbr.rel @p0 .LBB2_1-.Ltmp0, $4  }
0xd0: {  	[sflag:s31] =	ssyncadd.s32 $0xFFFF4000  }
0xd1: {  	_ =	swait.ge [sflag:s1], $0xC000  }
0xd2: {  	[sflag:s1] =	ssyncset.done $0x0  }
0xd3: {  	s6 =	sadd.s32 $0xFFFFFFFF, s6;
	[sflag:s1] =	ssyncadd.s32 $0xFFFF4000  }
0xd4: {  	_ =	sfence.sel $0x180000  }
0xd5: {  	[bflag:$0x0] =	sbarrier.arrive $0xFFFF  }
0xd6: {  	_ =	strace $0x9000004A  }
0xd7: {  	s0 =	stileid.u32;
	[bflag:$0x2] =	sbarrier.arrive $0xFFFF  }
0xd8: {  	p0 =	sne.s32 s0, $0x0;
	s0 =	rddreg [dreg:$0x1]  }
0xd9: {  	s0 =	sadd.s32 @!p0 $0x100000, s0  }
0xda: {  	[sflag:s0] =	ssyncadd.tile.s32 @!p0 $0x1;
	_ =	shalt  }
.Lfunc_end2:
_tile_overlayer_lowered:
.L_overlay_start_2:
0xdb: {  	(tag) =	ssettag $0x2  }
0xdc: {  	s0 =	rddreg [dreg:$0x0];
	s2 =	stileid.u32  }
0xdd: {  	s1 =	rddreg [dreg:$0x1];
	p0 =	sne.s32 s2, $0x0  }
0xde: {  	s3 =	rddreg [dreg:$0x2];
	[bflag:$0x3] =	sbarrier.arrive $0xFFFF;
	s2 =	simm.s32 @!p0 $0x1C05  }
0xdf: {  	[timem:s3], [sflag:s2] =	dma.local @!p0 [hbm:s0], s1  }
0xe0: {  	s0 =	simm.s32 @!p0 $0x5  }
0xe1: {  	_ =	swait.ge @!p0 [sflag:s0], s1  }
0xe2: {  	s1 =	ssub.s32 @!p0 $0x0, s1;
	[sflag:s0] =	ssyncset.done @!p0 $0x0  }
0xe3: {  	[sflag:s0] =	ssyncadd.s32 @!p0 s1  }
0xe4: {  	[bflag:$0x3] =	sbarrier.arrive $0xFFFF  }
0xe5: {  	_ =	shalt  }

</sc_bundles>
